<compile_context>
chip_gen: v7x
topology: tpu7x:2x2x1
jax: 0.10.2.dev20260603
libtpu: 0.0.44.dev20260713+nightly
codegen_flags: <defaults>
</compile_context>

<pallas_src>
import functools

import jax
import jax.numpy as jnp
from jax import lax
from jax.experimental import pallas as pl
from jax.experimental.pallas import tpu as pltpu
from jax.experimental.pallas import tpu_sc as plsc

N_NODES = 10000
D = 128
E = 320000
NC = 2
NS = 16
NW = NC * NS
EPT = E // NW
K = 80
NCH = EPT // K
NSTG = 5
NCH_S = NCH // NSTG
ROWS_CO = 640
NCO_MAIN = ROWS_CO // K
NCO_LAST = (N_NODES - 15 * ROWS_CO) // K


def _make_sc_agg(compute_deg):
    mesh = plsc.VectorSubcoreMesh(core_axis_name="c", subcore_axis_name="s")
    nbuf = 2 if compute_deg else 3
    out_type = [jax.ShapeDtypeStruct((NC, N_NODES, D), jnp.float32)]
    if compute_deg:
        out_type.append(jax.ShapeDtypeStruct((NW, N_NODES), jnp.float32))
    scratch = [
        pltpu.VMEM((2, NCH_S, K), jnp.int32),
        pltpu.VMEM((2, NCH_S, K), jnp.int32),
        pltpu.VMEM((nbuf, K, D), jnp.float32),
        pltpu.VMEM_SHARED((N_NODES, D), jnp.float32),
        pltpu.SemaphoreType.DMA((nbuf,)),
        pltpu.SemaphoreType.DMA((2,)),
        pltpu.SemaphoreType.DMA((nbuf,)),
    ]
    if compute_deg:
        scratch.append(pltpu.VMEM((N_NODES,), jnp.float32))
        scratch.append(pltpu.VMEM((NCH_S * K,), jnp.int32))

    @functools.partial(pl.kernel, mesh=mesh, out_type=out_type,
                       scratch_types=scratch,
                       compiler_params=pltpu.CompilerParams(needs_layout_passes=False))
    def body(x_hbm, ei_hbm, *rest):
        dflat = None
        if compute_deg:
            (eif_hbm, z_hbm, zd_hbm, aggp_hbm, degp_hbm, src_v, dst_v, rows_v,
             agg_sh, gsem, isem, ssem, deg_v, dflat) = rest
        else:
            z_hbm, aggp_hbm, src_v, dst_v, rows_v, agg_sh, gsem, isem, ssem = rest
        src_hbm = ei_hbm.at[0]
        dst_hbm = ei_hbm.at[1]
        c = lax.axis_index("c")
        s = lax.axis_index("s")
        wid = c * NS + s
        co_base = s * ROWS_CO
        nco = jnp.where(s == NS - 1, NCO_LAST, NCO_MAIN)

        pltpu.sync_copy(z_hbm, rows_v.at[1])

        def zi(i, carry):
            pltpu.async_copy(rows_v.at[1],
                             agg_sh.at[pl.ds(co_base + i * K, K)], ssem.at[0])
            return carry

        lax.fori_loop(0, nco, zi, 0)

        pltpu.sync_copy(src_hbm.at[wid, 0], src_v.at[0])
        pltpu.sync_copy(dst_hbm.at[wid, 0], dst_v.at[0])
        pltpu.async_copy(x_hbm.at[src_v.at[0, 0]], rows_v.at[0], gsem.at[0])
        if compute_deg:
            pltpu.sync_copy(zd_hbm, deg_v)

        def zdrain(i, carry):
            pltpu.make_async_copy(rows_v.at[1], agg_sh.at[pl.ds(co_base, K)],
                                  ssem.at[0]).wait()
            return carry

        lax.fori_loop(0, nco, zdrain, 0)

        plsc.subcore_barrier()

        ones = jnp.ones((16,), jnp.float32)

        def stage_body(st, carry):
            p = lax.rem(st, 2)

            @pl.when(st > 0)
            def _():
                for q in range(1, nbuf):
                    bq = lax.rem(st - q + 2 * nbuf, nbuf)
                    pltpu.make_async_copy(rows_v.at[bq],
                                          agg_sh.at[dst_v.at[p, 0]],
                                          ssem.at[bq]).wait()
                pltpu.make_async_copy(src_hbm.at[wid, 0], src_v.at[p],
                                      isem.at[0]).wait()
                pltpu.make_async_copy(dst_hbm.at[wid, 0], dst_v.at[p],
                                      isem.at[1]).wait()

            @pl.when(st + 1 < NSTG)
            def _():
                pltpu.async_copy(src_hbm.at[wid, st + 1], src_v.at[1 - p],
                                 isem.at[0])
                pltpu.async_copy(dst_hbm.at[wid, st + 1], dst_v.at[1 - p],
                                 isem.at[1])

            if compute_deg:
                pltpu.sync_copy(eif_hbm.at[1, wid, st], dflat)

            bh = lax.rem(st, nbuf)

            @pl.when(st > 0)
            def _():
                pltpu.async_copy(x_hbm.at[src_v.at[p, 0]], rows_v.at[bh],
                                 gsem.at[bh])

            def chunk_body(jj, carry2):
                b = lax.rem(st + jj, nbuf)
                b1 = lax.rem(st + jj + 1, nbuf)

                @pl.when(jj >= nbuf - 1)
                def _():
                    pltpu.make_async_copy(rows_v.at[b1],
                                          agg_sh.at[dst_v.at[p, jj]],
                                          ssem.at[b1]).wait()

                @pl.when(jj + 1 < NCH_S)
                def _():
                    pltpu.async_copy(x_hbm.at[src_v.at[p, jj + 1]],
                                     rows_v.at[b1], gsem.at[b1])

                if compute_deg:
                    base = jj * K
                    for l in range(K // 16):
                        idx = dflat[pl.ds(base + l * 16, 16)]
                        plsc.addupdate_scatter(deg_v, [idx], ones)

                pltpu.make_async_copy(x_hbm.at[src_v.at[p, jj]], rows_v.at[b],
                                      gsem.at[b]).wait()
                pltpu.async_copy(rows_v.at[b], agg_sh.at[dst_v.at[p, jj]],
                                 ssem.at[b], add=True)
                return carry2

            lax.fori_loop(0, NCH_S, chunk_body, 0)
            return carry

        lax.fori_loop(0, NSTG, stage_body, 0)

        for q in range(nbuf - 1):
            bq = (NSTG - 1 + NCH_S - 1 - q) % nbuf
            pltpu.make_async_copy(rows_v.at[bq], agg_sh.at[dst_v.at[0, 0]],
                                  ssem.at[bq]).wait()

        plsc.subcore_barrier()

        if compute_deg:
            pltpu.sync_copy(deg_v, degp_hbm.at[wid])

        def co(i, carry):
            b = lax.rem(i, 2)

            @pl.when(i >= 2)
            def _():
                pltpu.make_async_copy(rows_v.at[b],
                                      aggp_hbm.at[c, pl.ds(co_base, K)],
                                      gsem.at[b]).wait()

            pltpu.sync_copy(agg_sh.at[pl.ds(co_base + i * K, K)], rows_v.at[b])
            pltpu.async_copy(rows_v.at[b], aggp_hbm.at[c, pl.ds(co_base + i * K, K)],
                             gsem.at[b])
            return carry

        lax.fori_loop(0, nco, co, 0)
        for b in range(2):
            pltpu.make_async_copy(rows_v.at[b], aggp_hbm.at[c, pl.ds(co_base, K)],
                                  gsem.at[b]).wait()

    return body


_sc_agg_deg = _make_sc_agg(True)
_sc_agg = _make_sc_agg(False)

BLK = 2000


def _tc_layer_body(relu, aggp_ref, degp_ref, x_ref, wl_ref, wr_ref, b_ref, o_ref):
    a = aggp_ref[0] + aggp_ref[1]
    deg = jnp.sum(degp_ref[...], axis=1)
    rdeg = 1.0 / jnp.maximum(deg, 1.0)
    mean = a * rdeg[:, None]
    acc = jnp.dot(mean, wl_ref[...], preferred_element_type=jnp.float32)
    acc = acc + jnp.dot(x_ref[...], wr_ref[...], preferred_element_type=jnp.float32)
    acc = acc + b_ref[...]
    if relu:
        acc = jnp.maximum(acc, 0.0)
    o_ref[...] = acc


def _tc_layer(aggp, degp, xin, Wl, b, Wr, relu):
    return pl.pallas_call(
        functools.partial(_tc_layer_body, relu),
        grid=(N_NODES // BLK,),
        in_specs=[
            pl.BlockSpec((NC, BLK, D), lambda i: (0, i, 0)),
            pl.BlockSpec((BLK, NW), lambda i: (i, 0)),
            pl.BlockSpec((BLK, D), lambda i: (i, 0)),
            pl.BlockSpec((D, D), lambda i: (0, 0)),
            pl.BlockSpec((D, D), lambda i: (0, 0)),
            pl.BlockSpec((1, D), lambda i: (0, 0)),
        ],
        out_specs=pl.BlockSpec((BLK, D), lambda i: (i, 0)),
        out_shape=jax.ShapeDtypeStruct((N_NODES, D), jnp.float32),
    )(aggp, degp, xin, Wl, Wr, b.reshape(1, D))


def kernel(x, edge_index, W0l, b0, W0r, W1l, b1, W1r):
    ei32 = edge_index.astype(jnp.int32)
    ei = ei32.reshape(2, NW, NSTG, NCH_S, K)
    eif = ei32.reshape(2, NW, NSTG, NCH_S * K)
    z = jnp.zeros((K, D), jnp.float32)
    zd = jnp.zeros((N_NODES,), jnp.float32)

    aggp1, degp = _sc_agg_deg(x, ei, eif, z, zd)
    degp = degp.T
    h = _tc_layer(aggp1, degp, x, W0l, b0, W0r, relu=True)
    aggp2 = _sc_agg(h, ei, z)
    if isinstance(aggp2, (list, tuple)):
        aggp2 = aggp2[0]
    out = _tc_layer(aggp2, degp, h, W1l, b1, W1r, relu=False)
    return out

# --- scband reference (transcript-rebuilt; emitter-appended) ---
"""Pipeline reference for scband-graph-sage-50319836840200 (READ-ONLY COPY).

The authoritative reference and input builder live on the scoring server;
editing this copy changes nothing except your own understanding.
"""

import jax, jax.numpy as jnp
import numpy as np

N_NODES = 10000
N_EDGES = 320000
D_IN = 128
D_HID = 128
D_OUT = 128


def setup_inputs(seed: int = 0) -> dict:
    key = jax.random.key(seed)
    ks = jax.random.split(key, 8)
    x = jax.random.normal(ks[0], (N_NODES, D_IN), dtype=jnp.float32)
    edge_index = jax.random.randint(ks[1], (2, N_EDGES), 0, N_NODES, dtype=jnp.int64)
    s0 = 1.0 / np.sqrt(D_IN)
    s1 = 1.0 / np.sqrt(D_HID)
    W0l = jax.random.uniform(ks[2], (D_IN, D_HID), dtype=jnp.float32, minval=-s0, maxval=s0)
    b0 = jnp.zeros((D_HID,), dtype=jnp.float32)
    W0r = jax.random.uniform(ks[3], (D_IN, D_HID), dtype=jnp.float32, minval=-s0, maxval=s0)
    W1l = jax.random.uniform(ks[4], (D_HID, D_OUT), dtype=jnp.float32, minval=-s1, maxval=s1)
    b1 = jnp.zeros((D_OUT,), dtype=jnp.float32)
    W1r = jax.random.uniform(ks[5], (D_HID, D_OUT), dtype=jnp.float32, minval=-s1, maxval=s1)
    return {"x": x, "edge_index": edge_index, "W0l": W0l, "b0": b0, "W0r": W0r, "W1l": W1l, "b1": b1, "W1r": W1r}


def _sage_conv(x, edge_index, Wl, b, Wr):
    # PyG SAGEConv with mean aggregation:
    # out = lin_l(mean_{j in N(i)} x_j) + lin_r(x_i)
    src = edge_index[0]
    dst = edge_index[1]
    msg = jnp.take(x, src, axis=0)                                   # gather
    agg = jax.ops.segment_sum(msg, dst, num_segments=x.shape[0])     # scatter-add
    deg = jax.ops.segment_sum(jnp.ones((edge_index.shape[1],), dtype=x.dtype), dst, num_segments=x.shape[0])
    mean = agg / jnp.clip(deg, 1.0, None)[:, None]
    return mean @ Wl + b + x @ Wr


def reference(x, edge_index, W0l, b0, W0r, W1l, b1, W1r):
    h = _sage_conv(x, edge_index, W0l, b0, W0r)
    h = jax.nn.relu(h)
    # dropout p=0.0 -> identity (eval-equivalent)
    out = _sage_conv(h, edge_index, W1l, b1, W1r)
    return out

if __name__ == "__main__":
    import jax
    _d = setup_inputs()
    print(jax.jit(kernel)(*tuple(_d.values())))

</pallas_src>

<mosaic_0001>
#map = affine_map<(d0, d1) -> (0, 0)>
#map1 = affine_map<(d0, d1) -> (0, 0, 0, 0, 0)>
#map2 = affine_map<(d0, d1) -> (0, 0, 0, 0)>
#map3 = affine_map<(d0, d1) -> (0)>
#map4 = affine_map<(d0, d1) -> (0, 0, 0)>
module attributes {stable_mosaic.version = 14 : i64} {
  func.func @body(%arg0: i32, %arg1: i32, %arg2: memref<10000x128xf32, #tpu.memory_space<hbm>>, %arg3: memref<2x32x5x25x80xi32, #tpu.memory_space<hbm>>, %arg4: memref<2x32x5x2000xi32, #tpu.memory_space<hbm>>, %arg5: memref<80x128xf32, #tpu.memory_space<hbm>>, %arg6: memref<10000xf32, #tpu.memory_space<hbm>>, %arg7: memref<2x10000x128xf32, #tpu.memory_space<hbm>>, %arg8: memref<32x10000xf32, #tpu.memory_space<hbm>>, %arg9: memref<2x25x80xi32, #tpu.memory_space<vmem>>, %arg10: memref<2x25x80xi32, #tpu.memory_space<vmem>>, %arg11: memref<2x80x128xf32, #tpu.memory_space<vmem>>, %arg12: memref<10000x128xf32, #tpu.memory_space<vmem_shared>>, %arg13: memref<2x!tpu.dma_semaphore, #tpu.memory_space<semaphore_mem>>, %arg14: memref<2x!tpu.dma_semaphore, #tpu.memory_space<semaphore_mem>>, %arg15: memref<2x!tpu.dma_semaphore, #tpu.memory_space<semaphore_mem>>, %arg16: memref<10000xf32, #tpu.memory_space<vmem>>, %arg17: memref<2000xi32, #tpu.memory_space<vmem>>) attributes {dimension_semantics = [#tpu.dimension_semantics<core_parallel>, #tpu.dimension_semantics<subcore_parallel>], iteration_bounds = array<i64: 2, 16>, scalar_prefetch = 0 : i64, scratch_operands = 9 : i64, tpu.core_type = #tpu.core_type<sc_vector_subcore>, window_params = [{transform_indices = #map}, {transform_indices = #map1}, {transform_indices = #map2}, {transform_indices = #map}, {transform_indices = #map3}, {transform_indices = #map4}, {transform_indices = #map}]} {
    %mul3A = arith.constant 16 : i32
    %mul3A_0 = arith.muli %arg0, %mul3A : i32
    %add3A = arith.addi %mul3A_0, %arg1 : i32
    %mul3A_1 = arith.constant 640 : i32
    %mul3A_2 = arith.muli %arg1, %mul3A_1 : i32
    %eq3A = arith.constant 15 : i32
    %eq3A_3 = arith.cmpi eq, %arg1, %eq3A : i32
    %jit3A = arith.constant 5 : i32
    %jit3A_4 = arith.constant 8 : i32
    %select_n3A = arith.select %eq3A_3, %jit3A, %jit3A_4 : i32
    %run_scoped3A = arith.constant 1 : i32
    "tpu.region"() ({
      %run_scoped3A_115 = tpu.sem_alloc : memref<!tpu.dma_semaphore, #tpu.memory_space<semaphore_mem>>
      %dma_start3A_116 = arith.constant 0 : i32
      %dma_start3A_117 = arith.constant 0 : i32
      %dma_start3A_118 = tpu.memref_slice %arg11[%run_scoped3A, %dma_start3A_116, %dma_start3A_117] : memref<2x80x128xf32, #tpu.memory_space<vmem>> -> memref<1x80x128xf32, #tpu.memory_space<vmem>>
      %dma_start3A_119 = tpu.memref_squeeze %dma_start3A_118 : memref<1x80x128xf32, #tpu.memory_space<vmem>> -> memref<80x128xf32, #tpu.memory_space<vmem>>
      %dma_start3A_120 = arith.constant 0 : i32
      %dma_start3A_121 = arith.constant 0 : i32
      %dma_start3A_122 = tpu.memref_slice %arg11[%run_scoped3A, %dma_start3A_120, %dma_start3A_121] : memref<2x80x128xf32, #tpu.memory_space<vmem>> -> memref<1x80x128xf32, #tpu.memory_space<vmem>>
      %dma_start3A_123 = tpu.memref_squeeze %dma_start3A_122 : memref<1x80x128xf32, #tpu.memory_space<vmem>> -> memref<80x128xf32, #tpu.memory_space<vmem>>
      tpu.enqueue_dma source(%arg5 : memref<80x128xf32, #tpu.memory_space<hbm>>) target(%dma_start3A_123 : memref<80x128xf32, #tpu.memory_space<vmem>>) target_semaphore(%run_scoped3A_115 : memref<!tpu.dma_semaphore, #tpu.memory_space<semaphore_mem>>)
      %dma_wait3A_124 = arith.constant 0 : i32
      %dma_wait3A_125 = arith.constant 0 : i32
      %dma_wait3A_126 = tpu.memref_slice %arg11[%run_scoped3A, %dma_wait3A_124, %dma_wait3A_125] : memref<2x80x128xf32, #tpu.memory_space<vmem>> -> memref<1x80x128xf32, #tpu.memory_space<vmem>>
      %dma_wait3A_127 = tpu.memref_squeeze %dma_wait3A_126 : memref<1x80x128xf32, #tpu.memory_space<vmem>> -> memref<80x128xf32, #tpu.memory_space<vmem>>
      %dma_wait3A_128 = arith.constant 0 : i32
      %dma_wait3A_129 = arith.constant 0 : i32
      %dma_wait3A_130 = tpu.memref_slice %arg11[%run_scoped3A, %dma_wait3A_128, %dma_wait3A_129] : memref<2x80x128xf32, #tpu.memory_space<vmem>> -> memref<1x80x128xf32, #tpu.memory_space<vmem>>
      %dma_wait3A_131 = tpu.memref_squeeze %dma_wait3A_130 : memref<1x80x128xf32, #tpu.memory_space<vmem>> -> memref<80x128xf32, #tpu.memory_space<vmem>>
      tpu.wait_dma2 semaphore(%run_scoped3A_115 : memref<!tpu.dma_semaphore, #tpu.memory_space<semaphore_mem>>) src(%arg5 : memref<80x128xf32, #tpu.memory_space<hbm>>) dst(%dma_wait3A_131 : memref<80x128xf32, #tpu.memory_space<vmem>>)
      tpu.yield
    }) : () -> ()
    %while3A = arith.constant 0 : i32
    %while3A_5 = arith.constant 0 : i32
    %while3A_6 = arith.subi %select_n3A, %while3A_5 : i32
    %while3A_7 = arith.addi %while3A_5, %while3A_6 : i32
    %while3A_8 = arith.constant 1 : i32
    %while3A_9 = arith.divsi %while3A_6, %while3A_8 : i32
    %while3A_10 = arith.muli %while3A_9, %while3A_8 : i32
    %while3A_11 = arith.addi %while3A_5, %while3A_10 : i32
    %while3A_12 = arith.constant 1 : i32
    scf.for %while3A_115 = %while3A_5 to %while3A_11 step %while3A_12  : i32 {
      %mul3A_116 = arith.constant 80 : i32
      %mul3A_117 = arith.muli %while3A_115, %mul3A_116 : i32
      %add3A_118 = arith.addi %mul3A_2, %mul3A_117 : i32
      %dma_start3A_119 = arith.constant 1 : i32
      %dma_start3A_120 = arith.constant 0 : i32
      %dma_start3A_121 = arith.constant 0 : i32
      %dma_start3A_122 = arith.constant 0 : i32
      %dma_start3A_123 = tpu.memref_slice %arg11[%dma_start3A_119, %dma_start3A_121, %dma_start3A_122] : memref<2x80x128xf32, #tpu.memory_space<vmem>> -> memref<1x80x128xf32, #tpu.memory_space<vmem>>
      %dma_start3A_124 = tpu.memref_squeeze %dma_start3A_123 : memref<1x80x128xf32, #tpu.memory_space<vmem>> -> memref<80x128xf32, #tpu.memory_space<vmem>>
      %dma_start3A_125 = arith.constant 0 : i32
      %dma_start3A_126 = tpu.memref_slice %arg12[%add3A_118, %dma_start3A_125] : memref<10000x128xf32, #tpu.memory_space<vmem_shared>> -> memref<80x128xf32, #tpu.memory_space<vmem_shared>>
      %dma_start3A_127 = tpu.memref_slice %arg15[%dma_start3A_120] : memref<2x!tpu.dma_semaphore, #tpu.memory_space<semaphore_mem>> -> memref<1x!tpu.dma_semaphore, #tpu.memory_space<semaphore_mem>>
      %dma_start3A_128 = tpu.memref_squeeze %dma_start3A_127 : memref<1x!tpu.dma_semaphore, #tpu.memory_space<semaphore_mem>> -> memref<!tpu.dma_semaphore, #tpu.memory_space<semaphore_mem>>
      %dma_start3A_129 = arith.constant 0 : i32
      %dma_start3A_130 = tpu.memref_slice %arg12[%add3A_118, %dma_start3A_129] : memref<10000x128xf32, #tpu.memory_space<vmem_shared>> -> memref<80x128xf32, #tpu.memory_space<vmem_shared>>
      %dma_start3A_131 = arith.constant 0 : i32
      %dma_start3A_132 = arith.constant 0 : i32
      %dma_start3A_133 = tpu.memref_slice %arg11[%dma_start3A_119, %dma_start3A_131, %dma_start3A_132] : memref<2x80x128xf32, #tpu.memory_space<vmem>> -> memref<1x80x128xf32, #tpu.memory_space<vmem>>
      %dma_start3A_134 = tpu.memref_squeeze %dma_start3A_133 : memref<1x80x128xf32, #tpu.memory_space<vmem>> -> memref<80x128xf32, #tpu.memory_space<vmem>>
      tpu.enqueue_dma source(%dma_start3A_134 : memref<80x128xf32, #tpu.memory_space<vmem>>) target(%dma_start3A_130 : memref<80x128xf32, #tpu.memory_space<vmem_shared>>) target_semaphore(%dma_start3A_128 : memref<!tpu.dma_semaphore, #tpu.memory_space<semaphore_mem>>)
    }
    %while3A_13 = arith.constant 1 : i32
    scf.for %while3A_115 = %while3A_11 to %while3A_7 step %while3A_13  : i32 {
      %mul3A_116 = arith.constant 80 : i32
      %mul3A_117 = arith.muli %while3A_115, %mul3A_116 : i32
      %add3A_118 = arith.addi %mul3A_2, %mul3A_117 : i32
      %dma_start3A_119 = arith.constant 1 : i32
      %dma_start3A_120 = arith.constant 0 : i32
      %dma_start3A_121 = arith.constant 0 : i32
      %dma_start3A_122 = arith.constant 0 : i32
      %dma_start3A_123 = tpu.memref_slice %arg11[%dma_start3A_119, %dma_start3A_121, %dma_start3A_122] : memref<2x80x128xf32, #tpu.memory_space<vmem>> -> memref<1x80x128xf32, #tpu.memory_space<vmem>>
      %dma_start3A_124 = tpu.memref_squeeze %dma_start3A_123 : memref<1x80x128xf32, #tpu.memory_space<vmem>> -> memref<80x128xf32, #tpu.memory_space<vmem>>
      %dma_start3A_125 = arith.constant 0 : i32
      %dma_start3A_126 = tpu.memref_slice %arg12[%add3A_118, %dma_start3A_125] : memref<10000x128xf32, #tpu.memory_space<vmem_shared>> -> memref<80x128xf32, #tpu.memory_space<vmem_shared>>
      %dma_start3A_127 = tpu.memref_slice %arg15[%dma_start3A_120] : memref<2x!tpu.dma_semaphore, #tpu.memory_space<semaphore_mem>> -> memref<1x!tpu.dma_semaphore, #tpu.memory_space<semaphore_mem>>
      %dma_start3A_128 = tpu.memref_squeeze %dma_start3A_127 : memref<1x!tpu.dma_semaphore, #tpu.memory_space<semaphore_mem>> -> memref<!tpu.dma_semaphore, #tpu.memory_space<semaphore_mem>>
      %dma_start3A_129 = arith.constant 0 : i32
      %dma_start3A_130 = tpu.memref_slice %arg12[%add3A_118, %dma_start3A_129] : memref<10000x128xf32, #tpu.memory_space<vmem_shared>> -> memref<80x128xf32, #tpu.memory_space<vmem_shared>>
      %dma_start3A_131 = arith.constant 0 : i32
      %dma_start3A_132 = arith.constant 0 : i32
      %dma_start3A_133 = tpu.memref_slice %arg11[%dma_start3A_119, %dma_start3A_131, %dma_start3A_132] : memref<2x80x128xf32, #tpu.memory_space<vmem>> -> memref<1x80x128xf32, #tpu.memory_space<vmem>>
      %dma_start3A_134 = tpu.memref_squeeze %dma_start3A_133 : memref<1x80x128xf32, #tpu.memory_space<vmem>> -> memref<80x128xf32, #tpu.memory_space<vmem>>
      tpu.enqueue_dma source(%dma_start3A_134 : memref<80x128xf32, #tpu.memory_space<vmem>>) target(%dma_start3A_130 : memref<80x128xf32, #tpu.memory_space<vmem_shared>>) target_semaphore(%dma_start3A_128 : memref<!tpu.dma_semaphore, #tpu.memory_space<semaphore_mem>>)
    }
    %run_scoped3A_14 = arith.constant 0 : i32
    %run_scoped3A_15 = arith.constant 0 : i32
    %run_scoped3A_16 = arith.constant 0 : i32
    "tpu.region"() ({
      %run_scoped3A_115 = tpu.sem_alloc : memref<!tpu.dma_semaphore, #tpu.memory_space<semaphore_mem>>
      %dma_start3A_116 = arith.constant 0 : i32
      %dma_start3A_117 = arith.constant 0 : i32
      %dma_start3A_118 = tpu.memref_slice %arg9[%run_scoped3A_16, %dma_start3A_116, %dma_start3A_117] : memref<2x25x80xi32, #tpu.memory_space<vmem>> -> memref<1x25x80xi32, #tpu.memory_space<vmem>>
      %dma_start3A_119 = tpu.memref_squeeze %dma_start3A_118 : memref<1x25x80xi32, #tpu.memory_space<vmem>> -> memref<25x80xi32, #tpu.memory_space<vmem>>
      %dma_start3A_120 = arith.constant 0 : i32
      %dma_start3A_121 = arith.constant 0 : i32
      %dma_start3A_122 = arith.constant 0 : i32
      %dma_start3A_123 = arith.constant 0 : i32
      %dma_start3A_124 = tpu.memref_slice %arg3[%run_scoped3A_14, %dma_start3A_120, %dma_start3A_121, %dma_start3A_122, %dma_start3A_123] : memref<2x32x5x25x80xi32, #tpu.memory_space<hbm>> -> memref<1x32x5x25x80xi32, #tpu.memory_space<hbm>>
      %dma_start3A_125 = tpu.memref_squeeze %dma_start3A_124 : memref<1x32x5x25x80xi32, #tpu.memory_space<hbm>> -> memref<32x5x25x80xi32, #tpu.memory_space<hbm>>
      %dma_start3A_126 = arith.constant 0 : i32
      %dma_start3A_127 = arith.constant 0 : i32
      %dma_start3A_128 = tpu.memref_slice %dma_start3A_125[%add3A, %run_scoped3A_15, %dma_start3A_126, %dma_start3A_127] : memref<32x5x25x80xi32, #tpu.memory_space<hbm>> -> memref<1x1x25x80xi32, #tpu.memory_space<hbm>>
      %dma_start3A_129 = tpu.memref_squeeze %dma_start3A_128 : memref<1x1x25x80xi32, #tpu.memory_space<hbm>> -> memref<25x80xi32, #tpu.memory_space<hbm>>
      %dma_start3A_130 = arith.constant 0 : i32
      %dma_start3A_131 = arith.constant 0 : i32
      %dma_start3A_132 = tpu.memref_slice %arg9[%run_scoped3A_16, %dma_start3A_130, %dma_start3A_131] : memref<2x25x80xi32, #tpu.memory_space<vmem>> -> memref<1x25x80xi32, #tpu.memory_space<vmem>>
      %dma_start3A_133 = tpu.memref_squeeze %dma_start3A_132 : memref<1x25x80xi32, #tpu.memory_space<vmem>> -> memref<25x80xi32, #tpu.memory_space<vmem>>
      %dma_start3A_134 = arith.constant 0 : i32
      %dma_start3A_135 = arith.constant 0 : i32
      %dma_start3A_136 = arith.constant 0 : i32
      %dma_start3A_137 = arith.constant 0 : i32
      %dma_start3A_138 = tpu.memref_slice %arg3[%run_scoped3A_14, %dma_start3A_134, %dma_start3A_135, %dma_start3A_136, %dma_start3A_137] : memref<2x32x5x25x80xi32, #tpu.memory_space<hbm>> -> memref<1x32x5x25x80xi32, #tpu.memory_space<hbm>>
      %dma_start3A_139 = tpu.memref_squeeze %dma_start3A_138 : memref<1x32x5x25x80xi32, #tpu.memory_space<hbm>> -> memref<32x5x25x80xi32, #tpu.memory_space<hbm>>
      %dma_start3A_140 = arith.constant 0 : i32
      %dma_start3A_141 = arith.constant 0 : i32
      %dma_start3A_142 = tpu.memref_slice %dma_start3A_139[%add3A, %run_scoped3A_15, %dma_start3A_140, %dma_start3A_141] : memref<32x5x25x80xi32, #tpu.memory_space<hbm>> -> memref<1x1x25x80xi32, #tpu.memory_space<hbm>>
      %dma_start3A_143 = tpu.memref_squeeze %dma_start3A_142 : memref<1x1x25x80xi32, #tpu.memory_space<hbm>> -> memref<25x80xi32, #tpu.memory_space<hbm>>
      tpu.enqueue_dma source(%dma_start3A_143 : memref<25x80xi32, #tpu.memory_space<hbm>>) target(%dma_start3A_133 : memref<25x80xi32, #tpu.memory_space<vmem>>) target_semaphore(%run_scoped3A_115 : memref<!tpu.dma_semaphore, #tpu.memory_space<semaphore_mem>>)
      %dma_wait3A_144 = arith.constant 0 : i32
      %dma_wait3A_145 = arith.constant 0 : i32
      %dma_wait3A_146 = tpu.memref_slice %arg9[%run_scoped3A_16, %dma_wait3A_144, %dma_wait3A_145] : memref<2x25x80xi32, #tpu.memory_space<vmem>> -> memref<1x25x80xi32, #tpu.memory_space<vmem>>
      %dma_wait3A_147 = tpu.memref_squeeze %dma_wait3A_146 : memref<1x25x80xi32, #tpu.memory_space<vmem>> -> memref<25x80xi32, #tpu.memory_space<vmem>>
      %dma_wait3A_148 = arith.constant 0 : i32
      %dma_wait3A_149 = arith.constant 0 : i32
      %dma_wait3A_150 = arith.constant 0 : i32
      %dma_wait3A_151 = arith.constant 0 : i32
      %dma_wait3A_152 = tpu.memref_slice %arg3[%run_scoped3A_14, %dma_wait3A_148, %dma_wait3A_149, %dma_wait3A_150, %dma_wait3A_151] : memref<2x32x5x25x80xi32, #tpu.memory_space<hbm>> -> memref<1x32x5x25x80xi32, #tpu.memory_space<hbm>>
      %dma_wait3A_153 = tpu.memref_squeeze %dma_wait3A_152 : memref<1x32x5x25x80xi32, #tpu.memory_space<hbm>> -> memref<32x5x25x80xi32, #tpu.memory_space<hbm>>
      %dma_wait3A_154 = arith.constant 0 : i32
      %dma_wait3A_155 = arith.constant 0 : i32
      %dma_wait3A_156 = tpu.memref_slice %dma_wait3A_153[%add3A, %run_scoped3A_15, %dma_wait3A_154, %dma_wait3A_155] : memref<32x5x25x80xi32, #tpu.memory_space<hbm>> -> memref<1x1x25x80xi32, #tpu.memory_space<hbm>>
      %dma_wait3A_157 = tpu.memref_squeeze %dma_wait3A_156 : memref<1x1x25x80xi32, #tpu.memory_space<hbm>> -> memref<25x80xi32, #tpu.memory_space<hbm>>
      %dma_wait3A_158 = arith.constant 0 : i32
      %dma_wait3A_159 = arith.constant 0 : i32
      %dma_wait3A_160 = tpu.memref_slice %arg9[%run_scoped3A_16, %dma_wait3A_158, %dma_wait3A_159] : memref<2x25x80xi32, #tpu.memory_space<vmem>> -> memref<1x25x80xi32, #tpu.memory_space<vmem>>
      %dma_wait3A_161 = tpu.memref_squeeze %dma_wait3A_160 : memref<1x25x80xi32, #tpu.memory_space<vmem>> -> memref<25x80xi32, #tpu.memory_space<vmem>>
      %dma_wait3A_162 = arith.constant 0 : i32
      %dma_wait3A_163 = arith.constant 0 : i32
      %dma_wait3A_164 = arith.constant 0 : i32
      %dma_wait3A_165 = arith.constant 0 : i32
      %dma_wait3A_166 = tpu.memref_slice %arg3[%run_scoped3A_14, %dma_wait3A_162, %dma_wait3A_163, %dma_wait3A_164, %dma_wait3A_165] : memref<2x32x5x25x80xi32, #tpu.memory_space<hbm>> -> memref<1x32x5x25x80xi32, #tpu.memory_space<hbm>>
      %dma_wait3A_167 = tpu.memref_squeeze %dma_wait3A_166 : memref<1x32x5x25x80xi32, #tpu.memory_space<hbm>> -> memref<32x5x25x80xi32, #tpu.memory_space<hbm>>
      %dma_wait3A_168 = arith.constant 0 : i32
      %dma_wait3A_169 = arith.constant 0 : i32
      %dma_wait3A_170 = tpu.memref_slice %dma_wait3A_167[%add3A, %run_scoped3A_15, %dma_wait3A_168, %dma_wait3A_169] : memref<32x5x25x80xi32, #tpu.memory_space<hbm>> -> memref<1x1x25x80xi32, #tpu.memory_space<hbm>>
      %dma_wait3A_171 = tpu.memref_squeeze %dma_wait3A_170 : memref<1x1x25x80xi32, #tpu.memory_space<hbm>> -> memref<25x80xi32, #tpu.memory_space<hbm>>
      tpu.wait_dma2 semaphore(%run_scoped3A_115 : memref<!tpu.dma_semaphore, #tpu.memory_space<semaphore_mem>>) src(%dma_wait3A_171 : memref<25x80xi32, #tpu.memory_space<hbm>>) dst(%dma_wait3A_161 : memref<25x80xi32, #tpu.memory_space<vmem>>)
      tpu.yield
    }) : () -> ()
    %run_scoped3A_17 = arith.constant 1 : i32
    %run_scoped3A_18 = arith.constant 0 : i32
    %run_scoped3A_19 = arith.constant 0 : i32
    "tpu.region"() ({
      %run_scoped3A_115 = tpu.sem_alloc : memref<!tpu.dma_semaphore, #tpu.memory_space<semaphore_mem>>
      %dma_start3A_116 = arith.constant 0 : i32
      %dma_start3A_117 = arith.constant 0 : i32
      %dma_start3A_118 = tpu.memref_slice %arg10[%run_scoped3A_19, %dma_start3A_116, %dma_start3A_117] : memref<2x25x80xi32, #tpu.memory_space<vmem>> -> memref<1x25x80xi32, #tpu.memory_space<vmem>>
      %dma_start3A_119 = tpu.memref_squeeze %dma_start3A_118 : memref<1x25x80xi32, #tpu.memory_space<vmem>> -> memref<25x80xi32, #tpu.memory_space<vmem>>
      %dma_start3A_120 = arith.constant 0 : i32
      %dma_start3A_121 = arith.constant 0 : i32
      %dma_start3A_122 = arith.constant 0 : i32
      %dma_start3A_123 = arith.constant 0 : i32
      %dma_start3A_124 = tpu.memref_slice %arg3[%run_scoped3A_17, %dma_start3A_120, %dma_start3A_121, %dma_start3A_122, %dma_start3A_123] : memref<2x32x5x25x80xi32, #tpu.memory_space<hbm>> -> memref<1x32x5x25x80xi32, #tpu.memory_space<hbm>>
      %dma_start3A_125 = tpu.memref_squeeze %dma_start3A_124 : memref<1x32x5x25x80xi32, #tpu.memory_space<hbm>> -> memref<32x5x25x80xi32, #tpu.memory_space<hbm>>
      %dma_start3A_126 = arith.constant 0 : i32
      %dma_start3A_127 = arith.constant 0 : i32
      %dma_start3A_128 = tpu.memref_slice %dma_start3A_125[%add3A, %run_scoped3A_18, %dma_start3A_126, %dma_start3A_127] : memref<32x5x25x80xi32, #tpu.memory_space<hbm>> -> memref<1x1x25x80xi32, #tpu.memory_space<hbm>>
      %dma_start3A_129 = tpu.memref_squeeze %dma_start3A_128 : memref<1x1x25x80xi32, #tpu.memory_space<hbm>> -> memref<25x80xi32, #tpu.memory_space<hbm>>
      %dma_start3A_130 = arith.constant 0 : i32
      %dma_start3A_131 = arith.constant 0 : i32
      %dma_start3A_132 = tpu.memref_slice %arg10[%run_scoped3A_19, %dma_start3A_130, %dma_start3A_131] : memref<2x25x80xi32, #tpu.memory_space<vmem>> -> memref<1x25x80xi32, #tpu.memory_space<vmem>>
      %dma_start3A_133 = tpu.memref_squeeze %dma_start3A_132 : memref<1x25x80xi32, #tpu.memory_space<vmem>> -> memref<25x80xi32, #tpu.memory_space<vmem>>
      %dma_start3A_134 = arith.constant 0 : i32
      %dma_start3A_135 = arith.constant 0 : i32
      %dma_start3A_136 = arith.constant 0 : i32
      %dma_start3A_137 = arith.constant 0 : i32
      %dma_start3A_138 = tpu.memref_slice %arg3[%run_scoped3A_17, %dma_start3A_134, %dma_start3A_135, %dma_start3A_136, %dma_start3A_137] : memref<2x32x5x25x80xi32, #tpu.memory_space<hbm>> -> memref<1x32x5x25x80xi32, #tpu.memory_space<hbm>>
      %dma_start3A_139 = tpu.memref_squeeze %dma_start3A_138 : memref<1x32x5x25x80xi32, #tpu.memory_space<hbm>> -> memref<32x5x25x80xi32, #tpu.memory_space<hbm>>
      %dma_start3A_140 = arith.constant 0 : i32
      %dma_start3A_141 = arith.constant 0 : i32
      %dma_start3A_142 = tpu.memref_slice %dma_start3A_139[%add3A, %run_scoped3A_18, %dma_start3A_140, %dma_start3A_141] : memref<32x5x25x80xi32, #tpu.memory_space<hbm>> -> memref<1x1x25x80xi32, #tpu.memory_space<hbm>>
      %dma_start3A_143 = tpu.memref_squeeze %dma_start3A_142 : memref<1x1x25x80xi32, #tpu.memory_space<hbm>> -> memref<25x80xi32, #tpu.memory_space<hbm>>
      tpu.enqueue_dma source(%dma_start3A_143 : memref<25x80xi32, #tpu.memory_space<hbm>>) target(%dma_start3A_133 : memref<25x80xi32, #tpu.memory_space<vmem>>) target_semaphore(%run_scoped3A_115 : memref<!tpu.dma_semaphore, #tpu.memory_space<semaphore_mem>>)
      %dma_wait3A_144 = arith.constant 0 : i32
      %dma_wait3A_145 = arith.constant 0 : i32
      %dma_wait3A_146 = tpu.memref_slice %arg10[%run_scoped3A_19, %dma_wait3A_144, %dma_wait3A_145] : memref<2x25x80xi32, #tpu.memory_space<vmem>> -> memref<1x25x80xi32, #tpu.memory_space<vmem>>
      %dma_wait3A_147 = tpu.memref_squeeze %dma_wait3A_146 : memref<1x25x80xi32, #tpu.memory_space<vmem>> -> memref<25x80xi32, #tpu.memory_space<vmem>>
      %dma_wait3A_148 = arith.constant 0 : i32
      %dma_wait3A_149 = arith.constant 0 : i32
      %dma_wait3A_150 = arith.constant 0 : i32
      %dma_wait3A_151 = arith.constant 0 : i32
      %dma_wait3A_152 = tpu.memref_slice %arg3[%run_scoped3A_17, %dma_wait3A_148, %dma_wait3A_149, %dma_wait3A_150, %dma_wait3A_151] : memref<2x32x5x25x80xi32, #tpu.memory_space<hbm>> -> memref<1x32x5x25x80xi32, #tpu.memory_space<hbm>>
      %dma_wait3A_153 = tpu.memref_squeeze %dma_wait3A_152 : memref<1x32x5x25x80xi32, #tpu.memory_space<hbm>> -> memref<32x5x25x80xi32, #tpu.memory_space<hbm>>
      %dma_wait3A_154 = arith.constant 0 : i32
      %dma_wait3A_155 = arith.constant 0 : i32
      %dma_wait3A_156 = tpu.memref_slice %dma_wait3A_153[%add3A, %run_scoped3A_18, %dma_wait3A_154, %dma_wait3A_155] : memref<32x5x25x80xi32, #tpu.memory_space<hbm>> -> memref<1x1x25x80xi32, #tpu.memory_space<hbm>>
      %dma_wait3A_157 = tpu.memref_squeeze %dma_wait3A_156 : memref<1x1x25x80xi32, #tpu.memory_space<hbm>> -> memref<25x80xi32, #tpu.memory_space<hbm>>
      %dma_wait3A_158 = arith.constant 0 : i32
      %dma_wait3A_159 = arith.constant 0 : i32
      %dma_wait3A_160 = tpu.memref_slice %arg10[%run_scoped3A_19, %dma_wait3A_158, %dma_wait3A_159] : memref<2x25x80xi32, #tpu.memory_space<vmem>> -> memref<1x25x80xi32, #tpu.memory_space<vmem>>
      %dma_wait3A_161 = tpu.memref_squeeze %dma_wait3A_160 : memref<1x25x80xi32, #tpu.memory_space<vmem>> -> memref<25x80xi32, #tpu.memory_space<vmem>>
      %dma_wait3A_162 = arith.constant 0 : i32
      %dma_wait3A_163 = arith.constant 0 : i32
      %dma_wait3A_164 = arith.constant 0 : i32
      %dma_wait3A_165 = arith.constant 0 : i32
      %dma_wait3A_166 = tpu.memref_slice %arg3[%run_scoped3A_17, %dma_wait3A_162, %dma_wait3A_163, %dma_wait3A_164, %dma_wait3A_165] : memref<2x32x5x25x80xi32, #tpu.memory_space<hbm>> -> memref<1x32x5x25x80xi32, #tpu.memory_space<hbm>>
      %dma_wait3A_167 = tpu.memref_squeeze %dma_wait3A_166 : memref<1x32x5x25x80xi32, #tpu.memory_space<hbm>> -> memref<32x5x25x80xi32, #tpu.memory_space<hbm>>
      %dma_wait3A_168 = arith.constant 0 : i32
      %dma_wait3A_169 = arith.constant 0 : i32
      %dma_wait3A_170 = tpu.memref_slice %dma_wait3A_167[%add3A, %run_scoped3A_18, %dma_wait3A_168, %dma_wait3A_169] : memref<32x5x25x80xi32, #tpu.memory_space<hbm>> -> memref<1x1x25x80xi32, #tpu.memory_space<hbm>>
      %dma_wait3A_171 = tpu.memref_squeeze %dma_wait3A_170 : memref<1x1x25x80xi32, #tpu.memory_space<hbm>> -> memref<25x80xi32, #tpu.memory_space<hbm>>
      tpu.wait_dma2 semaphore(%run_scoped3A_115 : memref<!tpu.dma_semaphore, #tpu.memory_space<semaphore_mem>>) src(%dma_wait3A_171 : memref<25x80xi32, #tpu.memory_space<hbm>>) dst(%dma_wait3A_161 : memref<25x80xi32, #tpu.memory_space<vmem>>)
      tpu.yield
    }) : () -> ()
    %dma_start3A = arith.constant 0 : i32
    %dma_start3A_20 = arith.constant 0 : i32
    %dma_start3A_21 = arith.constant 0 : i32
    %dma_start3A_22 = arith.constant 0 : i32
    %dma_start3A_23 = arith.constant 0 : i32
    %dma_start3A_24 = arith.constant 0 : i32
    %dma_start3A_25 = tpu.memref_slice %arg11[%dma_start3A_21, %dma_start3A_23, %dma_start3A_24] : memref<2x80x128xf32, #tpu.memory_space<vmem>> -> memref<1x80x128xf32, #tpu.memory_space<vmem>>
    %dma_start3A_26 = tpu.memref_squeeze %dma_start3A_25 : memref<1x80x128xf32, #tpu.memory_space<vmem>> -> memref<80x128xf32, #tpu.memory_space<vmem>>
    %dma_start3A_27 = arith.constant 0 : i32
    %dma_start3A_28 = tpu.memref_slice %arg9[%dma_start3A, %dma_start3A_20, %dma_start3A_27] : memref<2x25x80xi32, #tpu.memory_space<vmem>> -> memref<1x1x80xi32, #tpu.memory_space<vmem>>
    %dma_start3A_29 = tpu.memref_squeeze %dma_start3A_28 : memref<1x1x80xi32, #tpu.memory_space<vmem>> -> memref<80xi32, #tpu.memory_space<vmem>>
    %dma_start3A_30 = arith.constant 0 : i32
    %dma_start3A_31 = arith.constant 0 : i32
    %dma_start3A_32 = tpu.memref_slice %arg2[%dma_start3A_30, %dma_start3A_31] : memref<10000x128xf32, #tpu.memory_space<hbm>> -> memref<10000x128xf32, #tpu.memory_space<hbm>>
    %dma_start3A_33 = tpu.memref_slice %arg13[%dma_start3A_22] : memref<2x!tpu.dma_semaphore, #tpu.memory_space<semaphore_mem>> -> memref<1x!tpu.dma_semaphore, #tpu.memory_space<semaphore_mem>>
    %dma_start3A_34 = tpu.memref_squeeze %dma_start3A_33 : memref<1x!tpu.dma_semaphore, #tpu.memory_space<semaphore_mem>> -> memref<!tpu.dma_semaphore, #tpu.memory_space<semaphore_mem>>
    tpu.enqueue_indirect_dma source(%dma_start3A_32 : memref<10000x128xf32, #tpu.memory_space<hbm>>) target(%dma_start3A_26 : memref<80x128xf32, #tpu.memory_space<vmem>>) offsets(%dma_start3A_29 : memref<80xi32, #tpu.memory_space<vmem>>) semaphore(%dma_start3A_34 : memref<!tpu.dma_semaphore, #tpu.memory_space<semaphore_mem>>)
    "tpu.region"() ({
      %run_scoped3A_115 = tpu.sem_alloc : memref<!tpu.dma_semaphore, #tpu.memory_space<semaphore_mem>>
      tpu.enqueue_dma source(%arg6 : memref<10000xf32, #tpu.memory_space<hbm>>) target(%arg16 : memref<10000xf32, #tpu.memory_space<vmem>>) target_semaphore(%run_scoped3A_115 : memref<!tpu.dma_semaphore, #tpu.memory_space<semaphore_mem>>)
      tpu.wait_dma2 semaphore(%run_scoped3A_115 : memref<!tpu.dma_semaphore, #tpu.memory_space<semaphore_mem>>) src(%arg6 : memref<10000xf32, #tpu.memory_space<hbm>>) dst(%arg16 : memref<10000xf32, #tpu.memory_space<vmem>>)
      tpu.yield
    }) : () -> ()
    %while3A_35 = arith.constant 0 : i32
    %while3A_36 = arith.constant 0 : i32
    %while3A_37 = arith.subi %select_n3A, %while3A_36 : i32
    %while3A_38 = arith.addi %while3A_36, %while3A_37 : i32
    %while3A_39 = arith.constant 1 : i32
    %while3A_40 = arith.divsi %while3A_37, %while3A_39 : i32
    %while3A_41 = arith.muli %while3A_40, %while3A_39 : i32
    %while3A_42 = arith.addi %while3A_36, %while3A_41 : i32
    %while3A_43 = arith.constant 1 : i32
    scf.for %while3A_115 = %while3A_36 to %while3A_42 step %while3A_43  : i32 {
      %dma_wait3A_116 = arith.constant 1 : i32
      %dma_wait3A_117 = arith.constant 0 : i32
      %dma_wait3A_118 = arith.constant 0 : i32
      %dma_wait3A_119 = arith.constant 0 : i32
      %dma_wait3A_120 = tpu.memref_slice %arg11[%dma_wait3A_116, %dma_wait3A_118, %dma_wait3A_119] : memref<2x80x128xf32, #tpu.memory_space<vmem>> -> memref<1x80x128xf32, #tpu.memory_space<vmem>>
      %dma_wait3A_121 = tpu.memref_squeeze %dma_wait3A_120 : memref<1x80x128xf32, #tpu.memory_space<vmem>> -> memref<80x128xf32, #tpu.memory_space<vmem>>
      %dma_wait3A_122 = arith.constant 0 : i32
      %dma_wait3A_123 = tpu.memref_slice %arg12[%mul3A_2, %dma_wait3A_122] : memref<10000x128xf32, #tpu.memory_space<vmem_shared>> -> memref<80x128xf32, #tpu.memory_space<vmem_shared>>
      %dma_wait3A_124 = tpu.memref_slice %arg15[%dma_wait3A_117] : memref<2x!tpu.dma_semaphore, #tpu.memory_space<semaphore_mem>> -> memref<1x!tpu.dma_semaphore, #tpu.memory_space<semaphore_mem>>
      %dma_wait3A_125 = tpu.memref_squeeze %dma_wait3A_124 : memref<1x!tpu.dma_semaphore, #tpu.memory_space<semaphore_mem>> -> memref<!tpu.dma_semaphore, #tpu.memory_space<semaphore_mem>>
      %dma_wait3A_126 = arith.constant 0 : i32
      %dma_wait3A_127 = tpu.memref_slice %arg12[%mul3A_2, %dma_wait3A_126] : memref<10000x128xf32, #tpu.memory_space<vmem_shared>> -> memref<80x128xf32, #tpu.memory_space<vmem_shared>>
      %dma_wait3A_128 = arith.constant 0 : i32
      %dma_wait3A_129 = arith.constant 0 : i32
      %dma_wait3A_130 = tpu.memref_slice %arg11[%dma_wait3A_116, %dma_wait3A_128, %dma_wait3A_129] : memref<2x80x128xf32, #tpu.memory_space<vmem>> -> memref<1x80x128xf32, #tpu.memory_space<vmem>>
      %dma_wait3A_131 = tpu.memref_squeeze %dma_wait3A_130 : memref<1x80x128xf32, #tpu.memory_space<vmem>> -> memref<80x128xf32, #tpu.memory_space<vmem>>
      tpu.wait_dma2 semaphore(%dma_wait3A_125 : memref<!tpu.dma_semaphore, #tpu.memory_space<semaphore_mem>>) src(%dma_wait3A_131 : memref<80x128xf32, #tpu.memory_space<vmem>>) dst(%dma_wait3A_127 : memref<80x128xf32, #tpu.memory_space<vmem_shared>>)
    }
    %while3A_44 = arith.constant 1 : i32
    scf.for %while3A_115 = %while3A_42 to %while3A_38 step %while3A_44  : i32 {
      %dma_wait3A_116 = arith.constant 1 : i32
      %dma_wait3A_117 = arith.constant 0 : i32
      %dma_wait3A_118 = arith.constant 0 : i32
      %dma_wait3A_119 = arith.constant 0 : i32
      %dma_wait3A_120 = tpu.memref_slice %arg11[%dma_wait3A_116, %dma_wait3A_118, %dma_wait3A_119] : memref<2x80x128xf32, #tpu.memory_space<vmem>> -> memref<1x80x128xf32, #tpu.memory_space<vmem>>
      %dma_wait3A_121 = tpu.memref_squeeze %dma_wait3A_120 : memref<1x80x128xf32, #tpu.memory_space<vmem>> -> memref<80x128xf32, #tpu.memory_space<vmem>>
      %dma_wait3A_122 = arith.constant 0 : i32
      %dma_wait3A_123 = tpu.memref_slice %arg12[%mul3A_2, %dma_wait3A_122] : memref<10000x128xf32, #tpu.memory_space<vmem_shared>> -> memref<80x128xf32, #tpu.memory_space<vmem_shared>>
      %dma_wait3A_124 = tpu.memref_slice %arg15[%dma_wait3A_117] : memref<2x!tpu.dma_semaphore, #tpu.memory_space<semaphore_mem>> -> memref<1x!tpu.dma_semaphore, #tpu.memory_space<semaphore_mem>>
      %dma_wait3A_125 = tpu.memref_squeeze %dma_wait3A_124 : memref<1x!tpu.dma_semaphore, #tpu.memory_space<semaphore_mem>> -> memref<!tpu.dma_semaphore, #tpu.memory_space<semaphore_mem>>
      %dma_wait3A_126 = arith.constant 0 : i32
      %dma_wait3A_127 = tpu.memref_slice %arg12[%mul3A_2, %dma_wait3A_126] : memref<10000x128xf32, #tpu.memory_space<vmem_shared>> -> memref<80x128xf32, #tpu.memory_space<vmem_shared>>
      %dma_wait3A_128 = arith.constant 0 : i32
      %dma_wait3A_129 = arith.constant 0 : i32
      %dma_wait3A_130 = tpu.memref_slice %arg11[%dma_wait3A_116, %dma_wait3A_128, %dma_wait3A_129] : memref<2x80x128xf32, #tpu.memory_space<vmem>> -> memref<1x80x128xf32, #tpu.memory_space<vmem>>
      %dma_wait3A_131 = tpu.memref_squeeze %dma_wait3A_130 : memref<1x80x128xf32, #tpu.memory_space<vmem>> -> memref<80x128xf32, #tpu.memory_space<vmem>>
      tpu.wait_dma2 semaphore(%dma_wait3A_125 : memref<!tpu.dma_semaphore, #tpu.memory_space<semaphore_mem>>) src(%dma_wait3A_131 : memref<80x128xf32, #tpu.memory_space<vmem>>) dst(%dma_wait3A_127 : memref<80x128xf32, #tpu.memory_space<vmem_shared>>)
    }
    %barrier3A = arith.constant 0 : index
    tpu.barrier barrier_id(%barrier3A)
    %broadcast_in_dim3A = arith.constant 1.000000e+00 : f32
    %broadcast_in_dim3A_45 = vector.broadcast %broadcast_in_dim3A : f32 to vector<16xf32>
    %scan3A = arith.constant 0 : i32
    %scan3A_46 = arith.constant 0 : i32
    %scan3A_47 = arith.constant 1 : i32
    %scan3A_48 = arith.constant 0 : i32
    %scan3A_49 = arith.constant 5 : i32
    %scan3A_50 = arith.addi %scan3A_48, %scan3A_49 : i32
    %scan3A_51 = arith.constant 1 : i32
    scf.for %scan3A_115 = %scan3A_48 to %scan3A_50 step %scan3A_51  : i32 {
      %rem3A = arith.constant 2 : i32
      %rem3A_116 = arith.remsi %scan3A_115, %rem3A : i32
      %gt3A = arith.constant 0 : i32
      %gt3A_117 = arith.cmpi sgt, %scan3A_115, %gt3A : i32
      %convert_element_type3A = arith.extui %gt3A_117 : i1 to i32
      %cond3A = arith.constant 0 : i32
      %cond3A_118 = arith.cmpi ne, %convert_element_type3A, %cond3A : i32
      scf.if %cond3A_118 {
        %sub3A = arith.constant 1 : i32
        %sub3A_139 = arith.subi %scan3A_115, %sub3A : i32
        %add3A_140 = arith.constant 4 : i32
        %add3A_141 = arith.addi %sub3A_139, %add3A_140 : i32
        %rem3A_142 = arith.constant 2 : i32
        %rem3A_143 = arith.remsi %add3A_141, %rem3A_142 : i32
        %dma_wait3A_144 = arith.constant 0 : i32
        %dma_wait3A_145 = arith.constant 0 : i32
        %dma_wait3A_146 = arith.constant 0 : i32
        %dma_wait3A_147 = tpu.memref_slice %arg11[%rem3A_143, %dma_wait3A_145, %dma_wait3A_146] : memref<2x80x128xf32, #tpu.memory_space<vmem>> -> memref<1x80x128xf32, #tpu.memory_space<vmem>>
        %dma_wait3A_148 = tpu.memref_squeeze %dma_wait3A_147 : memref<1x80x128xf32, #tpu.memory_space<vmem>> -> memref<80x128xf32, #tpu.memory_space<vmem>>
        %dma_wait3A_149 = arith.constant 0 : i32
        %dma_wait3A_150 = tpu.memref_slice %arg10[%rem3A_116, %dma_wait3A_144, %dma_wait3A_149] : memref<2x25x80xi32, #tpu.memory_space<vmem>> -> memref<1x1x80xi32, #tpu.memory_space<vmem>>
        %dma_wait3A_151 = tpu.memref_squeeze %dma_wait3A_150 : memref<1x1x80xi32, #tpu.memory_space<vmem>> -> memref<80xi32, #tpu.memory_space<vmem>>
        %dma_wait3A_152 = arith.constant 0 : i32
        %dma_wait3A_153 = arith.constant 0 : i32
        %dma_wait3A_154 = tpu.memref_slice %arg12[%dma_wait3A_152, %dma_wait3A_153] : memref<10000x128xf32, #tpu.memory_space<vmem_shared>> -> memref<10000x128xf32, #tpu.memory_space<vmem_shared>>
        %dma_wait3A_155 = tpu.memref_slice %arg15[%rem3A_143] : memref<2x!tpu.dma_semaphore, #tpu.memory_space<semaphore_mem>> -> memref<1x!tpu.dma_semaphore, #tpu.memory_space<semaphore_mem>>
        %dma_wait3A_156 = tpu.memref_squeeze %dma_wait3A_155 : memref<1x!tpu.dma_semaphore, #tpu.memory_space<semaphore_mem>> -> memref<!tpu.dma_semaphore, #tpu.memory_space<semaphore_mem>>
        tpu.wait_indirect_dma semaphore(%dma_wait3A_156 : memref<!tpu.dma_semaphore, #tpu.memory_space<semaphore_mem>>) src(%dma_wait3A_148 : memref<80x128xf32, #tpu.memory_space<vmem>>) dst(%dma_wait3A_154 : memref<10000x128xf32, #tpu.memory_space<vmem_shared>>)
        %dma_wait3A_157 = arith.constant 0 : i32
        %dma_wait3A_158 = arith.constant 0 : i32
        %dma_wait3A_159 = arith.constant 0 : i32
        %dma_wait3A_160 = arith.constant 0 : i32
        %dma_wait3A_161 = tpu.memref_slice %arg9[%rem3A_116, %dma_wait3A_159, %dma_wait3A_160] : memref<2x25x80xi32, #tpu.memory_space<vmem>> -> memref<1x25x80xi32, #tpu.memory_space<vmem>>
        %dma_wait3A_162 = tpu.memref_squeeze %dma_wait3A_161 : memref<1x25x80xi32, #tpu.memory_space<vmem>> -> memref<25x80xi32, #tpu.memory_space<vmem>>
        %dma_wait3A_163 = arith.constant 0 : i32
        %dma_wait3A_164 = arith.constant 0 : i32
        %dma_wait3A_165 = arith.constant 0 : i32
        %dma_wait3A_166 = arith.constant 0 : i32
        %dma_wait3A_167 = tpu.memref_slice %arg3[%scan3A_46, %dma_wait3A_163, %dma_wait3A_164, %dma_wait3A_165, %dma_wait3A_166] : memref<2x32x5x25x80xi32, #tpu.memory_space<hbm>> -> memref<1x32x5x25x80xi32, #tpu.memory_space<hbm>>
        %dma_wait3A_168 = tpu.memref_squeeze %dma_wait3A_167 : memref<1x32x5x25x80xi32, #tpu.memory_space<hbm>> -> memref<32x5x25x80xi32, #tpu.memory_space<hbm>>
        %dma_wait3A_169 = arith.constant 0 : i32
        %dma_wait3A_170 = arith.constant 0 : i32
        %dma_wait3A_171 = tpu.memref_slice %dma_wait3A_168[%add3A, %dma_wait3A_157, %dma_wait3A_169, %dma_wait3A_170] : memref<32x5x25x80xi32, #tpu.memory_space<hbm>> -> memref<1x1x25x80xi32, #tpu.memory_space<hbm>>
        %dma_wait3A_172 = tpu.memref_squeeze %dma_wait3A_171 : memref<1x1x25x80xi32, #tpu.memory_space<hbm>> -> memref<25x80xi32, #tpu.memory_space<hbm>>
        %dma_wait3A_173 = tpu.memref_slice %arg14[%dma_wait3A_158] : memref<2x!tpu.dma_semaphore, #tpu.memory_space<semaphore_mem>> -> memref<1x!tpu.dma_semaphore, #tpu.memory_space<semaphore_mem>>
        %dma_wait3A_174 = tpu.memref_squeeze %dma_wait3A_173 : memref<1x!tpu.dma_semaphore, #tpu.memory_space<semaphore_mem>> -> memref<!tpu.dma_semaphore, #tpu.memory_space<semaphore_mem>>
        %dma_wait3A_175 = arith.constant 0 : i32
        %dma_wait3A_176 = arith.constant 0 : i32
        %dma_wait3A_177 = tpu.memref_slice %arg9[%rem3A_116, %dma_wait3A_175, %dma_wait3A_176] : memref<2x25x80xi32, #tpu.memory_space<vmem>> -> memref<1x25x80xi32, #tpu.memory_space<vmem>>
        %dma_wait3A_178 = tpu.memref_squeeze %dma_wait3A_177 : memref<1x25x80xi32, #tpu.memory_space<vmem>> -> memref<25x80xi32, #tpu.memory_space<vmem>>
        %dma_wait3A_179 = arith.constant 0 : i32
        %dma_wait3A_180 = arith.constant 0 : i32
        %dma_wait3A_181 = arith.constant 0 : i32
        %dma_wait3A_182 = arith.constant 0 : i32
        %dma_wait3A_183 = tpu.memref_slice %arg3[%scan3A_46, %dma_wait3A_179, %dma_wait3A_180, %dma_wait3A_181, %dma_wait3A_182] : memref<2x32x5x25x80xi32, #tpu.memory_space<hbm>> -> memref<1x32x5x25x80xi32, #tpu.memory_space<hbm>>
        %dma_wait3A_184 = tpu.memref_squeeze %dma_wait3A_183 : memref<1x32x5x25x80xi32, #tpu.memory_space<hbm>> -> memref<32x5x25x80xi32, #tpu.memory_space<hbm>>
        %dma_wait3A_185 = arith.constant 0 : i32
        %dma_wait3A_186 = arith.constant 0 : i32
        %dma_wait3A_187 = tpu.memref_slice %dma_wait3A_184[%add3A, %dma_wait3A_157, %dma_wait3A_185, %dma_wait3A_186] : memref<32x5x25x80xi32, #tpu.memory_space<hbm>> -> memref<1x1x25x80xi32, #tpu.memory_space<hbm>>
        %dma_wait3A_188 = tpu.memref_squeeze %dma_wait3A_187 : memref<1x1x25x80xi32, #tpu.memory_space<hbm>> -> memref<25x80xi32, #tpu.memory_space<hbm>>
        tpu.wait_dma2 semaphore(%dma_wait3A_174 : memref<!tpu.dma_semaphore, #tpu.memory_space<semaphore_mem>>) src(%dma_wait3A_188 : memref<25x80xi32, #tpu.memory_space<hbm>>) dst(%dma_wait3A_178 : memref<25x80xi32, #tpu.memory_space<vmem>>)
        %dma_wait3A_189 = arith.constant 0 : i32
        %dma_wait3A_190 = arith.constant 1 : i32
        %dma_wait3A_191 = arith.constant 0 : i32
        %dma_wait3A_192 = arith.constant 0 : i32
        %dma_wait3A_193 = tpu.memref_slice %arg10[%rem3A_116, %dma_wait3A_191, %dma_wait3A_192] : memref<2x25x80xi32, #tpu.memory_space<vmem>> -> memref<1x25x80xi32, #tpu.memory_space<vmem>>
        %dma_wait3A_194 = tpu.memref_squeeze %dma_wait3A_193 : memref<1x25x80xi32, #tpu.memory_space<vmem>> -> memref<25x80xi32, #tpu.memory_space<vmem>>
        %dma_wait3A_195 = arith.constant 0 : i32
        %dma_wait3A_196 = arith.constant 0 : i32
        %dma_wait3A_197 = arith.constant 0 : i32
        %dma_wait3A_198 = arith.constant 0 : i32
        %dma_wait3A_199 = tpu.memref_slice %arg3[%scan3A_47, %dma_wait3A_195, %dma_wait3A_196, %dma_wait3A_197, %dma_wait3A_198] : memref<2x32x5x25x80xi32, #tpu.memory_space<hbm>> -> memref<1x32x5x25x80xi32, #tpu.memory_space<hbm>>
        %dma_wait3A_200 = tpu.memref_squeeze %dma_wait3A_199 : memref<1x32x5x25x80xi32, #tpu.memory_space<hbm>> -> memref<32x5x25x80xi32, #tpu.memory_space<hbm>>
        %dma_wait3A_201 = arith.constant 0 : i32
        %dma_wait3A_202 = arith.constant 0 : i32
        %dma_wait3A_203 = tpu.memref_slice %dma_wait3A_200[%add3A, %dma_wait3A_189, %dma_wait3A_201, %dma_wait3A_202] : memref<32x5x25x80xi32, #tpu.memory_space<hbm>> -> memref<1x1x25x80xi32, #tpu.memory_space<hbm>>
        %dma_wait3A_204 = tpu.memref_squeeze %dma_wait3A_203 : memref<1x1x25x80xi32, #tpu.memory_space<hbm>> -> memref<25x80xi32, #tpu.memory_space<hbm>>
        %dma_wait3A_205 = tpu.memref_slice %arg14[%dma_wait3A_190] : memref<2x!tpu.dma_semaphore, #tpu.memory_space<semaphore_mem>> -> memref<1x!tpu.dma_semaphore, #tpu.memory_space<semaphore_mem>>
        %dma_wait3A_206 = tpu.memref_squeeze %dma_wait3A_205 : memref<1x!tpu.dma_semaphore, #tpu.memory_space<semaphore_mem>> -> memref<!tpu.dma_semaphore, #tpu.memory_space<semaphore_mem>>
        %dma_wait3A_207 = arith.constant 0 : i32
        %dma_wait3A_208 = arith.constant 0 : i32
        %dma_wait3A_209 = tpu.memref_slice %arg10[%rem3A_116, %dma_wait3A_207, %dma_wait3A_208] : memref<2x25x80xi32, #tpu.memory_space<vmem>> -> memref<1x25x80xi32, #tpu.memory_space<vmem>>
        %dma_wait3A_210 = tpu.memref_squeeze %dma_wait3A_209 : memref<1x25x80xi32, #tpu.memory_space<vmem>> -> memref<25x80xi32, #tpu.memory_space<vmem>>
        %dma_wait3A_211 = arith.constant 0 : i32
        %dma_wait3A_212 = arith.constant 0 : i32
        %dma_wait3A_213 = arith.constant 0 : i32
        %dma_wait3A_214 = arith.constant 0 : i32
        %dma_wait3A_215 = tpu.memref_slice %arg3[%scan3A_47, %dma_wait3A_211, %dma_wait3A_212, %dma_wait3A_213, %dma_wait3A_214] : memref<2x32x5x25x80xi32, #tpu.memory_space<hbm>> -> memref<1x32x5x25x80xi32, #tpu.memory_space<hbm>>
        %dma_wait3A_216 = tpu.memref_squeeze %dma_wait3A_215 : memref<1x32x5x25x80xi32, #tpu.memory_space<hbm>> -> memref<32x5x25x80xi32, #tpu.memory_space<hbm>>
        %dma_wait3A_217 = arith.constant 0 : i32
        %dma_wait3A_218 = arith.constant 0 : i32
        %dma_wait3A_219 = tpu.memref_slice %dma_wait3A_216[%add3A, %dma_wait3A_189, %dma_wait3A_217, %dma_wait3A_218] : memref<32x5x25x80xi32, #tpu.memory_space<hbm>> -> memref<1x1x25x80xi32, #tpu.memory_space<hbm>>
        %dma_wait3A_220 = tpu.memref_squeeze %dma_wait3A_219 : memref<1x1x25x80xi32, #tpu.memory_space<hbm>> -> memref<25x80xi32, #tpu.memory_space<hbm>>
        tpu.wait_dma2 semaphore(%dma_wait3A_206 : memref<!tpu.dma_semaphore, #tpu.memory_space<semaphore_mem>>) src(%dma_wait3A_220 : memref<25x80xi32, #tpu.memory_space<hbm>>) dst(%dma_wait3A_210 : memref<25x80xi32, #tpu.memory_space<vmem>>)
      } else {
      }
      %add3A_119 = arith.constant 1 : i32
      %add3A_120 = arith.addi %scan3A_115, %add3A_119 : i32
      %lt3A = arith.constant 5 : i32
      %lt3A_121 = arith.cmpi slt, %add3A_120, %lt3A : i32
      %convert_element_type3A_122 = arith.extui %lt3A_121 : i1 to i32
      %cond3A_123 = arith.constant 0 : i32
      %cond3A_124 = arith.cmpi ne, %convert_element_type3A_122, %cond3A_123 : i32
      scf.if %cond3A_124 {
        %add3A_139 = arith.constant 1 : i32
        %add3A_140 = arith.addi %scan3A_115, %add3A_139 : i32
        %sub3A = arith.constant 1 : i32
        %sub3A_141 = arith.subi %sub3A, %rem3A_116 : i32
        %dma_start3A_142 = arith.constant 0 : i32
        %dma_start3A_143 = arith.constant 0 : i32
        %dma_start3A_144 = arith.constant 0 : i32
        %dma_start3A_145 = tpu.memref_slice %arg9[%sub3A_141, %dma_start3A_143, %dma_start3A_144] : memref<2x25x80xi32, #tpu.memory_space<vmem>> -> memref<1x25x80xi32, #tpu.memory_space<vmem>>
        %dma_start3A_146 = tpu.memref_squeeze %dma_start3A_145 : memref<1x25x80xi32, #tpu.memory_space<vmem>> -> memref<25x80xi32, #tpu.memory_space<vmem>>
        %dma_start3A_147 = arith.constant 0 : i32
        %dma_start3A_148 = arith.constant 0 : i32
        %dma_start3A_149 = arith.constant 0 : i32
        %dma_start3A_150 = arith.constant 0 : i32
        %dma_start3A_151 = tpu.memref_slice %arg3[%scan3A_46, %dma_start3A_147, %dma_start3A_148, %dma_start3A_149, %dma_start3A_150] : memref<2x32x5x25x80xi32, #tpu.memory_space<hbm>> -> memref<1x32x5x25x80xi32, #tpu.memory_space<hbm>>
        %dma_start3A_152 = tpu.memref_squeeze %dma_start3A_151 : memref<1x32x5x25x80xi32, #tpu.memory_space<hbm>> -> memref<32x5x25x80xi32, #tpu.memory_space<hbm>>
        %dma_start3A_153 = arith.constant 0 : i32
        %dma_start3A_154 = arith.constant 0 : i32
        %dma_start3A_155 = tpu.memref_slice %dma_start3A_152[%add3A, %add3A_140, %dma_start3A_153, %dma_start3A_154] : memref<32x5x25x80xi32, #tpu.memory_space<hbm>> -> memref<1x1x25x80xi32, #tpu.memory_space<hbm>>
        %dma_start3A_156 = tpu.memref_squeeze %dma_start3A_155 : memref<1x1x25x80xi32, #tpu.memory_space<hbm>> -> memref<25x80xi32, #tpu.memory_space<hbm>>
        %dma_start3A_157 = tpu.memref_slice %arg14[%dma_start3A_142] : memref<2x!tpu.dma_semaphore, #tpu.memory_space<semaphore_mem>> -> memref<1x!tpu.dma_semaphore, #tpu.memory_space<semaphore_mem>>
        %dma_start3A_158 = tpu.memref_squeeze %dma_start3A_157 : memref<1x!tpu.dma_semaphore, #tpu.memory_space<semaphore_mem>> -> memref<!tpu.dma_semaphore, #tpu.memory_space<semaphore_mem>>
        %dma_start3A_159 = arith.constant 0 : i32
        %dma_start3A_160 = arith.constant 0 : i32
        %dma_start3A_161 = tpu.memref_slice %arg9[%sub3A_141, %dma_start3A_159, %dma_start3A_160] : memref<2x25x80xi32, #tpu.memory_space<vmem>> -> memref<1x25x80xi32, #tpu.memory_space<vmem>>
        %dma_start3A_162 = tpu.memref_squeeze %dma_start3A_161 : memref<1x25x80xi32, #tpu.memory_space<vmem>> -> memref<25x80xi32, #tpu.memory_space<vmem>>
        %dma_start3A_163 = arith.constant 0 : i32
        %dma_start3A_164 = arith.constant 0 : i32
        %dma_start3A_165 = arith.constant 0 : i32
        %dma_start3A_166 = arith.constant 0 : i32
        %dma_start3A_167 = tpu.memref_slice %arg3[%scan3A_46, %dma_start3A_163, %dma_start3A_164, %dma_start3A_165, %dma_start3A_166] : memref<2x32x5x25x80xi32, #tpu.memory_space<hbm>> -> memref<1x32x5x25x80xi32, #tpu.memory_space<hbm>>
        %dma_start3A_168 = tpu.memref_squeeze %dma_start3A_167 : memref<1x32x5x25x80xi32, #tpu.memory_space<hbm>> -> memref<32x5x25x80xi32, #tpu.memory_space<hbm>>
        %dma_start3A_169 = arith.constant 0 : i32
        %dma_start3A_170 = arith.constant 0 : i32
        %dma_start3A_171 = tpu.memref_slice %dma_start3A_168[%add3A, %add3A_140, %dma_start3A_169, %dma_start3A_170] : memref<32x5x25x80xi32, #tpu.memory_space<hbm>> -> memref<1x1x25x80xi32, #tpu.memory_space<hbm>>
        %dma_start3A_172 = tpu.memref_squeeze %dma_start3A_171 : memref<1x1x25x80xi32, #tpu.memory_space<hbm>> -> memref<25x80xi32, #tpu.memory_space<hbm>>
        tpu.enqueue_dma source(%dma_start3A_172 : memref<25x80xi32, #tpu.memory_space<hbm>>) target(%dma_start3A_162 : memref<25x80xi32, #tpu.memory_space<vmem>>) target_semaphore(%dma_start3A_158 : memref<!tpu.dma_semaphore, #tpu.memory_space<semaphore_mem>>)
        %add3A_173 = arith.constant 1 : i32
        %add3A_174 = arith.addi %scan3A_115, %add3A_173 : i32
        %sub3A_175 = arith.constant 1 : i32
        %sub3A_176 = arith.subi %sub3A_175, %rem3A_116 : i32
        %dma_start3A_177 = arith.constant 1 : i32
        %dma_start3A_178 = arith.constant 0 : i32
        %dma_start3A_179 = arith.constant 0 : i32
        %dma_start3A_180 = tpu.memref_slice %arg10[%sub3A_176, %dma_start3A_178, %dma_start3A_179] : memref<2x25x80xi32, #tpu.memory_space<vmem>> -> memref<1x25x80xi32, #tpu.memory_space<vmem>>
        %dma_start3A_181 = tpu.memref_squeeze %dma_start3A_180 : memref<1x25x80xi32, #tpu.memory_space<vmem>> -> memref<25x80xi32, #tpu.memory_space<vmem>>
        %dma_start3A_182 = arith.constant 0 : i32
        %dma_start3A_183 = arith.constant 0 : i32
        %dma_start3A_184 = arith.constant 0 : i32
        %dma_start3A_185 = arith.constant 0 : i32
        %dma_start3A_186 = tpu.memref_slice %arg3[%scan3A_47, %dma_start3A_182, %dma_start3A_183, %dma_start3A_184, %dma_start3A_185] : memref<2x32x5x25x80xi32, #tpu.memory_space<hbm>> -> memref<1x32x5x25x80xi32, #tpu.memory_space<hbm>>
        %dma_start3A_187 = tpu.memref_squeeze %dma_start3A_186 : memref<1x32x5x25x80xi32, #tpu.memory_space<hbm>> -> memref<32x5x25x80xi32, #tpu.memory_space<hbm>>
        %dma_start3A_188 = arith.constant 0 : i32
        %dma_start3A_189 = arith.constant 0 : i32
        %dma_start3A_190 = tpu.memref_slice %dma_start3A_187[%add3A, %add3A_174, %dma_start3A_188, %dma_start3A_189] : memref<32x5x25x80xi32, #tpu.memory_space<hbm>> -> memref<1x1x25x80xi32, #tpu.memory_space<hbm>>
        %dma_start3A_191 = tpu.memref_squeeze %dma_start3A_190 : memref<1x1x25x80xi32, #tpu.memory_space<hbm>> -> memref<25x80xi32, #tpu.memory_space<hbm>>
        %dma_start3A_192 = tpu.memref_slice %arg14[%dma_start3A_177] : memref<2x!tpu.dma_semaphore, #tpu.memory_space<semaphore_mem>> -> memref<1x!tpu.dma_semaphore, #tpu.memory_space<semaphore_mem>>
        %dma_start3A_193 = tpu.memref_squeeze %dma_start3A_192 : memref<1x!tpu.dma_semaphore, #tpu.memory_space<semaphore_mem>> -> memref<!tpu.dma_semaphore, #tpu.memory_space<semaphore_mem>>
        %dma_start3A_194 = arith.constant 0 : i32
        %dma_start3A_195 = arith.constant 0 : i32
        %dma_start3A_196 = tpu.memref_slice %arg10[%sub3A_176, %dma_start3A_194, %dma_start3A_195] : memref<2x25x80xi32, #tpu.memory_space<vmem>> -> memref<1x25x80xi32, #tpu.memory_space<vmem>>
        %dma_start3A_197 = tpu.memref_squeeze %dma_start3A_196 : memref<1x25x80xi32, #tpu.memory_space<vmem>> -> memref<25x80xi32, #tpu.memory_space<vmem>>
        %dma_start3A_198 = arith.constant 0 : i32
        %dma_start3A_199 = arith.constant 0 : i32
        %dma_start3A_200 = arith.constant 0 : i32
        %dma_start3A_201 = arith.constant 0 : i32
        %dma_start3A_202 = tpu.memref_slice %arg3[%scan3A_47, %dma_start3A_198, %dma_start3A_199, %dma_start3A_200, %dma_start3A_201] : memref<2x32x5x25x80xi32, #tpu.memory_space<hbm>> -> memref<1x32x5x25x80xi32, #tpu.memory_space<hbm>>
        %dma_start3A_203 = tpu.memref_squeeze %dma_start3A_202 : memref<1x32x5x25x80xi32, #tpu.memory_space<hbm>> -> memref<32x5x25x80xi32, #tpu.memory_space<hbm>>
        %dma_start3A_204 = arith.constant 0 : i32
        %dma_start3A_205 = arith.constant 0 : i32
        %dma_start3A_206 = tpu.memref_slice %dma_start3A_203[%add3A, %add3A_174, %dma_start3A_204, %dma_start3A_205] : memref<32x5x25x80xi32, #tpu.memory_space<hbm>> -> memref<1x1x25x80xi32, #tpu.memory_space<hbm>>
        %dma_start3A_207 = tpu.memref_squeeze %dma_start3A_206 : memref<1x1x25x80xi32, #tpu.memory_space<hbm>> -> memref<25x80xi32, #tpu.memory_space<hbm>>
        tpu.enqueue_dma source(%dma_start3A_207 : memref<25x80xi32, #tpu.memory_space<hbm>>) target(%dma_start3A_197 : memref<25x80xi32, #tpu.memory_space<vmem>>) target_semaphore(%dma_start3A_193 : memref<!tpu.dma_semaphore, #tpu.memory_space<semaphore_mem>>)
      } else {
      }
      %run_scoped3A_125 = arith.constant 1 : i32
      "tpu.region"() ({
        %run_scoped3A_139 = tpu.sem_alloc : memref<!tpu.dma_semaphore, #tpu.memory_space<semaphore_mem>>
        %dma_start3A_140 = arith.constant 0 : i32
        %dma_start3A_141 = tpu.memref_slice %arg4[%run_scoped3A_125, %add3A, %scan3A_115, %dma_start3A_140] : memref<2x32x5x2000xi32, #tpu.memory_space<hbm>> -> memref<1x1x1x2000xi32, #tpu.memory_space<hbm>>
        %dma_start3A_142 = tpu.memref_squeeze %dma_start3A_141 : memref<1x1x1x2000xi32, #tpu.memory_space<hbm>> -> memref<2000xi32, #tpu.memory_space<hbm>>
        %dma_start3A_143 = arith.constant 0 : i32
        %dma_start3A_144 = tpu.memref_slice %arg4[%run_scoped3A_125, %add3A, %scan3A_115, %dma_start3A_143] : memref<2x32x5x2000xi32, #tpu.memory_space<hbm>> -> memref<1x1x1x2000xi32, #tpu.memory_space<hbm>>
        %dma_start3A_145 = tpu.memref_squeeze %dma_start3A_144 : memref<1x1x1x2000xi32, #tpu.memory_space<hbm>> -> memref<2000xi32, #tpu.memory_space<hbm>>
        tpu.enqueue_dma source(%dma_start3A_145 : memref<2000xi32, #tpu.memory_space<hbm>>) target(%arg17 : memref<2000xi32, #tpu.memory_space<vmem>>) target_semaphore(%run_scoped3A_139 : memref<!tpu.dma_semaphore, #tpu.memory_space<semaphore_mem>>)
        %dma_wait3A_146 = arith.constant 0 : i32
        %dma_wait3A_147 = tpu.memref_slice %arg4[%run_scoped3A_125, %add3A, %scan3A_115, %dma_wait3A_146] : memref<2x32x5x2000xi32, #tpu.memory_space<hbm>> -> memref<1x1x1x2000xi32, #tpu.memory_space<hbm>>
        %dma_wait3A_148 = tpu.memref_squeeze %dma_wait3A_147 : memref<1x1x1x2000xi32, #tpu.memory_space<hbm>> -> memref<2000xi32, #tpu.memory_space<hbm>>
        %dma_wait3A_149 = arith.constant 0 : i32
        %dma_wait3A_150 = tpu.memref_slice %arg4[%run_scoped3A_125, %add3A, %scan3A_115, %dma_wait3A_149] : memref<2x32x5x2000xi32, #tpu.memory_space<hbm>> -> memref<1x1x1x2000xi32, #tpu.memory_space<hbm>>
        %dma_wait3A_151 = tpu.memref_squeeze %dma_wait3A_150 : memref<1x1x1x2000xi32, #tpu.memory_space<hbm>> -> memref<2000xi32, #tpu.memory_space<hbm>>
        tpu.wait_dma2 semaphore(%run_scoped3A_139 : memref<!tpu.dma_semaphore, #tpu.memory_space<semaphore_mem>>) src(%dma_wait3A_151 : memref<2000xi32, #tpu.memory_space<hbm>>) dst(%arg17 : memref<2000xi32, #tpu.memory_space<vmem>>)
        tpu.yield
      }) : () -> ()
      %rem3A_126 = arith.constant 2 : i32
      %rem3A_127 = arith.remsi %scan3A_115, %rem3A_126 : i32
      %gt3A_128 = arith.constant 0 : i32
      %gt3A_129 = arith.cmpi sgt, %scan3A_115, %gt3A_128 : i32
      %convert_element_type3A_130 = arith.extui %gt3A_129 : i1 to i32
      %cond3A_131 = arith.constant 0 : i32
      %cond3A_132 = arith.cmpi ne, %convert_element_type3A_130, %cond3A_131 : i32
      scf.if %cond3A_132 {
        %dma_start3A_139 = arith.constant 0 : i32
        %dma_start3A_140 = arith.constant 0 : i32
        %dma_start3A_141 = arith.constant 0 : i32
        %dma_start3A_142 = tpu.memref_slice %arg11[%rem3A_127, %dma_start3A_140, %dma_start3A_141] : memref<2x80x128xf32, #tpu.memory_space<vmem>> -> memref<1x80x128xf32, #tpu.memory_space<vmem>>
        %dma_start3A_143 = tpu.memref_squeeze %dma_start3A_142 : memref<1x80x128xf32, #tpu.memory_space<vmem>> -> memref<80x128xf32, #tpu.memory_space<vmem>>
        %dma_start3A_144 = arith.constant 0 : i32
        %dma_start3A_145 = tpu.memref_slice %arg9[%rem3A_116, %dma_start3A_139, %dma_start3A_144] : memref<2x25x80xi32, #tpu.memory_space<vmem>> -> memref<1x1x80xi32, #tpu.memory_space<vmem>>
        %dma_start3A_146 = tpu.memref_squeeze %dma_start3A_145 : memref<1x1x80xi32, #tpu.memory_space<vmem>> -> memref<80xi32, #tpu.memory_space<vmem>>
        %dma_start3A_147 = arith.constant 0 : i32
        %dma_start3A_148 = arith.constant 0 : i32
        %dma_start3A_149 = tpu.memref_slice %arg2[%dma_start3A_147, %dma_start3A_148] : memref<10000x128xf32, #tpu.memory_space<hbm>> -> memref<10000x128xf32, #tpu.memory_space<hbm>>
        %dma_start3A_150 = tpu.memref_slice %arg13[%rem3A_127] : memref<2x!tpu.dma_semaphore, #tpu.memory_space<semaphore_mem>> -> memref<1x!tpu.dma_semaphore, #tpu.memory_space<semaphore_mem>>
        %dma_start3A_151 = tpu.memref_squeeze %dma_start3A_150 : memref<1x!tpu.dma_semaphore, #tpu.memory_space<semaphore_mem>> -> memref<!tpu.dma_semaphore, #tpu.memory_space<semaphore_mem>>
        tpu.enqueue_indirect_dma source(%dma_start3A_149 : memref<10000x128xf32, #tpu.memory_space<hbm>>) target(%dma_start3A_143 : memref<80x128xf32, #tpu.memory_space<vmem>>) offsets(%dma_start3A_146 : memref<80xi32, #tpu.memory_space<vmem>>) semaphore(%dma_start3A_151 : memref<!tpu.dma_semaphore, #tpu.memory_space<semaphore_mem>>)
      } else {
      }
      %scan3A_133 = arith.constant 0 : i32
      %scan3A_134 = arith.constant 0 : i32
      %scan3A_135 = arith.constant 25 : i32
      %scan3A_136 = arith.addi %scan3A_134, %scan3A_135 : i32
      %scan3A_137 = arith.constant 1 : i32
      scf.for %scan3A_139 = %scan3A_134 to %scan3A_136 step %scan3A_137  : i32 {
        %add3A_140 = arith.addi %scan3A_115, %scan3A_139 : i32
        %rem3A_141 = arith.constant 2 : i32
        %rem3A_142 = arith.remsi %add3A_140, %rem3A_141 : i32
        %add3A_143 = arith.addi %scan3A_115, %scan3A_139 : i32
        %add3A_144 = arith.constant 1 : i32
        %add3A_145 = arith.addi %add3A_143, %add3A_144 : i32
        %rem3A_146 = arith.constant 2 : i32
        %rem3A_147 = arith.remsi %add3A_145, %rem3A_146 : i32
        %ge3A = arith.constant 1 : i32
        %ge3A_148 = arith.cmpi sge, %scan3A_139, %ge3A : i32
        %convert_element_type3A_149 = arith.extui %ge3A_148 : i1 to i32
        %cond3A_150 = arith.constant 0 : i32
        %cond3A_151 = arith.cmpi ne, %convert_element_type3A_149, %cond3A_150 : i32
        scf.if %cond3A_151 {
          %dma_wait3A_204 = arith.constant 0 : i32
          %dma_wait3A_205 = arith.constant 0 : i32
          %dma_wait3A_206 = tpu.memref_slice %arg11[%rem3A_147, %dma_wait3A_204, %dma_wait3A_205] : memref<2x80x128xf32, #tpu.memory_space<vmem>> -> memref<1x80x128xf32, #tpu.memory_space<vmem>>
          %dma_wait3A_207 = tpu.memref_squeeze %dma_wait3A_206 : memref<1x80x128xf32, #tpu.memory_space<vmem>> -> memref<80x128xf32, #tpu.memory_space<vmem>>
          %dma_wait3A_208 = arith.constant 0 : i32
          %dma_wait3A_209 = tpu.memref_slice %arg10[%rem3A_116, %scan3A_139, %dma_wait3A_208] : memref<2x25x80xi32, #tpu.memory_space<vmem>> -> memref<1x1x80xi32, #tpu.memory_space<vmem>>
          %dma_wait3A_210 = tpu.memref_squeeze %dma_wait3A_209 : memref<1x1x80xi32, #tpu.memory_space<vmem>> -> memref<80xi32, #tpu.memory_space<vmem>>
          %dma_wait3A_211 = arith.constant 0 : i32
          %dma_wait3A_212 = arith.constant 0 : i32
          %dma_wait3A_213 = tpu.memref_slice %arg12[%dma_wait3A_211, %dma_wait3A_212] : memref<10000x128xf32, #tpu.memory_space<vmem_shared>> -> memref<10000x128xf32, #tpu.memory_space<vmem_shared>>
          %dma_wait3A_214 = tpu.memref_slice %arg15[%rem3A_147] : memref<2x!tpu.dma_semaphore, #tpu.memory_space<semaphore_mem>> -> memref<1x!tpu.dma_semaphore, #tpu.memory_space<semaphore_mem>>
          %dma_wait3A_215 = tpu.memref_squeeze %dma_wait3A_214 : memref<1x!tpu.dma_semaphore, #tpu.memory_space<semaphore_mem>> -> memref<!tpu.dma_semaphore, #tpu.memory_space<semaphore_mem>>
          tpu.wait_indirect_dma semaphore(%dma_wait3A_215 : memref<!tpu.dma_semaphore, #tpu.memory_space<semaphore_mem>>) src(%dma_wait3A_207 : memref<80x128xf32, #tpu.memory_space<vmem>>) dst(%dma_wait3A_213 : memref<10000x128xf32, #tpu.memory_space<vmem_shared>>)
        } else {
        }
        %add3A_152 = arith.constant 1 : i32
        %add3A_153 = arith.addi %scan3A_139, %add3A_152 : i32
        %lt3A_154 = arith.constant 25 : i32
        %lt3A_155 = arith.cmpi slt, %add3A_153, %lt3A_154 : i32
        %convert_element_type3A_156 = arith.extui %lt3A_155 : i1 to i32
        %cond3A_157 = arith.constant 0 : i32
        %cond3A_158 = arith.cmpi ne, %convert_element_type3A_156, %cond3A_157 : i32
        scf.if %cond3A_158 {
          %add3A_204 = arith.constant 1 : i32
          %add3A_205 = arith.addi %scan3A_139, %add3A_204 : i32
          %dma_start3A_206 = arith.constant 0 : i32
          %dma_start3A_207 = arith.constant 0 : i32
          %dma_start3A_208 = tpu.memref_slice %arg11[%rem3A_147, %dma_start3A_206, %dma_start3A_207] : memref<2x80x128xf32, #tpu.memory_space<vmem>> -> memref<1x80x128xf32, #tpu.memory_space<vmem>>
          %dma_start3A_209 = tpu.memref_squeeze %dma_start3A_208 : memref<1x80x128xf32, #tpu.memory_space<vmem>> -> memref<80x128xf32, #tpu.memory_space<vmem>>
          %dma_start3A_210 = arith.constant 0 : i32
          %dma_start3A_211 = tpu.memref_slice %arg9[%rem3A_116, %add3A_205, %dma_start3A_210] : memref<2x25x80xi32, #tpu.memory_space<vmem>> -> memref<1x1x80xi32, #tpu.memory_space<vmem>>
          %dma_start3A_212 = tpu.memref_squeeze %dma_start3A_211 : memref<1x1x80xi32, #tpu.memory_space<vmem>> -> memref<80xi32, #tpu.memory_space<vmem>>
          %dma_start3A_213 = arith.constant 0 : i32
          %dma_start3A_214 = arith.constant 0 : i32
          %dma_start3A_215 = tpu.memref_slice %arg2[%dma_start3A_213, %dma_start3A_214] : memref<10000x128xf32, #tpu.memory_space<hbm>> -> memref<10000x128xf32, #tpu.memory_space<hbm>>
          %dma_start3A_216 = tpu.memref_slice %arg13[%rem3A_147] : memref<2x!tpu.dma_semaphore, #tpu.memory_space<semaphore_mem>> -> memref<1x!tpu.dma_semaphore, #tpu.memory_space<semaphore_mem>>
          %dma_start3A_217 = tpu.memref_squeeze %dma_start3A_216 : memref<1x!tpu.dma_semaphore, #tpu.memory_space<semaphore_mem>> -> memref<!tpu.dma_semaphore, #tpu.memory_space<semaphore_mem>>
          tpu.enqueue_indirect_dma source(%dma_start3A_215 : memref<10000x128xf32, #tpu.memory_space<hbm>>) target(%dma_start3A_209 : memref<80x128xf32, #tpu.memory_space<vmem>>) offsets(%dma_start3A_212 : memref<80xi32, #tpu.memory_space<vmem>>) semaphore(%dma_start3A_217 : memref<!tpu.dma_semaphore, #tpu.memory_space<semaphore_mem>>)
        } else {
        }
        %mul3A_159 = arith.constant 80 : i32
        %mul3A_160 = arith.muli %scan3A_139, %mul3A_159 : i32
        %add3A_161 = arith.constant 0 : i32
        %add3A_162 = arith.addi %mul3A_160, %add3A_161 : i32
        %get3A = arith.index_cast %add3A_162 : i32 to index
        %get3A_163 = tpu.vector_load %arg17[%get3A] {strides = array<i32>} : memref<2000xi32, #tpu.memory_space<vmem>>, vector<16xi32>,
        tpu.vector_store_idx %arg16[%get3A_163], %broadcast_in_dim3A_45 {add = true} : memref<10000xf32, #tpu.memory_space<vmem>>[vector<16xi32>], vector<16xf32>,
        %add3A_164 = arith.constant 16 : i32
        %add3A_165 = arith.addi %mul3A_160, %add3A_164 : i32
        %get3A_166 = arith.index_cast %add3A_165 : i32 to index
        %get3A_167 = tpu.vector_load %arg17[%get3A_166] {strides = array<i32>} : memref<2000xi32, #tpu.memory_space<vmem>>, vector<16xi32>,
        tpu.vector_store_idx %arg16[%get3A_167], %broadcast_in_dim3A_45 {add = true} : memref<10000xf32, #tpu.memory_space<vmem>>[vector<16xi32>], vector<16xf32>,
        %add3A_168 = arith.constant 32 : i32
        %add3A_169 = arith.addi %mul3A_160, %add3A_168 : i32
        %get3A_170 = arith.index_cast %add3A_169 : i32 to index
        %get3A_171 = tpu.vector_load %arg17[%get3A_170] {strides = array<i32>} : memref<2000xi32, #tpu.memory_space<vmem>>, vector<16xi32>,
        tpu.vector_store_idx %arg16[%get3A_171], %broadcast_in_dim3A_45 {add = true} : memref<10000xf32, #tpu.memory_space<vmem>>[vector<16xi32>], vector<16xf32>,
        %add3A_172 = arith.constant 48 : i32
        %add3A_173 = arith.addi %mul3A_160, %add3A_172 : i32
        %get3A_174 = arith.index_cast %add3A_173 : i32 to index
        %get3A_175 = tpu.vector_load %arg17[%get3A_174] {strides = array<i32>} : memref<2000xi32, #tpu.memory_space<vmem>>, vector<16xi32>,
        tpu.vector_store_idx %arg16[%get3A_175], %broadcast_in_dim3A_45 {add = true} : memref<10000xf32, #tpu.memory_space<vmem>>[vector<16xi32>], vector<16xf32>,
        %add3A_176 = arith.constant 64 : i32
        %add3A_177 = arith.addi %mul3A_160, %add3A_176 : i32
        %get3A_178 = arith.index_cast %add3A_177 : i32 to index
        %get3A_179 = tpu.vector_load %arg17[%get3A_178] {strides = array<i32>} : memref<2000xi32, #tpu.memory_space<vmem>>, vector<16xi32>,
        tpu.vector_store_idx %arg16[%get3A_179], %broadcast_in_dim3A_45 {add = true} : memref<10000xf32, #tpu.memory_space<vmem>>[vector<16xi32>], vector<16xf32>,
        %dma_wait3A_180 = arith.constant 0 : i32
        %dma_wait3A_181 = arith.constant 0 : i32
        %dma_wait3A_182 = tpu.memref_slice %arg11[%rem3A_142, %dma_wait3A_180, %dma_wait3A_181] : memref<2x80x128xf32, #tpu.memory_space<vmem>> -> memref<1x80x128xf32, #tpu.memory_space<vmem>>
        %dma_wait3A_183 = tpu.memref_squeeze %dma_wait3A_182 : memref<1x80x128xf32, #tpu.memory_space<vmem>> -> memref<80x128xf32, #tpu.memory_space<vmem>>
        %dma_wait3A_184 = arith.constant 0 : i32
        %dma_wait3A_185 = tpu.memref_slice %arg9[%rem3A_116, %scan3A_139, %dma_wait3A_184] : memref<2x25x80xi32, #tpu.memory_space<vmem>> -> memref<1x1x80xi32, #tpu.memory_space<vmem>>
        %dma_wait3A_186 = tpu.memref_squeeze %dma_wait3A_185 : memref<1x1x80xi32, #tpu.memory_space<vmem>> -> memref<80xi32, #tpu.memory_space<vmem>>
        %dma_wait3A_187 = arith.constant 0 : i32
        %dma_wait3A_188 = arith.constant 0 : i32
        %dma_wait3A_189 = tpu.memref_slice %arg2[%dma_wait3A_187, %dma_wait3A_188] : memref<10000x128xf32, #tpu.memory_space<hbm>> -> memref<10000x128xf32, #tpu.memory_space<hbm>>
        %dma_wait3A_190 = tpu.memref_slice %arg13[%rem3A_142] : memref<2x!tpu.dma_semaphore, #tpu.memory_space<semaphore_mem>> -> memref<1x!tpu.dma_semaphore, #tpu.memory_space<semaphore_mem>>
        %dma_wait3A_191 = tpu.memref_squeeze %dma_wait3A_190 : memref<1x!tpu.dma_semaphore, #tpu.memory_space<semaphore_mem>> -> memref<!tpu.dma_semaphore, #tpu.memory_space<semaphore_mem>>
        tpu.wait_indirect_dma semaphore(%dma_wait3A_191 : memref<!tpu.dma_semaphore, #tpu.memory_space<semaphore_mem>>) src(%dma_wait3A_189 : memref<10000x128xf32, #tpu.memory_space<hbm>>) dst(%dma_wait3A_183 : memref<80x128xf32, #tpu.memory_space<vmem>>)
        %dma_start3A_192 = arith.constant 0 : i32
        %dma_start3A_193 = arith.constant 0 : i32
        %dma_start3A_194 = tpu.memref_slice %arg11[%rem3A_142, %dma_start3A_192, %dma_start3A_193] : memref<2x80x128xf32, #tpu.memory_space<vmem>> -> memref<1x80x128xf32, #tpu.memory_space<vmem>>
        %dma_start3A_195 = tpu.memref_squeeze %dma_start3A_194 : memref<1x80x128xf32, #tpu.memory_space<vmem>> -> memref<80x128xf32, #tpu.memory_space<vmem>>
        %dma_start3A_196 = arith.constant 0 : i32
        %dma_start3A_197 = tpu.memref_slice %arg10[%rem3A_116, %scan3A_139, %dma_start3A_196] : memref<2x25x80xi32, #tpu.memory_space<vmem>> -> memref<1x1x80xi32, #tpu.memory_space<vmem>>
        %dma_start3A_198 = tpu.memref_squeeze %dma_start3A_197 : memref<1x1x80xi32, #tpu.memory_space<vmem>> -> memref<80xi32, #tpu.memory_space<vmem>>
        %dma_start3A_199 = arith.constant 0 : i32
        %dma_start3A_200 = arith.constant 0 : i32
        %dma_start3A_201 = tpu.memref_slice %arg12[%dma_start3A_199, %dma_start3A_200] : memref<10000x128xf32, #tpu.memory_space<vmem_shared>> -> memref<10000x128xf32, #tpu.memory_space<vmem_shared>>
        %dma_start3A_202 = tpu.memref_slice %arg15[%rem3A_142] : memref<2x!tpu.dma_semaphore, #tpu.memory_space<semaphore_mem>> -> memref<1x!tpu.dma_semaphore, #tpu.memory_space<semaphore_mem>>
        %dma_start3A_203 = tpu.memref_squeeze %dma_start3A_202 : memref<1x!tpu.dma_semaphore, #tpu.memory_space<semaphore_mem>> -> memref<!tpu.dma_semaphore, #tpu.memory_space<semaphore_mem>>
        tpu.enqueue_indirect_dma source(%dma_start3A_195 : memref<80x128xf32, #tpu.memory_space<vmem>>) target(%dma_start3A_201 : memref<10000x128xf32, #tpu.memory_space<vmem_shared>>) offsets(%dma_start3A_198 : memref<80xi32, #tpu.memory_space<vmem>>) semaphore(%dma_start3A_203 : memref<!tpu.dma_semaphore, #tpu.memory_space<semaphore_mem>>) {add = true}
      }
      %scan3A_138 = arith.constant 25 : i32
    }
    %scan3A_52 = arith.constant 5 : i32
    %dma_wait3A = arith.constant 0 : i32
    %dma_wait3A_53 = arith.constant 0 : i32
    %dma_wait3A_54 = arith.constant 0 : i32
    %dma_wait3A_55 = arith.constant 0 : i32
    %dma_wait3A_56 = arith.constant 0 : i32
    %dma_wait3A_57 = arith.constant 0 : i32
    %dma_wait3A_58 = tpu.memref_slice %arg11[%dma_wait3A, %dma_wait3A_56, %dma_wait3A_57] : memref<2x80x128xf32, #tpu.memory_space<vmem>> -> memref<1x80x128xf32, #tpu.memory_space<vmem>>
    %dma_wait3A_59 = tpu.memref_squeeze %dma_wait3A_58 : memref<1x80x128xf32, #tpu.memory_space<vmem>> -> memref<80x128xf32, #tpu.memory_space<vmem>>
    %dma_wait3A_60 = arith.constant 0 : i32
    %dma_wait3A_61 = tpu.memref_slice %arg10[%dma_wait3A_53, %dma_wait3A_54, %dma_wait3A_60] : memref<2x25x80xi32, #tpu.memory_space<vmem>> -> memref<1x1x80xi32, #tpu.memory_space<vmem>>
    %dma_wait3A_62 = tpu.memref_squeeze %dma_wait3A_61 : memref<1x1x80xi32, #tpu.memory_space<vmem>> -> memref<80xi32, #tpu.memory_space<vmem>>
    %dma_wait3A_63 = arith.constant 0 : i32
    %dma_wait3A_64 = arith.constant 0 : i32
    %dma_wait3A_65 = tpu.memref_slice %arg12[%dma_wait3A_63, %dma_wait3A_64] : memref<10000x128xf32, #tpu.memory_space<vmem_shared>> -> memref<10000x128xf32, #tpu.memory_space<vmem_shared>>
    %dma_wait3A_66 = tpu.memref_slice %arg15[%dma_wait3A_55] : memref<2x!tpu.dma_semaphore, #tpu.memory_space<semaphore_mem>> -> memref<1x!tpu.dma_semaphore, #tpu.memory_space<semaphore_mem>>
    %dma_wait3A_67 = tpu.memref_squeeze %dma_wait3A_66 : memref<1x!tpu.dma_semaphore, #tpu.memory_space<semaphore_mem>> -> memref<!tpu.dma_semaphore, #tpu.memory_space<semaphore_mem>>
    tpu.wait_indirect_dma semaphore(%dma_wait3A_67 : memref<!tpu.dma_semaphore, #tpu.memory_space<semaphore_mem>>) src(%dma_wait3A_59 : memref<80x128xf32, #tpu.memory_space<vmem>>) dst(%dma_wait3A_65 : memref<10000x128xf32, #tpu.memory_space<vmem_shared>>)
    %barrier3A_68 = arith.constant 0 : index
    tpu.barrier barrier_id(%barrier3A_68)
    "tpu.region"() ({
      %run_scoped3A_115 = tpu.sem_alloc : memref<!tpu.dma_semaphore, #tpu.memory_space<semaphore_mem>>
      %dma_start3A_116 = arith.constant 0 : i32
      %dma_start3A_117 = tpu.memref_slice %arg8[%add3A, %dma_start3A_116] : memref<32x10000xf32, #tpu.memory_space<hbm>> -> memref<1x10000xf32, #tpu.memory_space<hbm>>
      %dma_start3A_118 = tpu.memref_squeeze %dma_start3A_117 : memref<1x10000xf32, #tpu.memory_space<hbm>> -> memref<10000xf32, #tpu.memory_space<hbm>>
      %dma_start3A_119 = arith.constant 0 : i32
      %dma_start3A_120 = tpu.memref_slice %arg8[%add3A, %dma_start3A_119] : memref<32x10000xf32, #tpu.memory_space<hbm>> -> memref<1x10000xf32, #tpu.memory_space<hbm>>
      %dma_start3A_121 = tpu.memref_squeeze %dma_start3A_120 : memref<1x10000xf32, #tpu.memory_space<hbm>> -> memref<10000xf32, #tpu.memory_space<hbm>>
      tpu.enqueue_dma source(%arg16 : memref<10000xf32, #tpu.memory_space<vmem>>) target(%dma_start3A_121 : memref<10000xf32, #tpu.memory_space<hbm>>) target_semaphore(%run_scoped3A_115 : memref<!tpu.dma_semaphore, #tpu.memory_space<semaphore_mem>>)
      %dma_wait3A_122 = arith.constant 0 : i32
      %dma_wait3A_123 = tpu.memref_slice %arg8[%add3A, %dma_wait3A_122] : memref<32x10000xf32, #tpu.memory_space<hbm>> -> memref<1x10000xf32, #tpu.memory_space<hbm>>
      %dma_wait3A_124 = tpu.memref_squeeze %dma_wait3A_123 : memref<1x10000xf32, #tpu.memory_space<hbm>> -> memref<10000xf32, #tpu.memory_space<hbm>>
      %dma_wait3A_125 = arith.constant 0 : i32
      %dma_wait3A_126 = tpu.memref_slice %arg8[%add3A, %dma_wait3A_125] : memref<32x10000xf32, #tpu.memory_space<hbm>> -> memref<1x10000xf32, #tpu.memory_space<hbm>>
      %dma_wait3A_127 = tpu.memref_squeeze %dma_wait3A_126 : memref<1x10000xf32, #tpu.memory_space<hbm>> -> memref<10000xf32, #tpu.memory_space<hbm>>
      tpu.wait_dma2 semaphore(%run_scoped3A_115 : memref<!tpu.dma_semaphore, #tpu.memory_space<semaphore_mem>>) src(%arg16 : memref<10000xf32, #tpu.memory_space<vmem>>) dst(%dma_wait3A_127 : memref<10000xf32, #tpu.memory_space<hbm>>)
      tpu.yield
    }) : () -> ()
    %while3A_69 = arith.constant 0 : i32
    %while3A_70 = arith.constant 0 : i32
    %while3A_71 = arith.subi %select_n3A, %while3A_70 : i32
    %while3A_72 = arith.addi %while3A_70, %while3A_71 : i32
    %while3A_73 = arith.constant 1 : i32
    %while3A_74 = arith.divsi %while3A_71, %while3A_73 : i32
    %while3A_75 = arith.muli %while3A_74, %while3A_73 : i32
    %while3A_76 = arith.addi %while3A_70, %while3A_75 : i32
    %while3A_77 = arith.constant 1 : i32
    scf.for %while3A_115 = %while3A_70 to %while3A_76 step %while3A_77  : i32 {
      %rem3A = arith.constant 2 : i32
      %rem3A_116 = arith.remsi %while3A_115, %rem3A : i32
      %ge3A = arith.constant 2 : i32
      %ge3A_117 = arith.cmpi sge, %while3A_115, %ge3A : i32
      %convert_element_type3A = arith.extui %ge3A_117 : i1 to i32
      %cond3A = arith.constant 0 : i32
      %cond3A_118 = arith.cmpi ne, %convert_element_type3A, %cond3A : i32
      scf.if %cond3A_118 {
        %dma_wait3A_141 = arith.constant 0 : i32
        %dma_wait3A_142 = arith.constant 0 : i32
        %dma_wait3A_143 = tpu.memref_slice %arg11[%rem3A_116, %dma_wait3A_141, %dma_wait3A_142] : memref<2x80x128xf32, #tpu.memory_space<vmem>> -> memref<1x80x128xf32, #tpu.memory_space<vmem>>
        %dma_wait3A_144 = tpu.memref_squeeze %dma_wait3A_143 : memref<1x80x128xf32, #tpu.memory_space<vmem>> -> memref<80x128xf32, #tpu.memory_space<vmem>>
        %dma_wait3A_145 = arith.constant 0 : i32
        %dma_wait3A_146 = tpu.memref_slice %arg7[%arg0, %mul3A_2, %dma_wait3A_145] : memref<2x10000x128xf32, #tpu.memory_space<hbm>> -> memref<1x80x128xf32, #tpu.memory_space<hbm>>
        %dma_wait3A_147 = tpu.memref_squeeze %dma_wait3A_146 : memref<1x80x128xf32, #tpu.memory_space<hbm>> -> memref<80x128xf32, #tpu.memory_space<hbm>>
        %dma_wait3A_148 = tpu.memref_slice %arg13[%rem3A_116] : memref<2x!tpu.dma_semaphore, #tpu.memory_space<semaphore_mem>> -> memref<1x!tpu.dma_semaphore, #tpu.memory_space<semaphore_mem>>
        %dma_wait3A_149 = tpu.memref_squeeze %dma_wait3A_148 : memref<1x!tpu.dma_semaphore, #tpu.memory_space<semaphore_mem>> -> memref<!tpu.dma_semaphore, #tpu.memory_space<semaphore_mem>>
        %dma_wait3A_150 = arith.constant 0 : i32
        %dma_wait3A_151 = tpu.memref_slice %arg7[%arg0, %mul3A_2, %dma_wait3A_150] : memref<2x10000x128xf32, #tpu.memory_space<hbm>> -> memref<1x80x128xf32, #tpu.memory_space<hbm>>
        %dma_wait3A_152 = tpu.memref_squeeze %dma_wait3A_151 : memref<1x80x128xf32, #tpu.memory_space<hbm>> -> memref<80x128xf32, #tpu.memory_space<hbm>>
        %dma_wait3A_153 = arith.constant 0 : i32
        %dma_wait3A_154 = arith.constant 0 : i32
        %dma_wait3A_155 = tpu.memref_slice %arg11[%rem3A_116, %dma_wait3A_153, %dma_wait3A_154] : memref<2x80x128xf32, #tpu.memory_space<vmem>> -> memref<1x80x128xf32, #tpu.memory_space<vmem>>
        %dma_wait3A_156 = tpu.memref_squeeze %dma_wait3A_155 : memref<1x80x128xf32, #tpu.memory_space<vmem>> -> memref<80x128xf32, #tpu.memory_space<vmem>>
        tpu.wait_dma2 semaphore(%dma_wait3A_149 : memref<!tpu.dma_semaphore, #tpu.memory_space<semaphore_mem>>) src(%dma_wait3A_156 : memref<80x128xf32, #tpu.memory_space<vmem>>) dst(%dma_wait3A_152 : memref<80x128xf32, #tpu.memory_space<hbm>>)
      } else {
      }
      %mul3A_119 = arith.constant 80 : i32
      %mul3A_120 = arith.muli %while3A_115, %mul3A_119 : i32
      %add3A_121 = arith.addi %mul3A_2, %mul3A_120 : i32
      "tpu.region"() ({
        %run_scoped3A_141 = tpu.sem_alloc : memref<!tpu.dma_semaphore, #tpu.memory_space<semaphore_mem>>
        %dma_start3A_142 = arith.constant 0 : i32
        %dma_start3A_143 = arith.constant 0 : i32
        %dma_start3A_144 = tpu.memref_slice %arg11[%rem3A_116, %dma_start3A_142, %dma_start3A_143] : memref<2x80x128xf32, #tpu.memory_space<vmem>> -> memref<1x80x128xf32, #tpu.memory_space<vmem>>
        %dma_start3A_145 = tpu.memref_squeeze %dma_start3A_144 : memref<1x80x128xf32, #tpu.memory_space<vmem>> -> memref<80x128xf32, #tpu.memory_space<vmem>>
        %dma_start3A_146 = arith.constant 0 : i32
        %dma_start3A_147 = tpu.memref_slice %arg12[%add3A_121, %dma_start3A_146] : memref<10000x128xf32, #tpu.memory_space<vmem_shared>> -> memref<80x128xf32, #tpu.memory_space<vmem_shared>>
        %dma_start3A_148 = arith.constant 0 : i32
        %dma_start3A_149 = arith.constant 0 : i32
        %dma_start3A_150 = tpu.memref_slice %arg11[%rem3A_116, %dma_start3A_148, %dma_start3A_149] : memref<2x80x128xf32, #tpu.memory_space<vmem>> -> memref<1x80x128xf32, #tpu.memory_space<vmem>>
        %dma_start3A_151 = tpu.memref_squeeze %dma_start3A_150 : memref<1x80x128xf32, #tpu.memory_space<vmem>> -> memref<80x128xf32, #tpu.memory_space<vmem>>
        %dma_start3A_152 = arith.constant 0 : i32
        %dma_start3A_153 = tpu.memref_slice %arg12[%add3A_121, %dma_start3A_152] : memref<10000x128xf32, #tpu.memory_space<vmem_shared>> -> memref<80x128xf32, #tpu.memory_space<vmem_shared>>
        tpu.enqueue_dma source(%dma_start3A_153 : memref<80x128xf32, #tpu.memory_space<vmem_shared>>) target(%dma_start3A_151 : memref<80x128xf32, #tpu.memory_space<vmem>>) target_semaphore(%run_scoped3A_141 : memref<!tpu.dma_semaphore, #tpu.memory_space<semaphore_mem>>)
        %dma_wait3A_154 = arith.constant 0 : i32
        %dma_wait3A_155 = arith.constant 0 : i32
        %dma_wait3A_156 = tpu.memref_slice %arg11[%rem3A_116, %dma_wait3A_154, %dma_wait3A_155] : memref<2x80x128xf32, #tpu.memory_space<vmem>> -> memref<1x80x128xf32, #tpu.memory_space<vmem>>
        %dma_wait3A_157 = tpu.memref_squeeze %dma_wait3A_156 : memref<1x80x128xf32, #tpu.memory_space<vmem>> -> memref<80x128xf32, #tpu.memory_space<vmem>>
        %dma_wait3A_158 = arith.constant 0 : i32
        %dma_wait3A_159 = tpu.memref_slice %arg12[%add3A_121, %dma_wait3A_158] : memref<10000x128xf32, #tpu.memory_space<vmem_shared>> -> memref<80x128xf32, #tpu.memory_space<vmem_shared>>
        %dma_wait3A_160 = arith.constant 0 : i32
        %dma_wait3A_161 = arith.constant 0 : i32
        %dma_wait3A_162 = tpu.memref_slice %arg11[%rem3A_116, %dma_wait3A_160, %dma_wait3A_161] : memref<2x80x128xf32, #tpu.memory_space<vmem>> -> memref<1x80x128xf32, #tpu.memory_space<vmem>>
        %dma_wait3A_163 = tpu.memref_squeeze %dma_wait3A_162 : memref<1x80x128xf32, #tpu.memory_space<vmem>> -> memref<80x128xf32, #tpu.memory_space<vmem>>
        %dma_wait3A_164 = arith.constant 0 : i32
        %dma_wait3A_165 = tpu.memref_slice %arg12[%add3A_121, %dma_wait3A_164] : memref<10000x128xf32, #tpu.memory_space<vmem_shared>> -> memref<80x128xf32, #tpu.memory_space<vmem_shared>>
        tpu.wait_dma2 semaphore(%run_scoped3A_141 : memref<!tpu.dma_semaphore, #tpu.memory_space<semaphore_mem>>) src(%dma_wait3A_165 : memref<80x128xf32, #tpu.memory_space<vmem_shared>>) dst(%dma_wait3A_163 : memref<80x128xf32, #tpu.memory_space<vmem>>)
        tpu.yield
      }) : () -> ()
      %mul3A_122 = arith.constant 80 : i32
      %mul3A_123 = arith.muli %while3A_115, %mul3A_122 : i32
      %add3A_124 = arith.addi %mul3A_2, %mul3A_123 : i32
      %dma_start3A_125 = arith.constant 0 : i32
      %dma_start3A_126 = arith.constant 0 : i32
      %dma_start3A_127 = tpu.memref_slice %arg11[%rem3A_116, %dma_start3A_125, %dma_start3A_126] : memref<2x80x128xf32, #tpu.memory_space<vmem>> -> memref<1x80x128xf32, #tpu.memory_space<vmem>>
      %dma_start3A_128 = tpu.memref_squeeze %dma_start3A_127 : memref<1x80x128xf32, #tpu.memory_space<vmem>> -> memref<80x128xf32, #tpu.memory_space<vmem>>
      %dma_start3A_129 = arith.constant 0 : i32
      %dma_start3A_130 = tpu.memref_slice %arg7[%arg0, %add3A_124, %dma_start3A_129] : memref<2x10000x128xf32, #tpu.memory_space<hbm>> -> memref<1x80x128xf32, #tpu.memory_space<hbm>>
      %dma_start3A_131 = tpu.memref_squeeze %dma_start3A_130 : memref<1x80x128xf32, #tpu.memory_space<hbm>> -> memref<80x128xf32, #tpu.memory_space<hbm>>
      %dma_start3A_132 = tpu.memref_slice %arg13[%rem3A_116] : memref<2x!tpu.dma_semaphore, #tpu.memory_space<semaphore_mem>> -> memref<1x!tpu.dma_semaphore, #tpu.memory_space<semaphore_mem>>
      %dma_start3A_133 = tpu.memref_squeeze %dma_start3A_132 : memref<1x!tpu.dma_semaphore, #tpu.memory_space<semaphore_mem>> -> memref<!tpu.dma_semaphore, #tpu.memory_space<semaphore_mem>>
      %dma_start3A_134 = arith.constant 0 : i32
      %dma_start3A_135 = tpu.memref_slice %arg7[%arg0, %add3A_124, %dma_start3A_134] : memref<2x10000x128xf32, #tpu.memory_space<hbm>> -> memref<1x80x128xf32, #tpu.memory_space<hbm>>
      %dma_start3A_136 = tpu.memref_squeeze %dma_start3A_135 : memref<1x80x128xf32, #tpu.memory_space<hbm>> -> memref<80x128xf32, #tpu.memory_space<hbm>>
      %dma_start3A_137 = arith.constant 0 : i32
      %dma_start3A_138 = arith.constant 0 : i32
      %dma_start3A_139 = tpu.memref_slice %arg11[%rem3A_116, %dma_start3A_137, %dma_start3A_138] : memref<2x80x128xf32, #tpu.memory_space<vmem>> -> memref<1x80x128xf32, #tpu.memory_space<vmem>>
      %dma_start3A_140 = tpu.memref_squeeze %dma_start3A_139 : memref<1x80x128xf32, #tpu.memory_space<vmem>> -> memref<80x128xf32, #tpu.memory_space<vmem>>
      tpu.enqueue_dma source(%dma_start3A_140 : memref<80x128xf32, #tpu.memory_space<vmem>>) target(%dma_start3A_136 : memref<80x128xf32, #tpu.memory_space<hbm>>) target_semaphore(%dma_start3A_133 : memref<!tpu.dma_semaphore, #tpu.memory_space<semaphore_mem>>)
    }
    %while3A_78 = arith.constant 1 : i32
    scf.for %while3A_115 = %while3A_76 to %while3A_72 step %while3A_78  : i32 {
      %rem3A = arith.constant 2 : i32
      %rem3A_116 = arith.remsi %while3A_115, %rem3A : i32
      %ge3A = arith.constant 2 : i32
      %ge3A_117 = arith.cmpi sge, %while3A_115, %ge3A : i32
      %convert_element_type3A = arith.extui %ge3A_117 : i1 to i32
      %cond3A = arith.constant 0 : i32
      %cond3A_118 = arith.cmpi ne, %convert_element_type3A, %cond3A : i32
      scf.if %cond3A_118 {
        %dma_wait3A_141 = arith.constant 0 : i32
        %dma_wait3A_142 = arith.constant 0 : i32
        %dma_wait3A_143 = tpu.memref_slice %arg11[%rem3A_116, %dma_wait3A_141, %dma_wait3A_142] : memref<2x80x128xf32, #tpu.memory_space<vmem>> -> memref<1x80x128xf32, #tpu.memory_space<vmem>>
        %dma_wait3A_144 = tpu.memref_squeeze %dma_wait3A_143 : memref<1x80x128xf32, #tpu.memory_space<vmem>> -> memref<80x128xf32, #tpu.memory_space<vmem>>
        %dma_wait3A_145 = arith.constant 0 : i32
        %dma_wait3A_146 = tpu.memref_slice %arg7[%arg0, %mul3A_2, %dma_wait3A_145] : memref<2x10000x128xf32, #tpu.memory_space<hbm>> -> memref<1x80x128xf32, #tpu.memory_space<hbm>>
        %dma_wait3A_147 = tpu.memref_squeeze %dma_wait3A_146 : memref<1x80x128xf32, #tpu.memory_space<hbm>> -> memref<80x128xf32, #tpu.memory_space<hbm>>
        %dma_wait3A_148 = tpu.memref_slice %arg13[%rem3A_116] : memref<2x!tpu.dma_semaphore, #tpu.memory_space<semaphore_mem>> -> memref<1x!tpu.dma_semaphore, #tpu.memory_space<semaphore_mem>>
        %dma_wait3A_149 = tpu.memref_squeeze %dma_wait3A_148 : memref<1x!tpu.dma_semaphore, #tpu.memory_space<semaphore_mem>> -> memref<!tpu.dma_semaphore, #tpu.memory_space<semaphore_mem>>
        %dma_wait3A_150 = arith.constant 0 : i32
        %dma_wait3A_151 = tpu.memref_slice %arg7[%arg0, %mul3A_2, %dma_wait3A_150] : memref<2x10000x128xf32, #tpu.memory_space<hbm>> -> memref<1x80x128xf32, #tpu.memory_space<hbm>>
        %dma_wait3A_152 = tpu.memref_squeeze %dma_wait3A_151 : memref<1x80x128xf32, #tpu.memory_space<hbm>> -> memref<80x128xf32, #tpu.memory_space<hbm>>
        %dma_wait3A_153 = arith.constant 0 : i32
        %dma_wait3A_154 = arith.constant 0 : i32
        %dma_wait3A_155 = tpu.memref_slice %arg11[%rem3A_116, %dma_wait3A_153, %dma_wait3A_154] : memref<2x80x128xf32, #tpu.memory_space<vmem>> -> memref<1x80x128xf32, #tpu.memory_space<vmem>>
        %dma_wait3A_156 = tpu.memref_squeeze %dma_wait3A_155 : memref<1x80x128xf32, #tpu.memory_space<vmem>> -> memref<80x128xf32, #tpu.memory_space<vmem>>
        tpu.wait_dma2 semaphore(%dma_wait3A_149 : memref<!tpu.dma_semaphore, #tpu.memory_space<semaphore_mem>>) src(%dma_wait3A_156 : memref<80x128xf32, #tpu.memory_space<vmem>>) dst(%dma_wait3A_152 : memref<80x128xf32, #tpu.memory_space<hbm>>)
      } else {
      }
      %mul3A_119 = arith.constant 80 : i32
      %mul3A_120 = arith.muli %while3A_115, %mul3A_119 : i32
      %add3A_121 = arith.addi %mul3A_2, %mul3A_120 : i32
      "tpu.region"() ({
        %run_scoped3A_141 = tpu.sem_alloc : memref<!tpu.dma_semaphore, #tpu.memory_space<semaphore_mem>>
        %dma_start3A_142 = arith.constant 0 : i32
        %dma_start3A_143 = arith.constant 0 : i32
        %dma_start3A_144 = tpu.memref_slice %arg11[%rem3A_116, %dma_start3A_142, %dma_start3A_143] : memref<2x80x128xf32, #tpu.memory_space<vmem>> -> memref<1x80x128xf32, #tpu.memory_space<vmem>>
        %dma_start3A_145 = tpu.memref_squeeze %dma_start3A_144 : memref<1x80x128xf32, #tpu.memory_space<vmem>> -> memref<80x128xf32, #tpu.memory_space<vmem>>
        %dma_start3A_146 = arith.constant 0 : i32
        %dma_start3A_147 = tpu.memref_slice %arg12[%add3A_121, %dma_start3A_146] : memref<10000x128xf32, #tpu.memory_space<vmem_shared>> -> memref<80x128xf32, #tpu.memory_space<vmem_shared>>
        %dma_start3A_148 = arith.constant 0 : i32
        %dma_start3A_149 = arith.constant 0 : i32
        %dma_start3A_150 = tpu.memref_slice %arg11[%rem3A_116, %dma_start3A_148, %dma_start3A_149] : memref<2x80x128xf32, #tpu.memory_space<vmem>> -> memref<1x80x128xf32, #tpu.memory_space<vmem>>
        %dma_start3A_151 = tpu.memref_squeeze %dma_start3A_150 : memref<1x80x128xf32, #tpu.memory_space<vmem>> -> memref<80x128xf32, #tpu.memory_space<vmem>>
        %dma_start3A_152 = arith.constant 0 : i32
        %dma_start3A_153 = tpu.memref_slice %arg12[%add3A_121, %dma_start3A_152] : memref<10000x128xf32, #tpu.memory_space<vmem_shared>> -> memref<80x128xf32, #tpu.memory_space<vmem_shared>>
        tpu.enqueue_dma source(%dma_start3A_153 : memref<80x128xf32, #tpu.memory_space<vmem_shared>>) target(%dma_start3A_151 : memref<80x128xf32, #tpu.memory_space<vmem>>) target_semaphore(%run_scoped3A_141 : memref<!tpu.dma_semaphore, #tpu.memory_space<semaphore_mem>>)
        %dma_wait3A_154 = arith.constant 0 : i32
        %dma_wait3A_155 = arith.constant 0 : i32
        %dma_wait3A_156 = tpu.memref_slice %arg11[%rem3A_116, %dma_wait3A_154, %dma_wait3A_155] : memref<2x80x128xf32, #tpu.memory_space<vmem>> -> memref<1x80x128xf32, #tpu.memory_space<vmem>>
        %dma_wait3A_157 = tpu.memref_squeeze %dma_wait3A_156 : memref<1x80x128xf32, #tpu.memory_space<vmem>> -> memref<80x128xf32, #tpu.memory_space<vmem>>
        %dma_wait3A_158 = arith.constant 0 : i32
        %dma_wait3A_159 = tpu.memref_slice %arg12[%add3A_121, %dma_wait3A_158] : memref<10000x128xf32, #tpu.memory_space<vmem_shared>> -> memref<80x128xf32, #tpu.memory_space<vmem_shared>>
        %dma_wait3A_160 = arith.constant 0 : i32
        %dma_wait3A_161 = arith.constant 0 : i32
        %dma_wait3A_162 = tpu.memref_slice %arg11[%rem3A_116, %dma_wait3A_160, %dma_wait3A_161] : memref<2x80x128xf32, #tpu.memory_space<vmem>> -> memref<1x80x128xf32, #tpu.memory_space<vmem>>
        %dma_wait3A_163 = tpu.memref_squeeze %dma_wait3A_162 : memref<1x80x128xf32, #tpu.memory_space<vmem>> -> memref<80x128xf32, #tpu.memory_space<vmem>>
        %dma_wait3A_164 = arith.constant 0 : i32
        %dma_wait3A_165 = tpu.memref_slice %arg12[%add3A_121, %dma_wait3A_164] : memref<10000x128xf32, #tpu.memory_space<vmem_shared>> -> memref<80x128xf32, #tpu.memory_space<vmem_shared>>
        tpu.wait_dma2 semaphore(%run_scoped3A_141 : memref<!tpu.dma_semaphore, #tpu.memory_space<semaphore_mem>>) src(%dma_wait3A_165 : memref<80x128xf32, #tpu.memory_space<vmem_shared>>) dst(%dma_wait3A_163 : memref<80x128xf32, #tpu.memory_space<vmem>>)
        tpu.yield
      }) : () -> ()
      %mul3A_122 = arith.constant 80 : i32
      %mul3A_123 = arith.muli %while3A_115, %mul3A_122 : i32
      %add3A_124 = arith.addi %mul3A_2, %mul3A_123 : i32
      %dma_start3A_125 = arith.constant 0 : i32
      %dma_start3A_126 = arith.constant 0 : i32
      %dma_start3A_127 = tpu.memref_slice %arg11[%rem3A_116, %dma_start3A_125, %dma_start3A_126] : memref<2x80x128xf32, #tpu.memory_space<vmem>> -> memref<1x80x128xf32, #tpu.memory_space<vmem>>
      %dma_start3A_128 = tpu.memref_squeeze %dma_start3A_127 : memref<1x80x128xf32, #tpu.memory_space<vmem>> -> memref<80x128xf32, #tpu.memory_space<vmem>>
      %dma_start3A_129 = arith.constant 0 : i32
      %dma_start3A_130 = tpu.memref_slice %arg7[%arg0, %add3A_124, %dma_start3A_129] : memref<2x10000x128xf32, #tpu.memory_space<hbm>> -> memref<1x80x128xf32, #tpu.memory_space<hbm>>
      %dma_start3A_131 = tpu.memref_squeeze %dma_start3A_130 : memref<1x80x128xf32, #tpu.memory_space<hbm>> -> memref<80x128xf32, #tpu.memory_space<hbm>>
      %dma_start3A_132 = tpu.memref_slice %arg13[%rem3A_116] : memref<2x!tpu.dma_semaphore, #tpu.memory_space<semaphore_mem>> -> memref<1x!tpu.dma_semaphore, #tpu.memory_space<semaphore_mem>>
      %dma_start3A_133 = tpu.memref_squeeze %dma_start3A_132 : memref<1x!tpu.dma_semaphore, #tpu.memory_space<semaphore_mem>> -> memref<!tpu.dma_semaphore, #tpu.memory_space<semaphore_mem>>
      %dma_start3A_134 = arith.constant 0 : i32
      %dma_start3A_135 = tpu.memref_slice %arg7[%arg0, %add3A_124, %dma_start3A_134] : memref<2x10000x128xf32, #tpu.memory_space<hbm>> -> memref<1x80x128xf32, #tpu.memory_space<hbm>>
      %dma_start3A_136 = tpu.memref_squeeze %dma_start3A_135 : memref<1x80x128xf32, #tpu.memory_space<hbm>> -> memref<80x128xf32, #tpu.memory_space<hbm>>
      %dma_start3A_137 = arith.constant 0 : i32
      %dma_start3A_138 = arith.constant 0 : i32
      %dma_start3A_139 = tpu.memref_slice %arg11[%rem3A_116, %dma_start3A_137, %dma_start3A_138] : memref<2x80x128xf32, #tpu.memory_space<vmem>> -> memref<1x80x128xf32, #tpu.memory_space<vmem>>
      %dma_start3A_140 = tpu.memref_squeeze %dma_start3A_139 : memref<1x80x128xf32, #tpu.memory_space<vmem>> -> memref<80x128xf32, #tpu.memory_space<vmem>>
      tpu.enqueue_dma source(%dma_start3A_140 : memref<80x128xf32, #tpu.memory_space<vmem>>) target(%dma_start3A_136 : memref<80x128xf32, #tpu.memory_space<hbm>>) target_semaphore(%dma_start3A_133 : memref<!tpu.dma_semaphore, #tpu.memory_space<semaphore_mem>>)
    }
    %dma_wait3A_79 = arith.constant 0 : i32
    %dma_wait3A_80 = arith.constant 0 : i32
    %dma_wait3A_81 = arith.constant 0 : i32
    %dma_wait3A_82 = arith.constant 0 : i32
    %dma_wait3A_83 = tpu.memref_slice %arg11[%dma_wait3A_79, %dma_wait3A_81, %dma_wait3A_82] : memref<2x80x128xf32, #tpu.memory_space<vmem>> -> memref<1x80x128xf32, #tpu.memory_space<vmem>>
    %dma_wait3A_84 = tpu.memref_squeeze %dma_wait3A_83 : memref<1x80x128xf32, #tpu.memory_space<vmem>> -> memref<80x128xf32, #tpu.memory_space<vmem>>
    %dma_wait3A_85 = arith.constant 0 : i32
    %dma_wait3A_86 = tpu.memref_slice %arg7[%arg0, %mul3A_2, %dma_wait3A_85] : memref<2x10000x128xf32, #tpu.memory_space<hbm>> -> memref<1x80x128xf32, #tpu.memory_space<hbm>>
    %dma_wait3A_87 = tpu.memref_squeeze %dma_wait3A_86 : memref<1x80x128xf32, #tpu.memory_space<hbm>> -> memref<80x128xf32, #tpu.memory_space<hbm>>
    %dma_wait3A_88 = tpu.memref_slice %arg13[%dma_wait3A_80] : memref<2x!tpu.dma_semaphore, #tpu.memory_space<semaphore_mem>> -> memref<1x!tpu.dma_semaphore, #tpu.memory_space<semaphore_mem>>
    %dma_wait3A_89 = tpu.memref_squeeze %dma_wait3A_88 : memref<1x!tpu.dma_semaphore, #tpu.memory_space<semaphore_mem>> -> memref<!tpu.dma_semaphore, #tpu.memory_space<semaphore_mem>>
    %dma_wait3A_90 = arith.constant 0 : i32
    %dma_wait3A_91 = tpu.memref_slice %arg7[%arg0, %mul3A_2, %dma_wait3A_90] : memref<2x10000x128xf32, #tpu.memory_space<hbm>> -> memref<1x80x128xf32, #tpu.memory_space<hbm>>
    %dma_wait3A_92 = tpu.memref_squeeze %dma_wait3A_91 : memref<1x80x128xf32, #tpu.memory_space<hbm>> -> memref<80x128xf32, #tpu.memory_space<hbm>>
    %dma_wait3A_93 = arith.constant 0 : i32
    %dma_wait3A_94 = arith.constant 0 : i32
    %dma_wait3A_95 = tpu.memref_slice %arg11[%dma_wait3A_79, %dma_wait3A_93, %dma_wait3A_94] : memref<2x80x128xf32, #tpu.memory_space<vmem>> -> memref<1x80x128xf32, #tpu.memory_space<vmem>>
    %dma_wait3A_96 = tpu.memref_squeeze %dma_wait3A_95 : memref<1x80x128xf32, #tpu.memory_space<vmem>> -> memref<80x128xf32, #tpu.memory_space<vmem>>
    tpu.wait_dma2 semaphore(%dma_wait3A_89 : memref<!tpu.dma_semaphore, #tpu.memory_space<semaphore_mem>>) src(%dma_wait3A_96 : memref<80x128xf32, #tpu.memory_space<vmem>>) dst(%dma_wait3A_92 : memref<80x128xf32, #tpu.memory_space<hbm>>)
    %dma_wait3A_97 = arith.constant 1 : i32
    %dma_wait3A_98 = arith.constant 1 : i32
    %dma_wait3A_99 = arith.constant 0 : i32
    %dma_wait3A_100 = arith.constant 0 : i32
    %dma_wait3A_101 = tpu.memref_slice %arg11[%dma_wait3A_97, %dma_wait3A_99, %dma_wait3A_100] : memref<2x80x128xf32, #tpu.memory_space<vmem>> -> memref<1x80x128xf32, #tpu.memory_space<vmem>>
    %dma_wait3A_102 = tpu.memref_squeeze %dma_wait3A_101 : memref<1x80x128xf32, #tpu.memory_space<vmem>> -> memref<80x128xf32, #tpu.memory_space<vmem>>
    %dma_wait3A_103 = arith.constant 0 : i32
    %dma_wait3A_104 = tpu.memref_slice %arg7[%arg0, %mul3A_2, %dma_wait3A_103] : memref<2x10000x128xf32, #tpu.memory_space<hbm>> -> memref<1x80x128xf32, #tpu.memory_space<hbm>>
    %dma_wait3A_105 = tpu.memref_squeeze %dma_wait3A_104 : memref<1x80x128xf32, #tpu.memory_space<hbm>> -> memref<80x128xf32, #tpu.memory_space<hbm>>
    %dma_wait3A_106 = tpu.memref_slice %arg13[%dma_wait3A_98] : memref<2x!tpu.dma_semaphore, #tpu.memory_space<semaphore_mem>> -> memref<1x!tpu.dma_semaphore, #tpu.memory_space<semaphore_mem>>
    %dma_wait3A_107 = tpu.memref_squeeze %dma_wait3A_106 : memref<1x!tpu.dma_semaphore, #tpu.memory_space<semaphore_mem>> -> memref<!tpu.dma_semaphore, #tpu.memory_space<semaphore_mem>>
    %dma_wait3A_108 = arith.constant 0 : i32
    %dma_wait3A_109 = tpu.memref_slice %arg7[%arg0, %mul3A_2, %dma_wait3A_108] : memref<2x10000x128xf32, #tpu.memory_space<hbm>> -> memref<1x80x128xf32, #tpu.memory_space<hbm>>
    %dma_wait3A_110 = tpu.memref_squeeze %dma_wait3A_109 : memref<1x80x128xf32, #tpu.memory_space<hbm>> -> memref<80x128xf32, #tpu.memory_space<hbm>>
    %dma_wait3A_111 = arith.constant 0 : i32
    %dma_wait3A_112 = arith.constant 0 : i32
    %dma_wait3A_113 = tpu.memref_slice %arg11[%dma_wait3A_97, %dma_wait3A_111, %dma_wait3A_112] : memref<2x80x128xf32, #tpu.memory_space<vmem>> -> memref<1x80x128xf32, #tpu.memory_space<vmem>>
    %dma_wait3A_114 = tpu.memref_squeeze %dma_wait3A_113 : memref<1x80x128xf32, #tpu.memory_space<vmem>> -> memref<80x128xf32, #tpu.memory_space<vmem>>
    tpu.wait_dma2 semaphore(%dma_wait3A_107 : memref<!tpu.dma_semaphore, #tpu.memory_space<semaphore_mem>>) src(%dma_wait3A_114 : memref<80x128xf32, #tpu.memory_space<vmem>>) dst(%dma_wait3A_110 : memref<80x128xf32, #tpu.memory_space<hbm>>)
    return
  }
}

#map = affine_map<(d0, d1) -> (0, 0)>
#map1 = affine_map<(d0, d1) -> (0, 0, 0, 0, 0)>
#map2 = affine_map<(d0, d1) -> (0, 0, 0)>
module attributes {stable_mosaic.version = 14 : i64} {
  func.func @body(%arg0: i32, %arg1: i32, %arg2: memref<10000x128xf32, #tpu.memory_space<hbm>>, %arg3: memref<2x32x5x25x80xi32, #tpu.memory_space<hbm>>, %arg4: memref<80x128xf32, #tpu.memory_space<hbm>>, %arg5: memref<2x10000x128xf32, #tpu.memory_space<hbm>>, %arg6: memref<2x25x80xi32, #tpu.memory_space<vmem>>, %arg7: memref<2x25x80xi32, #tpu.memory_space<vmem>>, %arg8: memref<3x80x128xf32, #tpu.memory_space<vmem>>, %arg9: memref<10000x128xf32, #tpu.memory_space<vmem_shared>>, %arg10: memref<3x!tpu.dma_semaphore, #tpu.memory_space<semaphore_mem>>, %arg11: memref<2x!tpu.dma_semaphore, #tpu.memory_space<semaphore_mem>>, %arg12: memref<3x!tpu.dma_semaphore, #tpu.memory_space<semaphore_mem>>) attributes {dimension_semantics = [#tpu.dimension_semantics<core_parallel>, #tpu.dimension_semantics<subcore_parallel>], iteration_bounds = array<i64: 2, 16>, scalar_prefetch = 0 : i64, scratch_operands = 7 : i64, tpu.core_type = #tpu.core_type<sc_vector_subcore>, window_params = [{transform_indices = #map}, {transform_indices = #map1}, {transform_indices = #map}, {transform_indices = #map2}]} {
    %mul3A = arith.constant 16 : i32
    %mul3A_0 = arith.muli %arg0, %mul3A : i32
    %add3A = arith.addi %mul3A_0, %arg1 : i32
    %mul3A_1 = arith.constant 640 : i32
    %mul3A_2 = arith.muli %arg1, %mul3A_1 : i32
    %eq3A = arith.constant 15 : i32
    %eq3A_3 = arith.cmpi eq, %arg1, %eq3A : i32
    %jit3A = arith.constant 5 : i32
    %jit3A_4 = arith.constant 8 : i32
    %select_n3A = arith.select %eq3A_3, %jit3A, %jit3A_4 : i32
    %run_scoped3A = arith.constant 1 : i32
    "tpu.region"() ({
      %run_scoped3A_131 = tpu.sem_alloc : memref<!tpu.dma_semaphore, #tpu.memory_space<semaphore_mem>>
      %dma_start3A_132 = arith.constant 0 : i32
      %dma_start3A_133 = arith.constant 0 : i32
      %dma_start3A_134 = tpu.memref_slice %arg8[%run_scoped3A, %dma_start3A_132, %dma_start3A_133] : memref<3x80x128xf32, #tpu.memory_space<vmem>> -> memref<1x80x128xf32, #tpu.memory_space<vmem>>
      %dma_start3A_135 = tpu.memref_squeeze %dma_start3A_134 : memref<1x80x128xf32, #tpu.memory_space<vmem>> -> memref<80x128xf32, #tpu.memory_space<vmem>>
      %dma_start3A_136 = arith.constant 0 : i32
      %dma_start3A_137 = arith.constant 0 : i32
      %dma_start3A_138 = tpu.memref_slice %arg8[%run_scoped3A, %dma_start3A_136, %dma_start3A_137] : memref<3x80x128xf32, #tpu.memory_space<vmem>> -> memref<1x80x128xf32, #tpu.memory_space<vmem>>
      %dma_start3A_139 = tpu.memref_squeeze %dma_start3A_138 : memref<1x80x128xf32, #tpu.memory_space<vmem>> -> memref<80x128xf32, #tpu.memory_space<vmem>>
      tpu.enqueue_dma source(%arg4 : memref<80x128xf32, #tpu.memory_space<hbm>>) target(%dma_start3A_139 : memref<80x128xf32, #tpu.memory_space<vmem>>) target_semaphore(%run_scoped3A_131 : memref<!tpu.dma_semaphore, #tpu.memory_space<semaphore_mem>>)
      %dma_wait3A_140 = arith.constant 0 : i32
      %dma_wait3A_141 = arith.constant 0 : i32
      %dma_wait3A_142 = tpu.memref_slice %arg8[%run_scoped3A, %dma_wait3A_140, %dma_wait3A_141] : memref<3x80x128xf32, #tpu.memory_space<vmem>> -> memref<1x80x128xf32, #tpu.memory_space<vmem>>
      %dma_wait3A_143 = tpu.memref_squeeze %dma_wait3A_142 : memref<1x80x128xf32, #tpu.memory_space<vmem>> -> memref<80x128xf32, #tpu.memory_space<vmem>>
      %dma_wait3A_144 = arith.constant 0 : i32
      %dma_wait3A_145 = arith.constant 0 : i32
      %dma_wait3A_146 = tpu.memref_slice %arg8[%run_scoped3A, %dma_wait3A_144, %dma_wait3A_145] : memref<3x80x128xf32, #tpu.memory_space<vmem>> -> memref<1x80x128xf32, #tpu.memory_space<vmem>>
      %dma_wait3A_147 = tpu.memref_squeeze %dma_wait3A_146 : memref<1x80x128xf32, #tpu.memory_space<vmem>> -> memref<80x128xf32, #tpu.memory_space<vmem>>
      tpu.wait_dma2 semaphore(%run_scoped3A_131 : memref<!tpu.dma_semaphore, #tpu.memory_space<semaphore_mem>>) src(%arg4 : memref<80x128xf32, #tpu.memory_space<hbm>>) dst(%dma_wait3A_147 : memref<80x128xf32, #tpu.memory_space<vmem>>)
      tpu.yield
    }) : () -> ()
    %while3A = arith.constant 0 : i32
    %while3A_5 = arith.constant 0 : i32
    %while3A_6 = arith.subi %select_n3A, %while3A_5 : i32
    %while3A_7 = arith.addi %while3A_5, %while3A_6 : i32
    %while3A_8 = arith.constant 1 : i32
    %while3A_9 = arith.divsi %while3A_6, %while3A_8 : i32
    %while3A_10 = arith.muli %while3A_9, %while3A_8 : i32
    %while3A_11 = arith.addi %while3A_5, %while3A_10 : i32
    %while3A_12 = arith.constant 1 : i32
    scf.for %while3A_131 = %while3A_5 to %while3A_11 step %while3A_12  : i32 {
      %mul3A_132 = arith.constant 80 : i32
      %mul3A_133 = arith.muli %while3A_131, %mul3A_132 : i32
      %add3A_134 = arith.addi %mul3A_2, %mul3A_133 : i32
      %dma_start3A_135 = arith.constant 1 : i32
      %dma_start3A_136 = arith.constant 0 : i32
      %dma_start3A_137 = arith.constant 0 : i32
      %dma_start3A_138 = arith.constant 0 : i32
      %dma_start3A_139 = tpu.memref_slice %arg8[%dma_start3A_135, %dma_start3A_137, %dma_start3A_138] : memref<3x80x128xf32, #tpu.memory_space<vmem>> -> memref<1x80x128xf32, #tpu.memory_space<vmem>>
      %dma_start3A_140 = tpu.memref_squeeze %dma_start3A_139 : memref<1x80x128xf32, #tpu.memory_space<vmem>> -> memref<80x128xf32, #tpu.memory_space<vmem>>
      %dma_start3A_141 = arith.constant 0 : i32
      %dma_start3A_142 = tpu.memref_slice %arg9[%add3A_134, %dma_start3A_141] : memref<10000x128xf32, #tpu.memory_space<vmem_shared>> -> memref<80x128xf32, #tpu.memory_space<vmem_shared>>
      %dma_start3A_143 = tpu.memref_slice %arg12[%dma_start3A_136] : memref<3x!tpu.dma_semaphore, #tpu.memory_space<semaphore_mem>> -> memref<1x!tpu.dma_semaphore, #tpu.memory_space<semaphore_mem>>
      %dma_start3A_144 = tpu.memref_squeeze %dma_start3A_143 : memref<1x!tpu.dma_semaphore, #tpu.memory_space<semaphore_mem>> -> memref<!tpu.dma_semaphore, #tpu.memory_space<semaphore_mem>>
      %dma_start3A_145 = arith.constant 0 : i32
      %dma_start3A_146 = tpu.memref_slice %arg9[%add3A_134, %dma_start3A_145] : memref<10000x128xf32, #tpu.memory_space<vmem_shared>> -> memref<80x128xf32, #tpu.memory_space<vmem_shared>>
      %dma_start3A_147 = arith.constant 0 : i32
      %dma_start3A_148 = arith.constant 0 : i32
      %dma_start3A_149 = tpu.memref_slice %arg8[%dma_start3A_135, %dma_start3A_147, %dma_start3A_148] : memref<3x80x128xf32, #tpu.memory_space<vmem>> -> memref<1x80x128xf32, #tpu.memory_space<vmem>>
      %dma_start3A_150 = tpu.memref_squeeze %dma_start3A_149 : memref<1x80x128xf32, #tpu.memory_space<vmem>> -> memref<80x128xf32, #tpu.memory_space<vmem>>
      tpu.enqueue_dma source(%dma_start3A_150 : memref<80x128xf32, #tpu.memory_space<vmem>>) target(%dma_start3A_146 : memref<80x128xf32, #tpu.memory_space<vmem_shared>>) target_semaphore(%dma_start3A_144 : memref<!tpu.dma_semaphore, #tpu.memory_space<semaphore_mem>>)
    }
    %while3A_13 = arith.constant 1 : i32
    scf.for %while3A_131 = %while3A_11 to %while3A_7 step %while3A_13  : i32 {
      %mul3A_132 = arith.constant 80 : i32
      %mul3A_133 = arith.muli %while3A_131, %mul3A_132 : i32
      %add3A_134 = arith.addi %mul3A_2, %mul3A_133 : i32
      %dma_start3A_135 = arith.constant 1 : i32
      %dma_start3A_136 = arith.constant 0 : i32
      %dma_start3A_137 = arith.constant 0 : i32
      %dma_start3A_138 = arith.constant 0 : i32
      %dma_start3A_139 = tpu.memref_slice %arg8[%dma_start3A_135, %dma_start3A_137, %dma_start3A_138] : memref<3x80x128xf32, #tpu.memory_space<vmem>> -> memref<1x80x128xf32, #tpu.memory_space<vmem>>
      %dma_start3A_140 = tpu.memref_squeeze %dma_start3A_139 : memref<1x80x128xf32, #tpu.memory_space<vmem>> -> memref<80x128xf32, #tpu.memory_space<vmem>>
      %dma_start3A_141 = arith.constant 0 : i32
      %dma_start3A_142 = tpu.memref_slice %arg9[%add3A_134, %dma_start3A_141] : memref<10000x128xf32, #tpu.memory_space<vmem_shared>> -> memref<80x128xf32, #tpu.memory_space<vmem_shared>>
      %dma_start3A_143 = tpu.memref_slice %arg12[%dma_start3A_136] : memref<3x!tpu.dma_semaphore, #tpu.memory_space<semaphore_mem>> -> memref<1x!tpu.dma_semaphore, #tpu.memory_space<semaphore_mem>>
      %dma_start3A_144 = tpu.memref_squeeze %dma_start3A_143 : memref<1x!tpu.dma_semaphore, #tpu.memory_space<semaphore_mem>> -> memref<!tpu.dma_semaphore, #tpu.memory_space<semaphore_mem>>
      %dma_start3A_145 = arith.constant 0 : i32
      %dma_start3A_146 = tpu.memref_slice %arg9[%add3A_134, %dma_start3A_145] : memref<10000x128xf32, #tpu.memory_space<vmem_shared>> -> memref<80x128xf32, #tpu.memory_space<vmem_shared>>
      %dma_start3A_147 = arith.constant 0 : i32
      %dma_start3A_148 = arith.constant 0 : i32
      %dma_start3A_149 = tpu.memref_slice %arg8[%dma_start3A_135, %dma_start3A_147, %dma_start3A_148] : memref<3x80x128xf32, #tpu.memory_space<vmem>> -> memref<1x80x128xf32, #tpu.memory_space<vmem>>
      %dma_start3A_150 = tpu.memref_squeeze %dma_start3A_149 : memref<1x80x128xf32, #tpu.memory_space<vmem>> -> memref<80x128xf32, #tpu.memory_space<vmem>>
      tpu.enqueue_dma source(%dma_start3A_150 : memref<80x128xf32, #tpu.memory_space<vmem>>) target(%dma_start3A_146 : memref<80x128xf32, #tpu.memory_space<vmem_shared>>) target_semaphore(%dma_start3A_144 : memref<!tpu.dma_semaphore, #tpu.memory_space<semaphore_mem>>)
    }
    %run_scoped3A_14 = arith.constant 0 : i32
    %run_scoped3A_15 = arith.constant 0 : i32
    %run_scoped3A_16 = arith.constant 0 : i32
    "tpu.region"() ({
      %run_scoped3A_131 = tpu.sem_alloc : memref<!tpu.dma_semaphore, #tpu.memory_space<semaphore_mem>>
      %dma_start3A_132 = arith.constant 0 : i32
      %dma_start3A_133 = arith.constant 0 : i32
      %dma_start3A_134 = tpu.memref_slice %arg6[%run_scoped3A_16, %dma_start3A_132, %dma_start3A_133] : memref<2x25x80xi32, #tpu.memory_space<vmem>> -> memref<1x25x80xi32, #tpu.memory_space<vmem>>
      %dma_start3A_135 = tpu.memref_squeeze %dma_start3A_134 : memref<1x25x80xi32, #tpu.memory_space<vmem>> -> memref<25x80xi32, #tpu.memory_space<vmem>>
      %dma_start3A_136 = arith.constant 0 : i32
      %dma_start3A_137 = arith.constant 0 : i32
      %dma_start3A_138 = arith.constant 0 : i32
      %dma_start3A_139 = arith.constant 0 : i32
      %dma_start3A_140 = tpu.memref_slice %arg3[%run_scoped3A_14, %dma_start3A_136, %dma_start3A_137, %dma_start3A_138, %dma_start3A_139] : memref<2x32x5x25x80xi32, #tpu.memory_space<hbm>> -> memref<1x32x5x25x80xi32, #tpu.memory_space<hbm>>
      %dma_start3A_141 = tpu.memref_squeeze %dma_start3A_140 : memref<1x32x5x25x80xi32, #tpu.memory_space<hbm>> -> memref<32x5x25x80xi32, #tpu.memory_space<hbm>>
      %dma_start3A_142 = arith.constant 0 : i32
      %dma_start3A_143 = arith.constant 0 : i32
      %dma_start3A_144 = tpu.memref_slice %dma_start3A_141[%add3A, %run_scoped3A_15, %dma_start3A_142, %dma_start3A_143] : memref<32x5x25x80xi32, #tpu.memory_space<hbm>> -> memref<1x1x25x80xi32, #tpu.memory_space<hbm>>
      %dma_start3A_145 = tpu.memref_squeeze %dma_start3A_144 : memref<1x1x25x80xi32, #tpu.memory_space<hbm>> -> memref<25x80xi32, #tpu.memory_space<hbm>>
      %dma_start3A_146 = arith.constant 0 : i32
      %dma_start3A_147 = arith.constant 0 : i32
      %dma_start3A_148 = tpu.memref_slice %arg6[%run_scoped3A_16, %dma_start3A_146, %dma_start3A_147] : memref<2x25x80xi32, #tpu.memory_space<vmem>> -> memref<1x25x80xi32, #tpu.memory_space<vmem>>
      %dma_start3A_149 = tpu.memref_squeeze %dma_start3A_148 : memref<1x25x80xi32, #tpu.memory_space<vmem>> -> memref<25x80xi32, #tpu.memory_space<vmem>>
      %dma_start3A_150 = arith.constant 0 : i32
      %dma_start3A_151 = arith.constant 0 : i32
      %dma_start3A_152 = arith.constant 0 : i32
      %dma_start3A_153 = arith.constant 0 : i32
      %dma_start3A_154 = tpu.memref_slice %arg3[%run_scoped3A_14, %dma_start3A_150, %dma_start3A_151, %dma_start3A_152, %dma_start3A_153] : memref<2x32x5x25x80xi32, #tpu.memory_space<hbm>> -> memref<1x32x5x25x80xi32, #tpu.memory_space<hbm>>
      %dma_start3A_155 = tpu.memref_squeeze %dma_start3A_154 : memref<1x32x5x25x80xi32, #tpu.memory_space<hbm>> -> memref<32x5x25x80xi32, #tpu.memory_space<hbm>>
      %dma_start3A_156 = arith.constant 0 : i32
      %dma_start3A_157 = arith.constant 0 : i32
      %dma_start3A_158 = tpu.memref_slice %dma_start3A_155[%add3A, %run_scoped3A_15, %dma_start3A_156, %dma_start3A_157] : memref<32x5x25x80xi32, #tpu.memory_space<hbm>> -> memref<1x1x25x80xi32, #tpu.memory_space<hbm>>
      %dma_start3A_159 = tpu.memref_squeeze %dma_start3A_158 : memref<1x1x25x80xi32, #tpu.memory_space<hbm>> -> memref<25x80xi32, #tpu.memory_space<hbm>>
      tpu.enqueue_dma source(%dma_start3A_159 : memref<25x80xi32, #tpu.memory_space<hbm>>) target(%dma_start3A_149 : memref<25x80xi32, #tpu.memory_space<vmem>>) target_semaphore(%run_scoped3A_131 : memref<!tpu.dma_semaphore, #tpu.memory_space<semaphore_mem>>)
      %dma_wait3A_160 = arith.constant 0 : i32
      %dma_wait3A_161 = arith.constant 0 : i32
      %dma_wait3A_162 = tpu.memref_slice %arg6[%run_scoped3A_16, %dma_wait3A_160, %dma_wait3A_161] : memref<2x25x80xi32, #tpu.memory_space<vmem>> -> memref<1x25x80xi32, #tpu.memory_space<vmem>>
      %dma_wait3A_163 = tpu.memref_squeeze %dma_wait3A_162 : memref<1x25x80xi32, #tpu.memory_space<vmem>> -> memref<25x80xi32, #tpu.memory_space<vmem>>
      %dma_wait3A_164 = arith.constant 0 : i32
      %dma_wait3A_165 = arith.constant 0 : i32
      %dma_wait3A_166 = arith.constant 0 : i32
      %dma_wait3A_167 = arith.constant 0 : i32
      %dma_wait3A_168 = tpu.memref_slice %arg3[%run_scoped3A_14, %dma_wait3A_164, %dma_wait3A_165, %dma_wait3A_166, %dma_wait3A_167] : memref<2x32x5x25x80xi32, #tpu.memory_space<hbm>> -> memref<1x32x5x25x80xi32, #tpu.memory_space<hbm>>
      %dma_wait3A_169 = tpu.memref_squeeze %dma_wait3A_168 : memref<1x32x5x25x80xi32, #tpu.memory_space<hbm>> -> memref<32x5x25x80xi32, #tpu.memory_space<hbm>>
      %dma_wait3A_170 = arith.constant 0 : i32
      %dma_wait3A_171 = arith.constant 0 : i32
      %dma_wait3A_172 = tpu.memref_slice %dma_wait3A_169[%add3A, %run_scoped3A_15, %dma_wait3A_170, %dma_wait3A_171] : memref<32x5x25x80xi32, #tpu.memory_space<hbm>> -> memref<1x1x25x80xi32, #tpu.memory_space<hbm>>
      %dma_wait3A_173 = tpu.memref_squeeze %dma_wait3A_172 : memref<1x1x25x80xi32, #tpu.memory_space<hbm>> -> memref<25x80xi32, #tpu.memory_space<hbm>>
      %dma_wait3A_174 = arith.constant 0 : i32
      %dma_wait3A_175 = arith.constant 0 : i32
      %dma_wait3A_176 = tpu.memref_slice %arg6[%run_scoped3A_16, %dma_wait3A_174, %dma_wait3A_175] : memref<2x25x80xi32, #tpu.memory_space<vmem>> -> memref<1x25x80xi32, #tpu.memory_space<vmem>>
      %dma_wait3A_177 = tpu.memref_squeeze %dma_wait3A_176 : memref<1x25x80xi32, #tpu.memory_space<vmem>> -> memref<25x80xi32, #tpu.memory_space<vmem>>
      %dma_wait3A_178 = arith.constant 0 : i32
      %dma_wait3A_179 = arith.constant 0 : i32
      %dma_wait3A_180 = arith.constant 0 : i32
      %dma_wait3A_181 = arith.constant 0 : i32
      %dma_wait3A_182 = tpu.memref_slice %arg3[%run_scoped3A_14, %dma_wait3A_178, %dma_wait3A_179, %dma_wait3A_180, %dma_wait3A_181] : memref<2x32x5x25x80xi32, #tpu.memory_space<hbm>> -> memref<1x32x5x25x80xi32, #tpu.memory_space<hbm>>
      %dma_wait3A_183 = tpu.memref_squeeze %dma_wait3A_182 : memref<1x32x5x25x80xi32, #tpu.memory_space<hbm>> -> memref<32x5x25x80xi32, #tpu.memory_space<hbm>>
      %dma_wait3A_184 = arith.constant 0 : i32
      %dma_wait3A_185 = arith.constant 0 : i32
      %dma_wait3A_186 = tpu.memref_slice %dma_wait3A_183[%add3A, %run_scoped3A_15, %dma_wait3A_184, %dma_wait3A_185] : memref<32x5x25x80xi32, #tpu.memory_space<hbm>> -> memref<1x1x25x80xi32, #tpu.memory_space<hbm>>
      %dma_wait3A_187 = tpu.memref_squeeze %dma_wait3A_186 : memref<1x1x25x80xi32, #tpu.memory_space<hbm>> -> memref<25x80xi32, #tpu.memory_space<hbm>>
      tpu.wait_dma2 semaphore(%run_scoped3A_131 : memref<!tpu.dma_semaphore, #tpu.memory_space<semaphore_mem>>) src(%dma_wait3A_187 : memref<25x80xi32, #tpu.memory_space<hbm>>) dst(%dma_wait3A_177 : memref<25x80xi32, #tpu.memory_space<vmem>>)
      tpu.yield
    }) : () -> ()
    %run_scoped3A_17 = arith.constant 1 : i32
    %run_scoped3A_18 = arith.constant 0 : i32
    %run_scoped3A_19 = arith.constant 0 : i32
    "tpu.region"() ({
      %run_scoped3A_131 = tpu.sem_alloc : memref<!tpu.dma_semaphore, #tpu.memory_space<semaphore_mem>>
      %dma_start3A_132 = arith.constant 0 : i32
      %dma_start3A_133 = arith.constant 0 : i32
      %dma_start3A_134 = tpu.memref_slice %arg7[%run_scoped3A_19, %dma_start3A_132, %dma_start3A_133] : memref<2x25x80xi32, #tpu.memory_space<vmem>> -> memref<1x25x80xi32, #tpu.memory_space<vmem>>
      %dma_start3A_135 = tpu.memref_squeeze %dma_start3A_134 : memref<1x25x80xi32, #tpu.memory_space<vmem>> -> memref<25x80xi32, #tpu.memory_space<vmem>>
      %dma_start3A_136 = arith.constant 0 : i32
      %dma_start3A_137 = arith.constant 0 : i32
      %dma_start3A_138 = arith.constant 0 : i32
      %dma_start3A_139 = arith.constant 0 : i32
      %dma_start3A_140 = tpu.memref_slice %arg3[%run_scoped3A_17, %dma_start3A_136, %dma_start3A_137, %dma_start3A_138, %dma_start3A_139] : memref<2x32x5x25x80xi32, #tpu.memory_space<hbm>> -> memref<1x32x5x25x80xi32, #tpu.memory_space<hbm>>
      %dma_start3A_141 = tpu.memref_squeeze %dma_start3A_140 : memref<1x32x5x25x80xi32, #tpu.memory_space<hbm>> -> memref<32x5x25x80xi32, #tpu.memory_space<hbm>>
      %dma_start3A_142 = arith.constant 0 : i32
      %dma_start3A_143 = arith.constant 0 : i32
      %dma_start3A_144 = tpu.memref_slice %dma_start3A_141[%add3A, %run_scoped3A_18, %dma_start3A_142, %dma_start3A_143] : memref<32x5x25x80xi32, #tpu.memory_space<hbm>> -> memref<1x1x25x80xi32, #tpu.memory_space<hbm>>
      %dma_start3A_145 = tpu.memref_squeeze %dma_start3A_144 : memref<1x1x25x80xi32, #tpu.memory_space<hbm>> -> memref<25x80xi32, #tpu.memory_space<hbm>>
      %dma_start3A_146 = arith.constant 0 : i32
      %dma_start3A_147 = arith.constant 0 : i32
      %dma_start3A_148 = tpu.memref_slice %arg7[%run_scoped3A_19, %dma_start3A_146, %dma_start3A_147] : memref<2x25x80xi32, #tpu.memory_space<vmem>> -> memref<1x25x80xi32, #tpu.memory_space<vmem>>
      %dma_start3A_149 = tpu.memref_squeeze %dma_start3A_148 : memref<1x25x80xi32, #tpu.memory_space<vmem>> -> memref<25x80xi32, #tpu.memory_space<vmem>>
      %dma_start3A_150 = arith.constant 0 : i32
      %dma_start3A_151 = arith.constant 0 : i32
      %dma_start3A_152 = arith.constant 0 : i32
      %dma_start3A_153 = arith.constant 0 : i32
      %dma_start3A_154 = tpu.memref_slice %arg3[%run_scoped3A_17, %dma_start3A_150, %dma_start3A_151, %dma_start3A_152, %dma_start3A_153] : memref<2x32x5x25x80xi32, #tpu.memory_space<hbm>> -> memref<1x32x5x25x80xi32, #tpu.memory_space<hbm>>
      %dma_start3A_155 = tpu.memref_squeeze %dma_start3A_154 : memref<1x32x5x25x80xi32, #tpu.memory_space<hbm>> -> memref<32x5x25x80xi32, #tpu.memory_space<hbm>>
      %dma_start3A_156 = arith.constant 0 : i32
      %dma_start3A_157 = arith.constant 0 : i32
      %dma_start3A_158 = tpu.memref_slice %dma_start3A_155[%add3A, %run_scoped3A_18, %dma_start3A_156, %dma_start3A_157] : memref<32x5x25x80xi32, #tpu.memory_space<hbm>> -> memref<1x1x25x80xi32, #tpu.memory_space<hbm>>
      %dma_start3A_159 = tpu.memref_squeeze %dma_start3A_158 : memref<1x1x25x80xi32, #tpu.memory_space<hbm>> -> memref<25x80xi32, #tpu.memory_space<hbm>>
      tpu.enqueue_dma source(%dma_start3A_159 : memref<25x80xi32, #tpu.memory_space<hbm>>) target(%dma_start3A_149 : memref<25x80xi32, #tpu.memory_space<vmem>>) target_semaphore(%run_scoped3A_131 : memref<!tpu.dma_semaphore, #tpu.memory_space<semaphore_mem>>)
      %dma_wait3A_160 = arith.constant 0 : i32
      %dma_wait3A_161 = arith.constant 0 : i32
      %dma_wait3A_162 = tpu.memref_slice %arg7[%run_scoped3A_19, %dma_wait3A_160, %dma_wait3A_161] : memref<2x25x80xi32, #tpu.memory_space<vmem>> -> memref<1x25x80xi32, #tpu.memory_space<vmem>>
      %dma_wait3A_163 = tpu.memref_squeeze %dma_wait3A_162 : memref<1x25x80xi32, #tpu.memory_space<vmem>> -> memref<25x80xi32, #tpu.memory_space<vmem>>
      %dma_wait3A_164 = arith.constant 0 : i32
      %dma_wait3A_165 = arith.constant 0 : i32
      %dma_wait3A_166 = arith.constant 0 : i32
      %dma_wait3A_167 = arith.constant 0 : i32
      %dma_wait3A_168 = tpu.memref_slice %arg3[%run_scoped3A_17, %dma_wait3A_164, %dma_wait3A_165, %dma_wait3A_166, %dma_wait3A_167] : memref<2x32x5x25x80xi32, #tpu.memory_space<hbm>> -> memref<1x32x5x25x80xi32, #tpu.memory_space<hbm>>
      %dma_wait3A_169 = tpu.memref_squeeze %dma_wait3A_168 : memref<1x32x5x25x80xi32, #tpu.memory_space<hbm>> -> memref<32x5x25x80xi32, #tpu.memory_space<hbm>>
      %dma_wait3A_170 = arith.constant 0 : i32
      %dma_wait3A_171 = arith.constant 0 : i32
      %dma_wait3A_172 = tpu.memref_slice %dma_wait3A_169[%add3A, %run_scoped3A_18, %dma_wait3A_170, %dma_wait3A_171] : memref<32x5x25x80xi32, #tpu.memory_space<hbm>> -> memref<1x1x25x80xi32, #tpu.memory_space<hbm>>
      %dma_wait3A_173 = tpu.memref_squeeze %dma_wait3A_172 : memref<1x1x25x80xi32, #tpu.memory_space<hbm>> -> memref<25x80xi32, #tpu.memory_space<hbm>>
      %dma_wait3A_174 = arith.constant 0 : i32
      %dma_wait3A_175 = arith.constant 0 : i32
      %dma_wait3A_176 = tpu.memref_slice %arg7[%run_scoped3A_19, %dma_wait3A_174, %dma_wait3A_175] : memref<2x25x80xi32, #tpu.memory_space<vmem>> -> memref<1x25x80xi32, #tpu.memory_space<vmem>>
      %dma_wait3A_177 = tpu.memref_squeeze %dma_wait3A_176 : memref<1x25x80xi32, #tpu.memory_space<vmem>> -> memref<25x80xi32, #tpu.memory_space<vmem>>
      %dma_wait3A_178 = arith.constant 0 : i32
      %dma_wait3A_179 = arith.constant 0 : i32
      %dma_wait3A_180 = arith.constant 0 : i32
      %dma_wait3A_181 = arith.constant 0 : i32
      %dma_wait3A_182 = tpu.memref_slice %arg3[%run_scoped3A_17, %dma_wait3A_178, %dma_wait3A_179, %dma_wait3A_180, %dma_wait3A_181] : memref<2x32x5x25x80xi32, #tpu.memory_space<hbm>> -> memref<1x32x5x25x80xi32, #tpu.memory_space<hbm>>
      %dma_wait3A_183 = tpu.memref_squeeze %dma_wait3A_182 : memref<1x32x5x25x80xi32, #tpu.memory_space<hbm>> -> memref<32x5x25x80xi32, #tpu.memory_space<hbm>>
      %dma_wait3A_184 = arith.constant 0 : i32
      %dma_wait3A_185 = arith.constant 0 : i32
      %dma_wait3A_186 = tpu.memref_slice %dma_wait3A_183[%add3A, %run_scoped3A_18, %dma_wait3A_184, %dma_wait3A_185] : memref<32x5x25x80xi32, #tpu.memory_space<hbm>> -> memref<1x1x25x80xi32, #tpu.memory_space<hbm>>
      %dma_wait3A_187 = tpu.memref_squeeze %dma_wait3A_186 : memref<1x1x25x80xi32, #tpu.memory_space<hbm>> -> memref<25x80xi32, #tpu.memory_space<hbm>>
      tpu.wait_dma2 semaphore(%run_scoped3A_131 : memref<!tpu.dma_semaphore, #tpu.memory_space<semaphore_mem>>) src(%dma_wait3A_187 : memref<25x80xi32, #tpu.memory_space<hbm>>) dst(%dma_wait3A_177 : memref<25x80xi32, #tpu.memory_space<vmem>>)
      tpu.yield
    }) : () -> ()
    %dma_start3A = arith.constant 0 : i32
    %dma_start3A_20 = arith.constant 0 : i32
    %dma_start3A_21 = arith.constant 0 : i32
    %dma_start3A_22 = arith.constant 0 : i32
    %dma_start3A_23 = arith.constant 0 : i32
    %dma_start3A_24 = arith.constant 0 : i32
    %dma_start3A_25 = tpu.memref_slice %arg8[%dma_start3A_21, %dma_start3A_23, %dma_start3A_24] : memref<3x80x128xf32, #tpu.memory_space<vmem>> -> memref<1x80x128xf32, #tpu.memory_space<vmem>>
    %dma_start3A_26 = tpu.memref_squeeze %dma_start3A_25 : memref<1x80x128xf32, #tpu.memory_space<vmem>> -> memref<80x128xf32, #tpu.memory_space<vmem>>
    %dma_start3A_27 = arith.constant 0 : i32
    %dma_start3A_28 = tpu.memref_slice %arg6[%dma_start3A, %dma_start3A_20, %dma_start3A_27] : memref<2x25x80xi32, #tpu.memory_space<vmem>> -> memref<1x1x80xi32, #tpu.memory_space<vmem>>
    %dma_start3A_29 = tpu.memref_squeeze %dma_start3A_28 : memref<1x1x80xi32, #tpu.memory_space<vmem>> -> memref<80xi32, #tpu.memory_space<vmem>>
    %dma_start3A_30 = arith.constant 0 : i32
    %dma_start3A_31 = arith.constant 0 : i32
    %dma_start3A_32 = tpu.memref_slice %arg2[%dma_start3A_30, %dma_start3A_31] : memref<10000x128xf32, #tpu.memory_space<hbm>> -> memref<10000x128xf32, #tpu.memory_space<hbm>>
    %dma_start3A_33 = tpu.memref_slice %arg10[%dma_start3A_22] : memref<3x!tpu.dma_semaphore, #tpu.memory_space<semaphore_mem>> -> memref<1x!tpu.dma_semaphore, #tpu.memory_space<semaphore_mem>>
    %dma_start3A_34 = tpu.memref_squeeze %dma_start3A_33 : memref<1x!tpu.dma_semaphore, #tpu.memory_space<semaphore_mem>> -> memref<!tpu.dma_semaphore, #tpu.memory_space<semaphore_mem>>
    tpu.enqueue_indirect_dma source(%dma_start3A_32 : memref<10000x128xf32, #tpu.memory_space<hbm>>) target(%dma_start3A_26 : memref<80x128xf32, #tpu.memory_space<vmem>>) offsets(%dma_start3A_29 : memref<80xi32, #tpu.memory_space<vmem>>) semaphore(%dma_start3A_34 : memref<!tpu.dma_semaphore, #tpu.memory_space<semaphore_mem>>)
    %while3A_35 = arith.constant 0 : i32
    %while3A_36 = arith.constant 0 : i32
    %while3A_37 = arith.subi %select_n3A, %while3A_36 : i32
    %while3A_38 = arith.addi %while3A_36, %while3A_37 : i32
    %while3A_39 = arith.constant 1 : i32
    %while3A_40 = arith.divsi %while3A_37, %while3A_39 : i32
    %while3A_41 = arith.muli %while3A_40, %while3A_39 : i32
    %while3A_42 = arith.addi %while3A_36, %while3A_41 : i32
    %while3A_43 = arith.constant 1 : i32
    scf.for %while3A_131 = %while3A_36 to %while3A_42 step %while3A_43  : i32 {
      %dma_wait3A_132 = arith.constant 1 : i32
      %dma_wait3A_133 = arith.constant 0 : i32
      %dma_wait3A_134 = arith.constant 0 : i32
      %dma_wait3A_135 = arith.constant 0 : i32
      %dma_wait3A_136 = tpu.memref_slice %arg8[%dma_wait3A_132, %dma_wait3A_134, %dma_wait3A_135] : memref<3x80x128xf32, #tpu.memory_space<vmem>> -> memref<1x80x128xf32, #tpu.memory_space<vmem>>
      %dma_wait3A_137 = tpu.memref_squeeze %dma_wait3A_136 : memref<1x80x128xf32, #tpu.memory_space<vmem>> -> memref<80x128xf32, #tpu.memory_space<vmem>>
      %dma_wait3A_138 = arith.constant 0 : i32
      %dma_wait3A_139 = tpu.memref_slice %arg9[%mul3A_2, %dma_wait3A_138] : memref<10000x128xf32, #tpu.memory_space<vmem_shared>> -> memref<80x128xf32, #tpu.memory_space<vmem_shared>>
      %dma_wait3A_140 = tpu.memref_slice %arg12[%dma_wait3A_133] : memref<3x!tpu.dma_semaphore, #tpu.memory_space<semaphore_mem>> -> memref<1x!tpu.dma_semaphore, #tpu.memory_space<semaphore_mem>>
      %dma_wait3A_141 = tpu.memref_squeeze %dma_wait3A_140 : memref<1x!tpu.dma_semaphore, #tpu.memory_space<semaphore_mem>> -> memref<!tpu.dma_semaphore, #tpu.memory_space<semaphore_mem>>
      %dma_wait3A_142 = arith.constant 0 : i32
      %dma_wait3A_143 = tpu.memref_slice %arg9[%mul3A_2, %dma_wait3A_142] : memref<10000x128xf32, #tpu.memory_space<vmem_shared>> -> memref<80x128xf32, #tpu.memory_space<vmem_shared>>
      %dma_wait3A_144 = arith.constant 0 : i32
      %dma_wait3A_145 = arith.constant 0 : i32
      %dma_wait3A_146 = tpu.memref_slice %arg8[%dma_wait3A_132, %dma_wait3A_144, %dma_wait3A_145] : memref<3x80x128xf32, #tpu.memory_space<vmem>> -> memref<1x80x128xf32, #tpu.memory_space<vmem>>
      %dma_wait3A_147 = tpu.memref_squeeze %dma_wait3A_146 : memref<1x80x128xf32, #tpu.memory_space<vmem>> -> memref<80x128xf32, #tpu.memory_space<vmem>>
      tpu.wait_dma2 semaphore(%dma_wait3A_141 : memref<!tpu.dma_semaphore, #tpu.memory_space<semaphore_mem>>) src(%dma_wait3A_147 : memref<80x128xf32, #tpu.memory_space<vmem>>) dst(%dma_wait3A_143 : memref<80x128xf32, #tpu.memory_space<vmem_shared>>)
    }
    %while3A_44 = arith.constant 1 : i32
    scf.for %while3A_131 = %while3A_42 to %while3A_38 step %while3A_44  : i32 {
      %dma_wait3A_132 = arith.constant 1 : i32
      %dma_wait3A_133 = arith.constant 0 : i32
      %dma_wait3A_134 = arith.constant 0 : i32
      %dma_wait3A_135 = arith.constant 0 : i32
      %dma_wait3A_136 = tpu.memref_slice %arg8[%dma_wait3A_132, %dma_wait3A_134, %dma_wait3A_135] : memref<3x80x128xf32, #tpu.memory_space<vmem>> -> memref<1x80x128xf32, #tpu.memory_space<vmem>>
      %dma_wait3A_137 = tpu.memref_squeeze %dma_wait3A_136 : memref<1x80x128xf32, #tpu.memory_space<vmem>> -> memref<80x128xf32, #tpu.memory_space<vmem>>
      %dma_wait3A_138 = arith.constant 0 : i32
      %dma_wait3A_139 = tpu.memref_slice %arg9[%mul3A_2, %dma_wait3A_138] : memref<10000x128xf32, #tpu.memory_space<vmem_shared>> -> memref<80x128xf32, #tpu.memory_space<vmem_shared>>
      %dma_wait3A_140 = tpu.memref_slice %arg12[%dma_wait3A_133] : memref<3x!tpu.dma_semaphore, #tpu.memory_space<semaphore_mem>> -> memref<1x!tpu.dma_semaphore, #tpu.memory_space<semaphore_mem>>
      %dma_wait3A_141 = tpu.memref_squeeze %dma_wait3A_140 : memref<1x!tpu.dma_semaphore, #tpu.memory_space<semaphore_mem>> -> memref<!tpu.dma_semaphore, #tpu.memory_space<semaphore_mem>>
      %dma_wait3A_142 = arith.constant 0 : i32
      %dma_wait3A_143 = tpu.memref_slice %arg9[%mul3A_2, %dma_wait3A_142] : memref<10000x128xf32, #tpu.memory_space<vmem_shared>> -> memref<80x128xf32, #tpu.memory_space<vmem_shared>>
      %dma_wait3A_144 = arith.constant 0 : i32
      %dma_wait3A_145 = arith.constant 0 : i32
      %dma_wait3A_146 = tpu.memref_slice %arg8[%dma_wait3A_132, %dma_wait3A_144, %dma_wait3A_145] : memref<3x80x128xf32, #tpu.memory_space<vmem>> -> memref<1x80x128xf32, #tpu.memory_space<vmem>>
      %dma_wait3A_147 = tpu.memref_squeeze %dma_wait3A_146 : memref<1x80x128xf32, #tpu.memory_space<vmem>> -> memref<80x128xf32, #tpu.memory_space<vmem>>
      tpu.wait_dma2 semaphore(%dma_wait3A_141 : memref<!tpu.dma_semaphore, #tpu.memory_space<semaphore_mem>>) src(%dma_wait3A_147 : memref<80x128xf32, #tpu.memory_space<vmem>>) dst(%dma_wait3A_143 : memref<80x128xf32, #tpu.memory_space<vmem_shared>>)
    }
    %barrier3A = arith.constant 0 : index
    tpu.barrier barrier_id(%barrier3A)
    %broadcast_in_dim3A = arith.constant 1.000000e+00 : f32
    %broadcast_in_dim3A_45 = vector.broadcast %broadcast_in_dim3A : f32 to vector<16xf32>
    %scan3A = arith.constant 0 : i32
    %scan3A_46 = arith.constant 0 : i32
    %scan3A_47 = arith.constant 1 : i32
    %scan3A_48 = arith.constant 0 : i32
    %scan3A_49 = arith.constant 5 : i32
    %scan3A_50 = arith.addi %scan3A_48, %scan3A_49 : i32
    %scan3A_51 = arith.constant 1 : i32
    scf.for %scan3A_131 = %scan3A_48 to %scan3A_50 step %scan3A_51  : i32 {
      %rem3A = arith.constant 2 : i32
      %rem3A_132 = arith.remsi %scan3A_131, %rem3A : i32
      %gt3A = arith.constant 0 : i32
      %gt3A_133 = arith.cmpi sgt, %scan3A_131, %gt3A : i32
      %convert_element_type3A = arith.extui %gt3A_133 : i1 to i32
      %cond3A = arith.constant 0 : i32
      %cond3A_134 = arith.cmpi ne, %convert_element_type3A, %cond3A : i32
      scf.if %cond3A_134 {
        %sub3A = arith.constant 1 : i32
        %sub3A_154 = arith.subi %scan3A_131, %sub3A : i32
        %add3A_155 = arith.constant 6 : i32
        %add3A_156 = arith.addi %sub3A_154, %add3A_155 : i32
        %rem3A_157 = arith.constant 3 : i32
        %rem3A_158 = arith.remsi %add3A_156, %rem3A_157 : i32
        %dma_wait3A_159 = arith.constant 0 : i32
        %dma_wait3A_160 = arith.constant 0 : i32
        %dma_wait3A_161 = arith.constant 0 : i32
        %dma_wait3A_162 = tpu.memref_slice %arg8[%rem3A_158, %dma_wait3A_160, %dma_wait3A_161] : memref<3x80x128xf32, #tpu.memory_space<vmem>> -> memref<1x80x128xf32, #tpu.memory_space<vmem>>
        %dma_wait3A_163 = tpu.memref_squeeze %dma_wait3A_162 : memref<1x80x128xf32, #tpu.memory_space<vmem>> -> memref<80x128xf32, #tpu.memory_space<vmem>>
        %dma_wait3A_164 = arith.constant 0 : i32
        %dma_wait3A_165 = tpu.memref_slice %arg7[%rem3A_132, %dma_wait3A_159, %dma_wait3A_164] : memref<2x25x80xi32, #tpu.memory_space<vmem>> -> memref<1x1x80xi32, #tpu.memory_space<vmem>>
        %dma_wait3A_166 = tpu.memref_squeeze %dma_wait3A_165 : memref<1x1x80xi32, #tpu.memory_space<vmem>> -> memref<80xi32, #tpu.memory_space<vmem>>
        %dma_wait3A_167 = arith.constant 0 : i32
        %dma_wait3A_168 = arith.constant 0 : i32
        %dma_wait3A_169 = tpu.memref_slice %arg9[%dma_wait3A_167, %dma_wait3A_168] : memref<10000x128xf32, #tpu.memory_space<vmem_shared>> -> memref<10000x128xf32, #tpu.memory_space<vmem_shared>>
        %dma_wait3A_170 = tpu.memref_slice %arg12[%rem3A_158] : memref<3x!tpu.dma_semaphore, #tpu.memory_space<semaphore_mem>> -> memref<1x!tpu.dma_semaphore, #tpu.memory_space<semaphore_mem>>
        %dma_wait3A_171 = tpu.memref_squeeze %dma_wait3A_170 : memref<1x!tpu.dma_semaphore, #tpu.memory_space<semaphore_mem>> -> memref<!tpu.dma_semaphore, #tpu.memory_space<semaphore_mem>>
        tpu.wait_indirect_dma semaphore(%dma_wait3A_171 : memref<!tpu.dma_semaphore, #tpu.memory_space<semaphore_mem>>) src(%dma_wait3A_163 : memref<80x128xf32, #tpu.memory_space<vmem>>) dst(%dma_wait3A_169 : memref<10000x128xf32, #tpu.memory_space<vmem_shared>>)
        %sub3A_172 = arith.constant 2 : i32
        %sub3A_173 = arith.subi %scan3A_131, %sub3A_172 : i32
        %add3A_174 = arith.constant 6 : i32
        %add3A_175 = arith.addi %sub3A_173, %add3A_174 : i32
        %rem3A_176 = arith.constant 3 : i32
        %rem3A_177 = arith.remsi %add3A_175, %rem3A_176 : i32
        %dma_wait3A_178 = arith.constant 0 : i32
        %dma_wait3A_179 = arith.constant 0 : i32
        %dma_wait3A_180 = arith.constant 0 : i32
        %dma_wait3A_181 = tpu.memref_slice %arg8[%rem3A_177, %dma_wait3A_179, %dma_wait3A_180] : memref<3x80x128xf32, #tpu.memory_space<vmem>> -> memref<1x80x128xf32, #tpu.memory_space<vmem>>
        %dma_wait3A_182 = tpu.memref_squeeze %dma_wait3A_181 : memref<1x80x128xf32, #tpu.memory_space<vmem>> -> memref<80x128xf32, #tpu.memory_space<vmem>>
        %dma_wait3A_183 = arith.constant 0 : i32
        %dma_wait3A_184 = tpu.memref_slice %arg7[%rem3A_132, %dma_wait3A_178, %dma_wait3A_183] : memref<2x25x80xi32, #tpu.memory_space<vmem>> -> memref<1x1x80xi32, #tpu.memory_space<vmem>>
        %dma_wait3A_185 = tpu.memref_squeeze %dma_wait3A_184 : memref<1x1x80xi32, #tpu.memory_space<vmem>> -> memref<80xi32, #tpu.memory_space<vmem>>
        %dma_wait3A_186 = arith.constant 0 : i32
        %dma_wait3A_187 = arith.constant 0 : i32
        %dma_wait3A_188 = tpu.memref_slice %arg9[%dma_wait3A_186, %dma_wait3A_187] : memref<10000x128xf32, #tpu.memory_space<vmem_shared>> -> memref<10000x128xf32, #tpu.memory_space<vmem_shared>>
        %dma_wait3A_189 = tpu.memref_slice %arg12[%rem3A_177] : memref<3x!tpu.dma_semaphore, #tpu.memory_space<semaphore_mem>> -> memref<1x!tpu.dma_semaphore, #tpu.memory_space<semaphore_mem>>
        %dma_wait3A_190 = tpu.memref_squeeze %dma_wait3A_189 : memref<1x!tpu.dma_semaphore, #tpu.memory_space<semaphore_mem>> -> memref<!tpu.dma_semaphore, #tpu.memory_space<semaphore_mem>>
        tpu.wait_indirect_dma semaphore(%dma_wait3A_190 : memref<!tpu.dma_semaphore, #tpu.memory_space<semaphore_mem>>) src(%dma_wait3A_182 : memref<80x128xf32, #tpu.memory_space<vmem>>) dst(%dma_wait3A_188 : memref<10000x128xf32, #tpu.memory_space<vmem_shared>>)
        %dma_wait3A_191 = arith.constant 0 : i32
        %dma_wait3A_192 = arith.constant 0 : i32
        %dma_wait3A_193 = arith.constant 0 : i32
        %dma_wait3A_194 = arith.constant 0 : i32
        %dma_wait3A_195 = tpu.memref_slice %arg6[%rem3A_132, %dma_wait3A_193, %dma_wait3A_194] : memref<2x25x80xi32, #tpu.memory_space<vmem>> -> memref<1x25x80xi32, #tpu.memory_space<vmem>>
        %dma_wait3A_196 = tpu.memref_squeeze %dma_wait3A_195 : memref<1x25x80xi32, #tpu.memory_space<vmem>> -> memref<25x80xi32, #tpu.memory_space<vmem>>
        %dma_wait3A_197 = arith.constant 0 : i32
        %dma_wait3A_198 = arith.constant 0 : i32
        %dma_wait3A_199 = arith.constant 0 : i32
        %dma_wait3A_200 = arith.constant 0 : i32
        %dma_wait3A_201 = tpu.memref_slice %arg3[%scan3A_46, %dma_wait3A_197, %dma_wait3A_198, %dma_wait3A_199, %dma_wait3A_200] : memref<2x32x5x25x80xi32, #tpu.memory_space<hbm>> -> memref<1x32x5x25x80xi32, #tpu.memory_space<hbm>>
        %dma_wait3A_202 = tpu.memref_squeeze %dma_wait3A_201 : memref<1x32x5x25x80xi32, #tpu.memory_space<hbm>> -> memref<32x5x25x80xi32, #tpu.memory_space<hbm>>
        %dma_wait3A_203 = arith.constant 0 : i32
        %dma_wait3A_204 = arith.constant 0 : i32
        %dma_wait3A_205 = tpu.memref_slice %dma_wait3A_202[%add3A, %dma_wait3A_191, %dma_wait3A_203, %dma_wait3A_204] : memref<32x5x25x80xi32, #tpu.memory_space<hbm>> -> memref<1x1x25x80xi32, #tpu.memory_space<hbm>>
        %dma_wait3A_206 = tpu.memref_squeeze %dma_wait3A_205 : memref<1x1x25x80xi32, #tpu.memory_space<hbm>> -> memref<25x80xi32, #tpu.memory_space<hbm>>
        %dma_wait3A_207 = tpu.memref_slice %arg11[%dma_wait3A_192] : memref<2x!tpu.dma_semaphore, #tpu.memory_space<semaphore_mem>> -> memref<1x!tpu.dma_semaphore, #tpu.memory_space<semaphore_mem>>
        %dma_wait3A_208 = tpu.memref_squeeze %dma_wait3A_207 : memref<1x!tpu.dma_semaphore, #tpu.memory_space<semaphore_mem>> -> memref<!tpu.dma_semaphore, #tpu.memory_space<semaphore_mem>>
        %dma_wait3A_209 = arith.constant 0 : i32
        %dma_wait3A_210 = arith.constant 0 : i32
        %dma_wait3A_211 = tpu.memref_slice %arg6[%rem3A_132, %dma_wait3A_209, %dma_wait3A_210] : memref<2x25x80xi32, #tpu.memory_space<vmem>> -> memref<1x25x80xi32, #tpu.memory_space<vmem>>
        %dma_wait3A_212 = tpu.memref_squeeze %dma_wait3A_211 : memref<1x25x80xi32, #tpu.memory_space<vmem>> -> memref<25x80xi32, #tpu.memory_space<vmem>>
        %dma_wait3A_213 = arith.constant 0 : i32
        %dma_wait3A_214 = arith.constant 0 : i32
        %dma_wait3A_215 = arith.constant 0 : i32
        %dma_wait3A_216 = arith.constant 0 : i32
        %dma_wait3A_217 = tpu.memref_slice %arg3[%scan3A_46, %dma_wait3A_213, %dma_wait3A_214, %dma_wait3A_215, %dma_wait3A_216] : memref<2x32x5x25x80xi32, #tpu.memory_space<hbm>> -> memref<1x32x5x25x80xi32, #tpu.memory_space<hbm>>
        %dma_wait3A_218 = tpu.memref_squeeze %dma_wait3A_217 : memref<1x32x5x25x80xi32, #tpu.memory_space<hbm>> -> memref<32x5x25x80xi32, #tpu.memory_space<hbm>>
        %dma_wait3A_219 = arith.constant 0 : i32
        %dma_wait3A_220 = arith.constant 0 : i32
        %dma_wait3A_221 = tpu.memref_slice %dma_wait3A_218[%add3A, %dma_wait3A_191, %dma_wait3A_219, %dma_wait3A_220] : memref<32x5x25x80xi32, #tpu.memory_space<hbm>> -> memref<1x1x25x80xi32, #tpu.memory_space<hbm>>
        %dma_wait3A_222 = tpu.memref_squeeze %dma_wait3A_221 : memref<1x1x25x80xi32, #tpu.memory_space<hbm>> -> memref<25x80xi32, #tpu.memory_space<hbm>>
        tpu.wait_dma2 semaphore(%dma_wait3A_208 : memref<!tpu.dma_semaphore, #tpu.memory_space<semaphore_mem>>) src(%dma_wait3A_222 : memref<25x80xi32, #tpu.memory_space<hbm>>) dst(%dma_wait3A_212 : memref<25x80xi32, #tpu.memory_space<vmem>>)
        %dma_wait3A_223 = arith.constant 0 : i32
        %dma_wait3A_224 = arith.constant 1 : i32
        %dma_wait3A_225 = arith.constant 0 : i32
        %dma_wait3A_226 = arith.constant 0 : i32
        %dma_wait3A_227 = tpu.memref_slice %arg7[%rem3A_132, %dma_wait3A_225, %dma_wait3A_226] : memref<2x25x80xi32, #tpu.memory_space<vmem>> -> memref<1x25x80xi32, #tpu.memory_space<vmem>>
        %dma_wait3A_228 = tpu.memref_squeeze %dma_wait3A_227 : memref<1x25x80xi32, #tpu.memory_space<vmem>> -> memref<25x80xi32, #tpu.memory_space<vmem>>
        %dma_wait3A_229 = arith.constant 0 : i32
        %dma_wait3A_230 = arith.constant 0 : i32
        %dma_wait3A_231 = arith.constant 0 : i32
        %dma_wait3A_232 = arith.constant 0 : i32
        %dma_wait3A_233 = tpu.memref_slice %arg3[%scan3A_47, %dma_wait3A_229, %dma_wait3A_230, %dma_wait3A_231, %dma_wait3A_232] : memref<2x32x5x25x80xi32, #tpu.memory_space<hbm>> -> memref<1x32x5x25x80xi32, #tpu.memory_space<hbm>>
        %dma_wait3A_234 = tpu.memref_squeeze %dma_wait3A_233 : memref<1x32x5x25x80xi32, #tpu.memory_space<hbm>> -> memref<32x5x25x80xi32, #tpu.memory_space<hbm>>
        %dma_wait3A_235 = arith.constant 0 : i32
        %dma_wait3A_236 = arith.constant 0 : i32
        %dma_wait3A_237 = tpu.memref_slice %dma_wait3A_234[%add3A, %dma_wait3A_223, %dma_wait3A_235, %dma_wait3A_236] : memref<32x5x25x80xi32, #tpu.memory_space<hbm>> -> memref<1x1x25x80xi32, #tpu.memory_space<hbm>>
        %dma_wait3A_238 = tpu.memref_squeeze %dma_wait3A_237 : memref<1x1x25x80xi32, #tpu.memory_space<hbm>> -> memref<25x80xi32, #tpu.memory_space<hbm>>
        %dma_wait3A_239 = tpu.memref_slice %arg11[%dma_wait3A_224] : memref<2x!tpu.dma_semaphore, #tpu.memory_space<semaphore_mem>> -> memref<1x!tpu.dma_semaphore, #tpu.memory_space<semaphore_mem>>
        %dma_wait3A_240 = tpu.memref_squeeze %dma_wait3A_239 : memref<1x!tpu.dma_semaphore, #tpu.memory_space<semaphore_mem>> -> memref<!tpu.dma_semaphore, #tpu.memory_space<semaphore_mem>>
        %dma_wait3A_241 = arith.constant 0 : i32
        %dma_wait3A_242 = arith.constant 0 : i32
        %dma_wait3A_243 = tpu.memref_slice %arg7[%rem3A_132, %dma_wait3A_241, %dma_wait3A_242] : memref<2x25x80xi32, #tpu.memory_space<vmem>> -> memref<1x25x80xi32, #tpu.memory_space<vmem>>
        %dma_wait3A_244 = tpu.memref_squeeze %dma_wait3A_243 : memref<1x25x80xi32, #tpu.memory_space<vmem>> -> memref<25x80xi32, #tpu.memory_space<vmem>>
        %dma_wait3A_245 = arith.constant 0 : i32
        %dma_wait3A_246 = arith.constant 0 : i32
        %dma_wait3A_247 = arith.constant 0 : i32
        %dma_wait3A_248 = arith.constant 0 : i32
        %dma_wait3A_249 = tpu.memref_slice %arg3[%scan3A_47, %dma_wait3A_245, %dma_wait3A_246, %dma_wait3A_247, %dma_wait3A_248] : memref<2x32x5x25x80xi32, #tpu.memory_space<hbm>> -> memref<1x32x5x25x80xi32, #tpu.memory_space<hbm>>
        %dma_wait3A_250 = tpu.memref_squeeze %dma_wait3A_249 : memref<1x32x5x25x80xi32, #tpu.memory_space<hbm>> -> memref<32x5x25x80xi32, #tpu.memory_space<hbm>>
        %dma_wait3A_251 = arith.constant 0 : i32
        %dma_wait3A_252 = arith.constant 0 : i32
        %dma_wait3A_253 = tpu.memref_slice %dma_wait3A_250[%add3A, %dma_wait3A_223, %dma_wait3A_251, %dma_wait3A_252] : memref<32x5x25x80xi32, #tpu.memory_space<hbm>> -> memref<1x1x25x80xi32, #tpu.memory_space<hbm>>
        %dma_wait3A_254 = tpu.memref_squeeze %dma_wait3A_253 : memref<1x1x25x80xi32, #tpu.memory_space<hbm>> -> memref<25x80xi32, #tpu.memory_space<hbm>>
        tpu.wait_dma2 semaphore(%dma_wait3A_240 : memref<!tpu.dma_semaphore, #tpu.memory_space<semaphore_mem>>) src(%dma_wait3A_254 : memref<25x80xi32, #tpu.memory_space<hbm>>) dst(%dma_wait3A_244 : memref<25x80xi32, #tpu.memory_space<vmem>>)
      } else {
      }
      %add3A_135 = arith.constant 1 : i32
      %add3A_136 = arith.addi %scan3A_131, %add3A_135 : i32
      %lt3A = arith.constant 5 : i32
      %lt3A_137 = arith.cmpi slt, %add3A_136, %lt3A : i32
      %convert_element_type3A_138 = arith.extui %lt3A_137 : i1 to i32
      %cond3A_139 = arith.constant 0 : i32
      %cond3A_140 = arith.cmpi ne, %convert_element_type3A_138, %cond3A_139 : i32
      scf.if %cond3A_140 {
        %add3A_154 = arith.constant 1 : i32
        %add3A_155 = arith.addi %scan3A_131, %add3A_154 : i32
        %sub3A = arith.constant 1 : i32
        %sub3A_156 = arith.subi %sub3A, %rem3A_132 : i32
        %dma_start3A_157 = arith.constant 0 : i32
        %dma_start3A_158 = arith.constant 0 : i32
        %dma_start3A_159 = arith.constant 0 : i32
        %dma_start3A_160 = tpu.memref_slice %arg6[%sub3A_156, %dma_start3A_158, %dma_start3A_159] : memref<2x25x80xi32, #tpu.memory_space<vmem>> -> memref<1x25x80xi32, #tpu.memory_space<vmem>>
        %dma_start3A_161 = tpu.memref_squeeze %dma_start3A_160 : memref<1x25x80xi32, #tpu.memory_space<vmem>> -> memref<25x80xi32, #tpu.memory_space<vmem>>
        %dma_start3A_162 = arith.constant 0 : i32
        %dma_start3A_163 = arith.constant 0 : i32
        %dma_start3A_164 = arith.constant 0 : i32
        %dma_start3A_165 = arith.constant 0 : i32
        %dma_start3A_166 = tpu.memref_slice %arg3[%scan3A_46, %dma_start3A_162, %dma_start3A_163, %dma_start3A_164, %dma_start3A_165] : memref<2x32x5x25x80xi32, #tpu.memory_space<hbm>> -> memref<1x32x5x25x80xi32, #tpu.memory_space<hbm>>
        %dma_start3A_167 = tpu.memref_squeeze %dma_start3A_166 : memref<1x32x5x25x80xi32, #tpu.memory_space<hbm>> -> memref<32x5x25x80xi32, #tpu.memory_space<hbm>>
        %dma_start3A_168 = arith.constant 0 : i32
        %dma_start3A_169 = arith.constant 0 : i32
        %dma_start3A_170 = tpu.memref_slice %dma_start3A_167[%add3A, %add3A_155, %dma_start3A_168, %dma_start3A_169] : memref<32x5x25x80xi32, #tpu.memory_space<hbm>> -> memref<1x1x25x80xi32, #tpu.memory_space<hbm>>
        %dma_start3A_171 = tpu.memref_squeeze %dma_start3A_170 : memref<1x1x25x80xi32, #tpu.memory_space<hbm>> -> memref<25x80xi32, #tpu.memory_space<hbm>>
        %dma_start3A_172 = tpu.memref_slice %arg11[%dma_start3A_157] : memref<2x!tpu.dma_semaphore, #tpu.memory_space<semaphore_mem>> -> memref<1x!tpu.dma_semaphore, #tpu.memory_space<semaphore_mem>>
        %dma_start3A_173 = tpu.memref_squeeze %dma_start3A_172 : memref<1x!tpu.dma_semaphore, #tpu.memory_space<semaphore_mem>> -> memref<!tpu.dma_semaphore, #tpu.memory_space<semaphore_mem>>
        %dma_start3A_174 = arith.constant 0 : i32
        %dma_start3A_175 = arith.constant 0 : i32
        %dma_start3A_176 = tpu.memref_slice %arg6[%sub3A_156, %dma_start3A_174, %dma_start3A_175] : memref<2x25x80xi32, #tpu.memory_space<vmem>> -> memref<1x25x80xi32, #tpu.memory_space<vmem>>
        %dma_start3A_177 = tpu.memref_squeeze %dma_start3A_176 : memref<1x25x80xi32, #tpu.memory_space<vmem>> -> memref<25x80xi32, #tpu.memory_space<vmem>>
        %dma_start3A_178 = arith.constant 0 : i32
        %dma_start3A_179 = arith.constant 0 : i32
        %dma_start3A_180 = arith.constant 0 : i32
        %dma_start3A_181 = arith.constant 0 : i32
        %dma_start3A_182 = tpu.memref_slice %arg3[%scan3A_46, %dma_start3A_178, %dma_start3A_179, %dma_start3A_180, %dma_start3A_181] : memref<2x32x5x25x80xi32, #tpu.memory_space<hbm>> -> memref<1x32x5x25x80xi32, #tpu.memory_space<hbm>>
        %dma_start3A_183 = tpu.memref_squeeze %dma_start3A_182 : memref<1x32x5x25x80xi32, #tpu.memory_space<hbm>> -> memref<32x5x25x80xi32, #tpu.memory_space<hbm>>
        %dma_start3A_184 = arith.constant 0 : i32
        %dma_start3A_185 = arith.constant 0 : i32
        %dma_start3A_186 = tpu.memref_slice %dma_start3A_183[%add3A, %add3A_155, %dma_start3A_184, %dma_start3A_185] : memref<32x5x25x80xi32, #tpu.memory_space<hbm>> -> memref<1x1x25x80xi32, #tpu.memory_space<hbm>>
        %dma_start3A_187 = tpu.memref_squeeze %dma_start3A_186 : memref<1x1x25x80xi32, #tpu.memory_space<hbm>> -> memref<25x80xi32, #tpu.memory_space<hbm>>
        tpu.enqueue_dma source(%dma_start3A_187 : memref<25x80xi32, #tpu.memory_space<hbm>>) target(%dma_start3A_177 : memref<25x80xi32, #tpu.memory_space<vmem>>) target_semaphore(%dma_start3A_173 : memref<!tpu.dma_semaphore, #tpu.memory_space<semaphore_mem>>)
        %add3A_188 = arith.constant 1 : i32
        %add3A_189 = arith.addi %scan3A_131, %add3A_188 : i32
        %sub3A_190 = arith.constant 1 : i32
        %sub3A_191 = arith.subi %sub3A_190, %rem3A_132 : i32
        %dma_start3A_192 = arith.constant 1 : i32
        %dma_start3A_193 = arith.constant 0 : i32
        %dma_start3A_194 = arith.constant 0 : i32
        %dma_start3A_195 = tpu.memref_slice %arg7[%sub3A_191, %dma_start3A_193, %dma_start3A_194] : memref<2x25x80xi32, #tpu.memory_space<vmem>> -> memref<1x25x80xi32, #tpu.memory_space<vmem>>
        %dma_start3A_196 = tpu.memref_squeeze %dma_start3A_195 : memref<1x25x80xi32, #tpu.memory_space<vmem>> -> memref<25x80xi32, #tpu.memory_space<vmem>>
        %dma_start3A_197 = arith.constant 0 : i32
        %dma_start3A_198 = arith.constant 0 : i32
        %dma_start3A_199 = arith.constant 0 : i32
        %dma_start3A_200 = arith.constant 0 : i32
        %dma_start3A_201 = tpu.memref_slice %arg3[%scan3A_47, %dma_start3A_197, %dma_start3A_198, %dma_start3A_199, %dma_start3A_200] : memref<2x32x5x25x80xi32, #tpu.memory_space<hbm>> -> memref<1x32x5x25x80xi32, #tpu.memory_space<hbm>>
        %dma_start3A_202 = tpu.memref_squeeze %dma_start3A_201 : memref<1x32x5x25x80xi32, #tpu.memory_space<hbm>> -> memref<32x5x25x80xi32, #tpu.memory_space<hbm>>
        %dma_start3A_203 = arith.constant 0 : i32
        %dma_start3A_204 = arith.constant 0 : i32
        %dma_start3A_205 = tpu.memref_slice %dma_start3A_202[%add3A, %add3A_189, %dma_start3A_203, %dma_start3A_204] : memref<32x5x25x80xi32, #tpu.memory_space<hbm>> -> memref<1x1x25x80xi32, #tpu.memory_space<hbm>>
        %dma_start3A_206 = tpu.memref_squeeze %dma_start3A_205 : memref<1x1x25x80xi32, #tpu.memory_space<hbm>> -> memref<25x80xi32, #tpu.memory_space<hbm>>
        %dma_start3A_207 = tpu.memref_slice %arg11[%dma_start3A_192] : memref<2x!tpu.dma_semaphore, #tpu.memory_space<semaphore_mem>> -> memref<1x!tpu.dma_semaphore, #tpu.memory_space<semaphore_mem>>
        %dma_start3A_208 = tpu.memref_squeeze %dma_start3A_207 : memref<1x!tpu.dma_semaphore, #tpu.memory_space<semaphore_mem>> -> memref<!tpu.dma_semaphore, #tpu.memory_space<semaphore_mem>>
        %dma_start3A_209 = arith.constant 0 : i32
        %dma_start3A_210 = arith.constant 0 : i32
        %dma_start3A_211 = tpu.memref_slice %arg7[%sub3A_191, %dma_start3A_209, %dma_start3A_210] : memref<2x25x80xi32, #tpu.memory_space<vmem>> -> memref<1x25x80xi32, #tpu.memory_space<vmem>>
        %dma_start3A_212 = tpu.memref_squeeze %dma_start3A_211 : memref<1x25x80xi32, #tpu.memory_space<vmem>> -> memref<25x80xi32, #tpu.memory_space<vmem>>
        %dma_start3A_213 = arith.constant 0 : i32
        %dma_start3A_214 = arith.constant 0 : i32
        %dma_start3A_215 = arith.constant 0 : i32
        %dma_start3A_216 = arith.constant 0 : i32
        %dma_start3A_217 = tpu.memref_slice %arg3[%scan3A_47, %dma_start3A_213, %dma_start3A_214, %dma_start3A_215, %dma_start3A_216] : memref<2x32x5x25x80xi32, #tpu.memory_space<hbm>> -> memref<1x32x5x25x80xi32, #tpu.memory_space<hbm>>
        %dma_start3A_218 = tpu.memref_squeeze %dma_start3A_217 : memref<1x32x5x25x80xi32, #tpu.memory_space<hbm>> -> memref<32x5x25x80xi32, #tpu.memory_space<hbm>>
        %dma_start3A_219 = arith.constant 0 : i32
        %dma_start3A_220 = arith.constant 0 : i32
        %dma_start3A_221 = tpu.memref_slice %dma_start3A_218[%add3A, %add3A_189, %dma_start3A_219, %dma_start3A_220] : memref<32x5x25x80xi32, #tpu.memory_space<hbm>> -> memref<1x1x25x80xi32, #tpu.memory_space<hbm>>
        %dma_start3A_222 = tpu.memref_squeeze %dma_start3A_221 : memref<1x1x25x80xi32, #tpu.memory_space<hbm>> -> memref<25x80xi32, #tpu.memory_space<hbm>>
        tpu.enqueue_dma source(%dma_start3A_222 : memref<25x80xi32, #tpu.memory_space<hbm>>) target(%dma_start3A_212 : memref<25x80xi32, #tpu.memory_space<vmem>>) target_semaphore(%dma_start3A_208 : memref<!tpu.dma_semaphore, #tpu.memory_space<semaphore_mem>>)
      } else {
      }
      %rem3A_141 = arith.constant 3 : i32
      %rem3A_142 = arith.remsi %scan3A_131, %rem3A_141 : i32
      %gt3A_143 = arith.constant 0 : i32
      %gt3A_144 = arith.cmpi sgt, %scan3A_131, %gt3A_143 : i32
      %convert_element_type3A_145 = arith.extui %gt3A_144 : i1 to i32
      %cond3A_146 = arith.constant 0 : i32
      %cond3A_147 = arith.cmpi ne, %convert_element_type3A_145, %cond3A_146 : i32
      scf.if %cond3A_147 {
        %dma_start3A_154 = arith.constant 0 : i32
        %dma_start3A_155 = arith.constant 0 : i32
        %dma_start3A_156 = arith.constant 0 : i32
        %dma_start3A_157 = tpu.memref_slice %arg8[%rem3A_142, %dma_start3A_155, %dma_start3A_156] : memref<3x80x128xf32, #tpu.memory_space<vmem>> -> memref<1x80x128xf32, #tpu.memory_space<vmem>>
        %dma_start3A_158 = tpu.memref_squeeze %dma_start3A_157 : memref<1x80x128xf32, #tpu.memory_space<vmem>> -> memref<80x128xf32, #tpu.memory_space<vmem>>
        %dma_start3A_159 = arith.constant 0 : i32
        %dma_start3A_160 = tpu.memref_slice %arg6[%rem3A_132, %dma_start3A_154, %dma_start3A_159] : memref<2x25x80xi32, #tpu.memory_space<vmem>> -> memref<1x1x80xi32, #tpu.memory_space<vmem>>
        %dma_start3A_161 = tpu.memref_squeeze %dma_start3A_160 : memref<1x1x80xi32, #tpu.memory_space<vmem>> -> memref<80xi32, #tpu.memory_space<vmem>>
        %dma_start3A_162 = arith.constant 0 : i32
        %dma_start3A_163 = arith.constant 0 : i32
        %dma_start3A_164 = tpu.memref_slice %arg2[%dma_start3A_162, %dma_start3A_163] : memref<10000x128xf32, #tpu.memory_space<hbm>> -> memref<10000x128xf32, #tpu.memory_space<hbm>>
        %dma_start3A_165 = tpu.memref_slice %arg10[%rem3A_142] : memref<3x!tpu.dma_semaphore, #tpu.memory_space<semaphore_mem>> -> memref<1x!tpu.dma_semaphore, #tpu.memory_space<semaphore_mem>>
        %dma_start3A_166 = tpu.memref_squeeze %dma_start3A_165 : memref<1x!tpu.dma_semaphore, #tpu.memory_space<semaphore_mem>> -> memref<!tpu.dma_semaphore, #tpu.memory_space<semaphore_mem>>
        tpu.enqueue_indirect_dma source(%dma_start3A_164 : memref<10000x128xf32, #tpu.memory_space<hbm>>) target(%dma_start3A_158 : memref<80x128xf32, #tpu.memory_space<vmem>>) offsets(%dma_start3A_161 : memref<80xi32, #tpu.memory_space<vmem>>) semaphore(%dma_start3A_166 : memref<!tpu.dma_semaphore, #tpu.memory_space<semaphore_mem>>)
      } else {
      }
      %scan3A_148 = arith.constant 0 : i32
      %scan3A_149 = arith.constant 0 : i32
      %scan3A_150 = arith.constant 25 : i32
      %scan3A_151 = arith.addi %scan3A_149, %scan3A_150 : i32
      %scan3A_152 = arith.constant 1 : i32
      scf.for %scan3A_154 = %scan3A_149 to %scan3A_151 step %scan3A_152  : i32 {
        %add3A_155 = arith.addi %scan3A_131, %scan3A_154 : i32
        %rem3A_156 = arith.constant 3 : i32
        %rem3A_157 = arith.remsi %add3A_155, %rem3A_156 : i32
        %add3A_158 = arith.addi %scan3A_131, %scan3A_154 : i32
        %add3A_159 = arith.constant 1 : i32
        %add3A_160 = arith.addi %add3A_158, %add3A_159 : i32
        %rem3A_161 = arith.constant 3 : i32
        %rem3A_162 = arith.remsi %add3A_160, %rem3A_161 : i32
        %ge3A = arith.constant 2 : i32
        %ge3A_163 = arith.cmpi sge, %scan3A_154, %ge3A : i32
        %convert_element_type3A_164 = arith.extui %ge3A_163 : i1 to i32
        %cond3A_165 = arith.constant 0 : i32
        %cond3A_166 = arith.cmpi ne, %convert_element_type3A_164, %cond3A_165 : i32
        scf.if %cond3A_166 {
          %dma_wait3A_198 = arith.constant 0 : i32
          %dma_wait3A_199 = arith.constant 0 : i32
          %dma_wait3A_200 = tpu.memref_slice %arg8[%rem3A_162, %dma_wait3A_198, %dma_wait3A_199] : memref<3x80x128xf32, #tpu.memory_space<vmem>> -> memref<1x80x128xf32, #tpu.memory_space<vmem>>
          %dma_wait3A_201 = tpu.memref_squeeze %dma_wait3A_200 : memref<1x80x128xf32, #tpu.memory_space<vmem>> -> memref<80x128xf32, #tpu.memory_space<vmem>>
          %dma_wait3A_202 = arith.constant 0 : i32
          %dma_wait3A_203 = tpu.memref_slice %arg7[%rem3A_132, %scan3A_154, %dma_wait3A_202] : memref<2x25x80xi32, #tpu.memory_space<vmem>> -> memref<1x1x80xi32, #tpu.memory_space<vmem>>
          %dma_wait3A_204 = tpu.memref_squeeze %dma_wait3A_203 : memref<1x1x80xi32, #tpu.memory_space<vmem>> -> memref<80xi32, #tpu.memory_space<vmem>>
          %dma_wait3A_205 = arith.constant 0 : i32
          %dma_wait3A_206 = arith.constant 0 : i32
          %dma_wait3A_207 = tpu.memref_slice %arg9[%dma_wait3A_205, %dma_wait3A_206] : memref<10000x128xf32, #tpu.memory_space<vmem_shared>> -> memref<10000x128xf32, #tpu.memory_space<vmem_shared>>
          %dma_wait3A_208 = tpu.memref_slice %arg12[%rem3A_162] : memref<3x!tpu.dma_semaphore, #tpu.memory_space<semaphore_mem>> -> memref<1x!tpu.dma_semaphore, #tpu.memory_space<semaphore_mem>>
          %dma_wait3A_209 = tpu.memref_squeeze %dma_wait3A_208 : memref<1x!tpu.dma_semaphore, #tpu.memory_space<semaphore_mem>> -> memref<!tpu.dma_semaphore, #tpu.memory_space<semaphore_mem>>
          tpu.wait_indirect_dma semaphore(%dma_wait3A_209 : memref<!tpu.dma_semaphore, #tpu.memory_space<semaphore_mem>>) src(%dma_wait3A_201 : memref<80x128xf32, #tpu.memory_space<vmem>>) dst(%dma_wait3A_207 : memref<10000x128xf32, #tpu.memory_space<vmem_shared>>)
        } else {
        }
        %add3A_167 = arith.constant 1 : i32
        %add3A_168 = arith.addi %scan3A_154, %add3A_167 : i32
        %lt3A_169 = arith.constant 25 : i32
        %lt3A_170 = arith.cmpi slt, %add3A_168, %lt3A_169 : i32
        %convert_element_type3A_171 = arith.extui %lt3A_170 : i1 to i32
        %cond3A_172 = arith.constant 0 : i32
        %cond3A_173 = arith.cmpi ne, %convert_element_type3A_171, %cond3A_172 : i32
        scf.if %cond3A_173 {
          %add3A_198 = arith.constant 1 : i32
          %add3A_199 = arith.addi %scan3A_154, %add3A_198 : i32
          %dma_start3A_200 = arith.constant 0 : i32
          %dma_start3A_201 = arith.constant 0 : i32
          %dma_start3A_202 = tpu.memref_slice %arg8[%rem3A_162, %dma_start3A_200, %dma_start3A_201] : memref<3x80x128xf32, #tpu.memory_space<vmem>> -> memref<1x80x128xf32, #tpu.memory_space<vmem>>
          %dma_start3A_203 = tpu.memref_squeeze %dma_start3A_202 : memref<1x80x128xf32, #tpu.memory_space<vmem>> -> memref<80x128xf32, #tpu.memory_space<vmem>>
          %dma_start3A_204 = arith.constant 0 : i32
          %dma_start3A_205 = tpu.memref_slice %arg6[%rem3A_132, %add3A_199, %dma_start3A_204] : memref<2x25x80xi32, #tpu.memory_space<vmem>> -> memref<1x1x80xi32, #tpu.memory_space<vmem>>
          %dma_start3A_206 = tpu.memref_squeeze %dma_start3A_205 : memref<1x1x80xi32, #tpu.memory_space<vmem>> -> memref<80xi32, #tpu.memory_space<vmem>>
          %dma_start3A_207 = arith.constant 0 : i32
          %dma_start3A_208 = arith.constant 0 : i32
          %dma_start3A_209 = tpu.memref_slice %arg2[%dma_start3A_207, %dma_start3A_208] : memref<10000x128xf32, #tpu.memory_space<hbm>> -> memref<10000x128xf32, #tpu.memory_space<hbm>>
          %dma_start3A_210 = tpu.memref_slice %arg10[%rem3A_162] : memref<3x!tpu.dma_semaphore, #tpu.memory_space<semaphore_mem>> -> memref<1x!tpu.dma_semaphore, #tpu.memory_space<semaphore_mem>>
          %dma_start3A_211 = tpu.memref_squeeze %dma_start3A_210 : memref<1x!tpu.dma_semaphore, #tpu.memory_space<semaphore_mem>> -> memref<!tpu.dma_semaphore, #tpu.memory_space<semaphore_mem>>
          tpu.enqueue_indirect_dma source(%dma_start3A_209 : memref<10000x128xf32, #tpu.memory_space<hbm>>) target(%dma_start3A_203 : memref<80x128xf32, #tpu.memory_space<vmem>>) offsets(%dma_start3A_206 : memref<80xi32, #tpu.memory_space<vmem>>) semaphore(%dma_start3A_211 : memref<!tpu.dma_semaphore, #tpu.memory_space<semaphore_mem>>)
        } else {
        }
        %dma_wait3A_174 = arith.constant 0 : i32
        %dma_wait3A_175 = arith.constant 0 : i32
        %dma_wait3A_176 = tpu.memref_slice %arg8[%rem3A_157, %dma_wait3A_174, %dma_wait3A_175] : memref<3x80x128xf32, #tpu.memory_space<vmem>> -> memref<1x80x128xf32, #tpu.memory_space<vmem>>
        %dma_wait3A_177 = tpu.memref_squeeze %dma_wait3A_176 : memref<1x80x128xf32, #tpu.memory_space<vmem>> -> memref<80x128xf32, #tpu.memory_space<vmem>>
        %dma_wait3A_178 = arith.constant 0 : i32
        %dma_wait3A_179 = tpu.memref_slice %arg6[%rem3A_132, %scan3A_154, %dma_wait3A_178] : memref<2x25x80xi32, #tpu.memory_space<vmem>> -> memref<1x1x80xi32, #tpu.memory_space<vmem>>
        %dma_wait3A_180 = tpu.memref_squeeze %dma_wait3A_179 : memref<1x1x80xi32, #tpu.memory_space<vmem>> -> memref<80xi32, #tpu.memory_space<vmem>>
        %dma_wait3A_181 = arith.constant 0 : i32
        %dma_wait3A_182 = arith.constant 0 : i32
        %dma_wait3A_183 = tpu.memref_slice %arg2[%dma_wait3A_181, %dma_wait3A_182] : memref<10000x128xf32, #tpu.memory_space<hbm>> -> memref<10000x128xf32, #tpu.memory_space<hbm>>
        %dma_wait3A_184 = tpu.memref_slice %arg10[%rem3A_157] : memref<3x!tpu.dma_semaphore, #tpu.memory_space<semaphore_mem>> -> memref<1x!tpu.dma_semaphore, #tpu.memory_space<semaphore_mem>>
        %dma_wait3A_185 = tpu.memref_squeeze %dma_wait3A_184 : memref<1x!tpu.dma_semaphore, #tpu.memory_space<semaphore_mem>> -> memref<!tpu.dma_semaphore, #tpu.memory_space<semaphore_mem>>
        tpu.wait_indirect_dma semaphore(%dma_wait3A_185 : memref<!tpu.dma_semaphore, #tpu.memory_space<semaphore_mem>>) src(%dma_wait3A_183 : memref<10000x128xf32, #tpu.memory_space<hbm>>) dst(%dma_wait3A_177 : memref<80x128xf32, #tpu.memory_space<vmem>>)
        %dma_start3A_186 = arith.constant 0 : i32
        %dma_start3A_187 = arith.constant 0 : i32
        %dma_start3A_188 = tpu.memref_slice %arg8[%rem3A_157, %dma_start3A_186, %dma_start3A_187] : memref<3x80x128xf32, #tpu.memory_space<vmem>> -> memref<1x80x128xf32, #tpu.memory_space<vmem>>
        %dma_start3A_189 = tpu.memref_squeeze %dma_start3A_188 : memref<1x80x128xf32, #tpu.memory_space<vmem>> -> memref<80x128xf32, #tpu.memory_space<vmem>>
        %dma_start3A_190 = arith.constant 0 : i32
        %dma_start3A_191 = tpu.memref_slice %arg7[%rem3A_132, %scan3A_154, %dma_start3A_190] : memref<2x25x80xi32, #tpu.memory_space<vmem>> -> memref<1x1x80xi32, #tpu.memory_space<vmem>>
        %dma_start3A_192 = tpu.memref_squeeze %dma_start3A_191 : memref<1x1x80xi32, #tpu.memory_space<vmem>> -> memref<80xi32, #tpu.memory_space<vmem>>
        %dma_start3A_193 = arith.constant 0 : i32
        %dma_start3A_194 = arith.constant 0 : i32
        %dma_start3A_195 = tpu.memref_slice %arg9[%dma_start3A_193, %dma_start3A_194] : memref<10000x128xf32, #tpu.memory_space<vmem_shared>> -> memref<10000x128xf32, #tpu.memory_space<vmem_shared>>
        %dma_start3A_196 = tpu.memref_slice %arg12[%rem3A_157] : memref<3x!tpu.dma_semaphore, #tpu.memory_space<semaphore_mem>> -> memref<1x!tpu.dma_semaphore, #tpu.memory_space<semaphore_mem>>
        %dma_start3A_197 = tpu.memref_squeeze %dma_start3A_196 : memref<1x!tpu.dma_semaphore, #tpu.memory_space<semaphore_mem>> -> memref<!tpu.dma_semaphore, #tpu.memory_space<semaphore_mem>>
        tpu.enqueue_indirect_dma source(%dma_start3A_189 : memref<80x128xf32, #tpu.memory_space<vmem>>) target(%dma_start3A_195 : memref<10000x128xf32, #tpu.memory_space<vmem_shared>>) offsets(%dma_start3A_192 : memref<80xi32, #tpu.memory_space<vmem>>) semaphore(%dma_start3A_197 : memref<!tpu.dma_semaphore, #tpu.memory_space<semaphore_mem>>) {add = true}
      }
      %scan3A_153 = arith.constant 25 : i32
    }
    %scan3A_52 = arith.constant 5 : i32
    %dma_wait3A = arith.constant 1 : i32
    %dma_wait3A_53 = arith.constant 0 : i32
    %dma_wait3A_54 = arith.constant 0 : i32
    %dma_wait3A_55 = arith.constant 1 : i32
    %dma_wait3A_56 = arith.constant 0 : i32
    %dma_wait3A_57 = arith.constant 0 : i32
    %dma_wait3A_58 = tpu.memref_slice %arg8[%dma_wait3A, %dma_wait3A_56, %dma_wait3A_57] : memref<3x80x128xf32, #tpu.memory_space<vmem>> -> memref<1x80x128xf32, #tpu.memory_space<vmem>>
    %dma_wait3A_59 = tpu.memref_squeeze %dma_wait3A_58 : memref<1x80x128xf32, #tpu.memory_space<vmem>> -> memref<80x128xf32, #tpu.memory_space<vmem>>
    %dma_wait3A_60 = arith.constant 0 : i32
    %dma_wait3A_61 = tpu.memref_slice %arg7[%dma_wait3A_53, %dma_wait3A_54, %dma_wait3A_60] : memref<2x25x80xi32, #tpu.memory_space<vmem>> -> memref<1x1x80xi32, #tpu.memory_space<vmem>>
    %dma_wait3A_62 = tpu.memref_squeeze %dma_wait3A_61 : memref<1x1x80xi32, #tpu.memory_space<vmem>> -> memref<80xi32, #tpu.memory_space<vmem>>
    %dma_wait3A_63 = arith.constant 0 : i32
    %dma_wait3A_64 = arith.constant 0 : i32
    %dma_wait3A_65 = tpu.memref_slice %arg9[%dma_wait3A_63, %dma_wait3A_64] : memref<10000x128xf32, #tpu.memory_space<vmem_shared>> -> memref<10000x128xf32, #tpu.memory_space<vmem_shared>>
    %dma_wait3A_66 = tpu.memref_slice %arg12[%dma_wait3A_55] : memref<3x!tpu.dma_semaphore, #tpu.memory_space<semaphore_mem>> -> memref<1x!tpu.dma_semaphore, #tpu.memory_space<semaphore_mem>>
    %dma_wait3A_67 = tpu.memref_squeeze %dma_wait3A_66 : memref<1x!tpu.dma_semaphore, #tpu.memory_space<semaphore_mem>> -> memref<!tpu.dma_semaphore, #tpu.memory_space<semaphore_mem>>
    tpu.wait_indirect_dma semaphore(%dma_wait3A_67 : memref<!tpu.dma_semaphore, #tpu.memory_space<semaphore_mem>>) src(%dma_wait3A_59 : memref<80x128xf32, #tpu.memory_space<vmem>>) dst(%dma_wait3A_65 : memref<10000x128xf32, #tpu.memory_space<vmem_shared>>)
    %dma_wait3A_68 = arith.constant 0 : i32
    %dma_wait3A_69 = arith.constant 0 : i32
    %dma_wait3A_70 = arith.constant 0 : i32
    %dma_wait3A_71 = arith.constant 0 : i32
    %dma_wait3A_72 = arith.constant 0 : i32
    %dma_wait3A_73 = arith.constant 0 : i32
    %dma_wait3A_74 = tpu.memref_slice %arg8[%dma_wait3A_68, %dma_wait3A_72, %dma_wait3A_73] : memref<3x80x128xf32, #tpu.memory_space<vmem>> -> memref<1x80x128xf32, #tpu.memory_space<vmem>>
    %dma_wait3A_75 = tpu.memref_squeeze %dma_wait3A_74 : memref<1x80x128xf32, #tpu.memory_space<vmem>> -> memref<80x128xf32, #tpu.memory_space<vmem>>
    %dma_wait3A_76 = arith.constant 0 : i32
    %dma_wait3A_77 = tpu.memref_slice %arg7[%dma_wait3A_69, %dma_wait3A_70, %dma_wait3A_76] : memref<2x25x80xi32, #tpu.memory_space<vmem>> -> memref<1x1x80xi32, #tpu.memory_space<vmem>>
    %dma_wait3A_78 = tpu.memref_squeeze %dma_wait3A_77 : memref<1x1x80xi32, #tpu.memory_space<vmem>> -> memref<80xi32, #tpu.memory_space<vmem>>
    %dma_wait3A_79 = arith.constant 0 : i32
    %dma_wait3A_80 = arith.constant 0 : i32
    %dma_wait3A_81 = tpu.memref_slice %arg9[%dma_wait3A_79, %dma_wait3A_80] : memref<10000x128xf32, #tpu.memory_space<vmem_shared>> -> memref<10000x128xf32, #tpu.memory_space<vmem_shared>>
    %dma_wait3A_82 = tpu.memref_slice %arg12[%dma_wait3A_71] : memref<3x!tpu.dma_semaphore, #tpu.memory_space<semaphore_mem>> -> memref<1x!tpu.dma_semaphore, #tpu.memory_space<semaphore_mem>>
    %dma_wait3A_83 = tpu.memref_squeeze %dma_wait3A_82 : memref<1x!tpu.dma_semaphore, #tpu.memory_space<semaphore_mem>> -> memref<!tpu.dma_semaphore, #tpu.memory_space<semaphore_mem>>
    tpu.wait_indirect_dma semaphore(%dma_wait3A_83 : memref<!tpu.dma_semaphore, #tpu.memory_space<semaphore_mem>>) src(%dma_wait3A_75 : memref<80x128xf32, #tpu.memory_space<vmem>>) dst(%dma_wait3A_81 : memref<10000x128xf32, #tpu.memory_space<vmem_shared>>)
    %barrier3A_84 = arith.constant 0 : index
    tpu.barrier barrier_id(%barrier3A_84)
    %while3A_85 = arith.constant 0 : i32
    %while3A_86 = arith.constant 0 : i32
    %while3A_87 = arith.subi %select_n3A, %while3A_86 : i32
    %while3A_88 = arith.addi %while3A_86, %while3A_87 : i32
    %while3A_89 = arith.constant 1 : i32
    %while3A_90 = arith.divsi %while3A_87, %while3A_89 : i32
    %while3A_91 = arith.muli %while3A_90, %while3A_89 : i32
    %while3A_92 = arith.addi %while3A_86, %while3A_91 : i32
    %while3A_93 = arith.constant 1 : i32
    scf.for %while3A_131 = %while3A_86 to %while3A_92 step %while3A_93  : i32 {
      %rem3A = arith.constant 2 : i32
      %rem3A_132 = arith.remsi %while3A_131, %rem3A : i32
      %ge3A = arith.constant 2 : i32
      %ge3A_133 = arith.cmpi sge, %while3A_131, %ge3A : i32
      %convert_element_type3A = arith.extui %ge3A_133 : i1 to i32
      %cond3A = arith.constant 0 : i32
      %cond3A_134 = arith.cmpi ne, %convert_element_type3A, %cond3A : i32
      scf.if %cond3A_134 {
        %dma_wait3A_157 = arith.constant 0 : i32
        %dma_wait3A_158 = arith.constant 0 : i32
        %dma_wait3A_159 = tpu.memref_slice %arg8[%rem3A_132, %dma_wait3A_157, %dma_wait3A_158] : memref<3x80x128xf32, #tpu.memory_space<vmem>> -> memref<1x80x128xf32, #tpu.memory_space<vmem>>
        %dma_wait3A_160 = tpu.memref_squeeze %dma_wait3A_159 : memref<1x80x128xf32, #tpu.memory_space<vmem>> -> memref<80x128xf32, #tpu.memory_space<vmem>>
        %dma_wait3A_161 = arith.constant 0 : i32
        %dma_wait3A_162 = tpu.memref_slice %arg5[%arg0, %mul3A_2, %dma_wait3A_161] : memref<2x10000x128xf32, #tpu.memory_space<hbm>> -> memref<1x80x128xf32, #tpu.memory_space<hbm>>
        %dma_wait3A_163 = tpu.memref_squeeze %dma_wait3A_162 : memref<1x80x128xf32, #tpu.memory_space<hbm>> -> memref<80x128xf32, #tpu.memory_space<hbm>>
        %dma_wait3A_164 = tpu.memref_slice %arg10[%rem3A_132] : memref<3x!tpu.dma_semaphore, #tpu.memory_space<semaphore_mem>> -> memref<1x!tpu.dma_semaphore, #tpu.memory_space<semaphore_mem>>
        %dma_wait3A_165 = tpu.memref_squeeze %dma_wait3A_164 : memref<1x!tpu.dma_semaphore, #tpu.memory_space<semaphore_mem>> -> memref<!tpu.dma_semaphore, #tpu.memory_space<semaphore_mem>>
        %dma_wait3A_166 = arith.constant 0 : i32
        %dma_wait3A_167 = tpu.memref_slice %arg5[%arg0, %mul3A_2, %dma_wait3A_166] : memref<2x10000x128xf32, #tpu.memory_space<hbm>> -> memref<1x80x128xf32, #tpu.memory_space<hbm>>
        %dma_wait3A_168 = tpu.memref_squeeze %dma_wait3A_167 : memref<1x80x128xf32, #tpu.memory_space<hbm>> -> memref<80x128xf32, #tpu.memory_space<hbm>>
        %dma_wait3A_169 = arith.constant 0 : i32
        %dma_wait3A_170 = arith.constant 0 : i32
        %dma_wait3A_171 = tpu.memref_slice %arg8[%rem3A_132, %dma_wait3A_169, %dma_wait3A_170] : memref<3x80x128xf32, #tpu.memory_space<vmem>> -> memref<1x80x128xf32, #tpu.memory_space<vmem>>
        %dma_wait3A_172 = tpu.memref_squeeze %dma_wait3A_171 : memref<1x80x128xf32, #tpu.memory_space<vmem>> -> memref<80x128xf32, #tpu.memory_space<vmem>>
        tpu.wait_dma2 semaphore(%dma_wait3A_165 : memref<!tpu.dma_semaphore, #tpu.memory_space<semaphore_mem>>) src(%dma_wait3A_172 : memref<80x128xf32, #tpu.memory_space<vmem>>) dst(%dma_wait3A_168 : memref<80x128xf32, #tpu.memory_space<hbm>>)
      } else {
      }
      %mul3A_135 = arith.constant 80 : i32
      %mul3A_136 = arith.muli %while3A_131, %mul3A_135 : i32
      %add3A_137 = arith.addi %mul3A_2, %mul3A_136 : i32
      "tpu.region"() ({
        %run_scoped3A_157 = tpu.sem_alloc : memref<!tpu.dma_semaphore, #tpu.memory_space<semaphore_mem>>
        %dma_start3A_158 = arith.constant 0 : i32
        %dma_start3A_159 = arith.constant 0 : i32
        %dma_start3A_160 = tpu.memref_slice %arg8[%rem3A_132, %dma_start3A_158, %dma_start3A_159] : memref<3x80x128xf32, #tpu.memory_space<vmem>> -> memref<1x80x128xf32, #tpu.memory_space<vmem>>
        %dma_start3A_161 = tpu.memref_squeeze %dma_start3A_160 : memref<1x80x128xf32, #tpu.memory_space<vmem>> -> memref<80x128xf32, #tpu.memory_space<vmem>>
        %dma_start3A_162 = arith.constant 0 : i32
        %dma_start3A_163 = tpu.memref_slice %arg9[%add3A_137, %dma_start3A_162] : memref<10000x128xf32, #tpu.memory_space<vmem_shared>> -> memref<80x128xf32, #tpu.memory_space<vmem_shared>>
        %dma_start3A_164 = arith.constant 0 : i32
        %dma_start3A_165 = arith.constant 0 : i32
        %dma_start3A_166 = tpu.memref_slice %arg8[%rem3A_132, %dma_start3A_164, %dma_start3A_165] : memref<3x80x128xf32, #tpu.memory_space<vmem>> -> memref<1x80x128xf32, #tpu.memory_space<vmem>>
        %dma_start3A_167 = tpu.memref_squeeze %dma_start3A_166 : memref<1x80x128xf32, #tpu.memory_space<vmem>> -> memref<80x128xf32, #tpu.memory_space<vmem>>
        %dma_start3A_168 = arith.constant 0 : i32
        %dma_start3A_169 = tpu.memref_slice %arg9[%add3A_137, %dma_start3A_168] : memref<10000x128xf32, #tpu.memory_space<vmem_shared>> -> memref<80x128xf32, #tpu.memory_space<vmem_shared>>
        tpu.enqueue_dma source(%dma_start3A_169 : memref<80x128xf32, #tpu.memory_space<vmem_shared>>) target(%dma_start3A_167 : memref<80x128xf32, #tpu.memory_space<vmem>>) target_semaphore(%run_scoped3A_157 : memref<!tpu.dma_semaphore, #tpu.memory_space<semaphore_mem>>)
        %dma_wait3A_170 = arith.constant 0 : i32
        %dma_wait3A_171 = arith.constant 0 : i32
        %dma_wait3A_172 = tpu.memref_slice %arg8[%rem3A_132, %dma_wait3A_170, %dma_wait3A_171] : memref<3x80x128xf32, #tpu.memory_space<vmem>> -> memref<1x80x128xf32, #tpu.memory_space<vmem>>
        %dma_wait3A_173 = tpu.memref_squeeze %dma_wait3A_172 : memref<1x80x128xf32, #tpu.memory_space<vmem>> -> memref<80x128xf32, #tpu.memory_space<vmem>>
        %dma_wait3A_174 = arith.constant 0 : i32
        %dma_wait3A_175 = tpu.memref_slice %arg9[%add3A_137, %dma_wait3A_174] : memref<10000x128xf32, #tpu.memory_space<vmem_shared>> -> memref<80x128xf32, #tpu.memory_space<vmem_shared>>
        %dma_wait3A_176 = arith.constant 0 : i32
        %dma_wait3A_177 = arith.constant 0 : i32
        %dma_wait3A_178 = tpu.memref_slice %arg8[%rem3A_132, %dma_wait3A_176, %dma_wait3A_177] : memref<3x80x128xf32, #tpu.memory_space<vmem>> -> memref<1x80x128xf32, #tpu.memory_space<vmem>>
        %dma_wait3A_179 = tpu.memref_squeeze %dma_wait3A_178 : memref<1x80x128xf32, #tpu.memory_space<vmem>> -> memref<80x128xf32, #tpu.memory_space<vmem>>
        %dma_wait3A_180 = arith.constant 0 : i32
        %dma_wait3A_181 = tpu.memref_slice %arg9[%add3A_137, %dma_wait3A_180] : memref<10000x128xf32, #tpu.memory_space<vmem_shared>> -> memref<80x128xf32, #tpu.memory_space<vmem_shared>>
        tpu.wait_dma2 semaphore(%run_scoped3A_157 : memref<!tpu.dma_semaphore, #tpu.memory_space<semaphore_mem>>) src(%dma_wait3A_181 : memref<80x128xf32, #tpu.memory_space<vmem_shared>>) dst(%dma_wait3A_179 : memref<80x128xf32, #tpu.memory_space<vmem>>)
        tpu.yield
      }) : () -> ()
      %mul3A_138 = arith.constant 80 : i32
      %mul3A_139 = arith.muli %while3A_131, %mul3A_138 : i32
      %add3A_140 = arith.addi %mul3A_2, %mul3A_139 : i32
      %dma_start3A_141 = arith.constant 0 : i32
      %dma_start3A_142 = arith.constant 0 : i32
      %dma_start3A_143 = tpu.memref_slice %arg8[%rem3A_132, %dma_start3A_141, %dma_start3A_142] : memref<3x80x128xf32, #tpu.memory_space<vmem>> -> memref<1x80x128xf32, #tpu.memory_space<vmem>>
      %dma_start3A_144 = tpu.memref_squeeze %dma_start3A_143 : memref<1x80x128xf32, #tpu.memory_space<vmem>> -> memref<80x128xf32, #tpu.memory_space<vmem>>
      %dma_start3A_145 = arith.constant 0 : i32
      %dma_start3A_146 = tpu.memref_slice %arg5[%arg0, %add3A_140, %dma_start3A_145] : memref<2x10000x128xf32, #tpu.memory_space<hbm>> -> memref<1x80x128xf32, #tpu.memory_space<hbm>>
      %dma_start3A_147 = tpu.memref_squeeze %dma_start3A_146 : memref<1x80x128xf32, #tpu.memory_space<hbm>> -> memref<80x128xf32, #tpu.memory_space<hbm>>
      %dma_start3A_148 = tpu.memref_slice %arg10[%rem3A_132] : memref<3x!tpu.dma_semaphore, #tpu.memory_space<semaphore_mem>> -> memref<1x!tpu.dma_semaphore, #tpu.memory_space<semaphore_mem>>
      %dma_start3A_149 = tpu.memref_squeeze %dma_start3A_148 : memref<1x!tpu.dma_semaphore, #tpu.memory_space<semaphore_mem>> -> memref<!tpu.dma_semaphore, #tpu.memory_space<semaphore_mem>>
      %dma_start3A_150 = arith.constant 0 : i32
      %dma_start3A_151 = tpu.memref_slice %arg5[%arg0, %add3A_140, %dma_start3A_150] : memref<2x10000x128xf32, #tpu.memory_space<hbm>> -> memref<1x80x128xf32, #tpu.memory_space<hbm>>
      %dma_start3A_152 = tpu.memref_squeeze %dma_start3A_151 : memref<1x80x128xf32, #tpu.memory_space<hbm>> -> memref<80x128xf32, #tpu.memory_space<hbm>>
      %dma_start3A_153 = arith.constant 0 : i32
      %dma_start3A_154 = arith.constant 0 : i32
      %dma_start3A_155 = tpu.memref_slice %arg8[%rem3A_132, %dma_start3A_153, %dma_start3A_154] : memref<3x80x128xf32, #tpu.memory_space<vmem>> -> memref<1x80x128xf32, #tpu.memory_space<vmem>>
      %dma_start3A_156 = tpu.memref_squeeze %dma_start3A_155 : memref<1x80x128xf32, #tpu.memory_space<vmem>> -> memref<80x128xf32, #tpu.memory_space<vmem>>
      tpu.enqueue_dma source(%dma_start3A_156 : memref<80x128xf32, #tpu.memory_space<vmem>>) target(%dma_start3A_152 : memref<80x128xf32, #tpu.memory_space<hbm>>) target_semaphore(%dma_start3A_149 : memref<!tpu.dma_semaphore, #tpu.memory_space<semaphore_mem>>)
    }
    %while3A_94 = arith.constant 1 : i32
    scf.for %while3A_131 = %while3A_92 to %while3A_88 step %while3A_94  : i32 {
      %rem3A = arith.constant 2 : i32
      %rem3A_132 = arith.remsi %while3A_131, %rem3A : i32
      %ge3A = arith.constant 2 : i32
      %ge3A_133 = arith.cmpi sge, %while3A_131, %ge3A : i32
      %convert_element_type3A = arith.extui %ge3A_133 : i1 to i32
      %cond3A = arith.constant 0 : i32
      %cond3A_134 = arith.cmpi ne, %convert_element_type3A, %cond3A : i32
      scf.if %cond3A_134 {
        %dma_wait3A_157 = arith.constant 0 : i32
        %dma_wait3A_158 = arith.constant 0 : i32
        %dma_wait3A_159 = tpu.memref_slice %arg8[%rem3A_132, %dma_wait3A_157, %dma_wait3A_158] : memref<3x80x128xf32, #tpu.memory_space<vmem>> -> memref<1x80x128xf32, #tpu.memory_space<vmem>>
        %dma_wait3A_160 = tpu.memref_squeeze %dma_wait3A_159 : memref<1x80x128xf32, #tpu.memory_space<vmem>> -> memref<80x128xf32, #tpu.memory_space<vmem>>
        %dma_wait3A_161 = arith.constant 0 : i32
        %dma_wait3A_162 = tpu.memref_slice %arg5[%arg0, %mul3A_2, %dma_wait3A_161] : memref<2x10000x128xf32, #tpu.memory_space<hbm>> -> memref<1x80x128xf32, #tpu.memory_space<hbm>>
        %dma_wait3A_163 = tpu.memref_squeeze %dma_wait3A_162 : memref<1x80x128xf32, #tpu.memory_space<hbm>> -> memref<80x128xf32, #tpu.memory_space<hbm>>
        %dma_wait3A_164 = tpu.memref_slice %arg10[%rem3A_132] : memref<3x!tpu.dma_semaphore, #tpu.memory_space<semaphore_mem>> -> memref<1x!tpu.dma_semaphore, #tpu.memory_space<semaphore_mem>>
        %dma_wait3A_165 = tpu.memref_squeeze %dma_wait3A_164 : memref<1x!tpu.dma_semaphore, #tpu.memory_space<semaphore_mem>> -> memref<!tpu.dma_semaphore, #tpu.memory_space<semaphore_mem>>
        %dma_wait3A_166 = arith.constant 0 : i32
        %dma_wait3A_167 = tpu.memref_slice %arg5[%arg0, %mul3A_2, %dma_wait3A_166] : memref<2x10000x128xf32, #tpu.memory_space<hbm>> -> memref<1x80x128xf32, #tpu.memory_space<hbm>>
        %dma_wait3A_168 = tpu.memref_squeeze %dma_wait3A_167 : memref<1x80x128xf32, #tpu.memory_space<hbm>> -> memref<80x128xf32, #tpu.memory_space<hbm>>
        %dma_wait3A_169 = arith.constant 0 : i32
        %dma_wait3A_170 = arith.constant 0 : i32
        %dma_wait3A_171 = tpu.memref_slice %arg8[%rem3A_132, %dma_wait3A_169, %dma_wait3A_170] : memref<3x80x128xf32, #tpu.memory_space<vmem>> -> memref<1x80x128xf32, #tpu.memory_space<vmem>>
        %dma_wait3A_172 = tpu.memref_squeeze %dma_wait3A_171 : memref<1x80x128xf32, #tpu.memory_space<vmem>> -> memref<80x128xf32, #tpu.memory_space<vmem>>
        tpu.wait_dma2 semaphore(%dma_wait3A_165 : memref<!tpu.dma_semaphore, #tpu.memory_space<semaphore_mem>>) src(%dma_wait3A_172 : memref<80x128xf32, #tpu.memory_space<vmem>>) dst(%dma_wait3A_168 : memref<80x128xf32, #tpu.memory_space<hbm>>)
      } else {
      }
      %mul3A_135 = arith.constant 80 : i32
      %mul3A_136 = arith.muli %while3A_131, %mul3A_135 : i32
      %add3A_137 = arith.addi %mul3A_2, %mul3A_136 : i32
      "tpu.region"() ({
        %run_scoped3A_157 = tpu.sem_alloc : memref<!tpu.dma_semaphore, #tpu.memory_space<semaphore_mem>>
        %dma_start3A_158 = arith.constant 0 : i32
        %dma_start3A_159 = arith.constant 0 : i32
        %dma_start3A_160 = tpu.memref_slice %arg8[%rem3A_132, %dma_start3A_158, %dma_start3A_159] : memref<3x80x128xf32, #tpu.memory_space<vmem>> -> memref<1x80x128xf32, #tpu.memory_space<vmem>>
        %dma_start3A_161 = tpu.memref_squeeze %dma_start3A_160 : memref<1x80x128xf32, #tpu.memory_space<vmem>> -> memref<80x128xf32, #tpu.memory_space<vmem>>
        %dma_start3A_162 = arith.constant 0 : i32
        %dma_start3A_163 = tpu.memref_slice %arg9[%add3A_137, %dma_start3A_162] : memref<10000x128xf32, #tpu.memory_space<vmem_shared>> -> memref<80x128xf32, #tpu.memory_space<vmem_shared>>
        %dma_start3A_164 = arith.constant 0 : i32
        %dma_start3A_165 = arith.constant 0 : i32
        %dma_start3A_166 = tpu.memref_slice %arg8[%rem3A_132, %dma_start3A_164, %dma_start3A_165] : memref<3x80x128xf32, #tpu.memory_space<vmem>> -> memref<1x80x128xf32, #tpu.memory_space<vmem>>
        %dma_start3A_167 = tpu.memref_squeeze %dma_start3A_166 : memref<1x80x128xf32, #tpu.memory_space<vmem>> -> memref<80x128xf32, #tpu.memory_space<vmem>>
        %dma_start3A_168 = arith.constant 0 : i32
        %dma_start3A_169 = tpu.memref_slice %arg9[%add3A_137, %dma_start3A_168] : memref<10000x128xf32, #tpu.memory_space<vmem_shared>> -> memref<80x128xf32, #tpu.memory_space<vmem_shared>>
        tpu.enqueue_dma source(%dma_start3A_169 : memref<80x128xf32, #tpu.memory_space<vmem_shared>>) target(%dma_start3A_167 : memref<80x128xf32, #tpu.memory_space<vmem>>) target_semaphore(%run_scoped3A_157 : memref<!tpu.dma_semaphore, #tpu.memory_space<semaphore_mem>>)
        %dma_wait3A_170 = arith.constant 0 : i32
        %dma_wait3A_171 = arith.constant 0 : i32
        %dma_wait3A_172 = tpu.memref_slice %arg8[%rem3A_132, %dma_wait3A_170, %dma_wait3A_171] : memref<3x80x128xf32, #tpu.memory_space<vmem>> -> memref<1x80x128xf32, #tpu.memory_space<vmem>>
        %dma_wait3A_173 = tpu.memref_squeeze %dma_wait3A_172 : memref<1x80x128xf32, #tpu.memory_space<vmem>> -> memref<80x128xf32, #tpu.memory_space<vmem>>
        %dma_wait3A_174 = arith.constant 0 : i32
        %dma_wait3A_175 = tpu.memref_slice %arg9[%add3A_137, %dma_wait3A_174] : memref<10000x128xf32, #tpu.memory_space<vmem_shared>> -> memref<80x128xf32, #tpu.memory_space<vmem_shared>>
        %dma_wait3A_176 = arith.constant 0 : i32
        %dma_wait3A_177 = arith.constant 0 : i32
        %dma_wait3A_178 = tpu.memref_slice %arg8[%rem3A_132, %dma_wait3A_176, %dma_wait3A_177] : memref<3x80x128xf32, #tpu.memory_space<vmem>> -> memref<1x80x128xf32, #tpu.memory_space<vmem>>
        %dma_wait3A_179 = tpu.memref_squeeze %dma_wait3A_178 : memref<1x80x128xf32, #tpu.memory_space<vmem>> -> memref<80x128xf32, #tpu.memory_space<vmem>>
        %dma_wait3A_180 = arith.constant 0 : i32
        %dma_wait3A_181 = tpu.memref_slice %arg9[%add3A_137, %dma_wait3A_180] : memref<10000x128xf32, #tpu.memory_space<vmem_shared>> -> memref<80x128xf32, #tpu.memory_space<vmem_shared>>
        tpu.wait_dma2 semaphore(%run_scoped3A_157 : memref<!tpu.dma_semaphore, #tpu.memory_space<semaphore_mem>>) src(%dma_wait3A_181 : memref<80x128xf32, #tpu.memory_space<vmem_shared>>) dst(%dma_wait3A_179 : memref<80x128xf32, #tpu.memory_space<vmem>>)
        tpu.yield
      }) : () -> ()
      %mul3A_138 = arith.constant 80 : i32
      %mul3A_139 = arith.muli %while3A_131, %mul3A_138 : i32
      %add3A_140 = arith.addi %mul3A_2, %mul3A_139 : i32
      %dma_start3A_141 = arith.constant 0 : i32
      %dma_start3A_142 = arith.constant 0 : i32
      %dma_start3A_143 = tpu.memref_slice %arg8[%rem3A_132, %dma_start3A_141, %dma_start3A_142] : memref<3x80x128xf32, #tpu.memory_space<vmem>> -> memref<1x80x128xf32, #tpu.memory_space<vmem>>
      %dma_start3A_144 = tpu.memref_squeeze %dma_start3A_143 : memref<1x80x128xf32, #tpu.memory_space<vmem>> -> memref<80x128xf32, #tpu.memory_space<vmem>>
      %dma_start3A_145 = arith.constant 0 : i32
      %dma_start3A_146 = tpu.memref_slice %arg5[%arg0, %add3A_140, %dma_start3A_145] : memref<2x10000x128xf32, #tpu.memory_space<hbm>> -> memref<1x80x128xf32, #tpu.memory_space<hbm>>
      %dma_start3A_147 = tpu.memref_squeeze %dma_start3A_146 : memref<1x80x128xf32, #tpu.memory_space<hbm>> -> memref<80x128xf32, #tpu.memory_space<hbm>>
      %dma_start3A_148 = tpu.memref_slice %arg10[%rem3A_132] : memref<3x!tpu.dma_semaphore, #tpu.memory_space<semaphore_mem>> -> memref<1x!tpu.dma_semaphore, #tpu.memory_space<semaphore_mem>>
      %dma_start3A_149 = tpu.memref_squeeze %dma_start3A_148 : memref<1x!tpu.dma_semaphore, #tpu.memory_space<semaphore_mem>> -> memref<!tpu.dma_semaphore, #tpu.memory_space<semaphore_mem>>
      %dma_start3A_150 = arith.constant 0 : i32
      %dma_start3A_151 = tpu.memref_slice %arg5[%arg0, %add3A_140, %dma_start3A_150] : memref<2x10000x128xf32, #tpu.memory_space<hbm>> -> memref<1x80x128xf32, #tpu.memory_space<hbm>>
      %dma_start3A_152 = tpu.memref_squeeze %dma_start3A_151 : memref<1x80x128xf32, #tpu.memory_space<hbm>> -> memref<80x128xf32, #tpu.memory_space<hbm>>
      %dma_start3A_153 = arith.constant 0 : i32
      %dma_start3A_154 = arith.constant 0 : i32
      %dma_start3A_155 = tpu.memref_slice %arg8[%rem3A_132, %dma_start3A_153, %dma_start3A_154] : memref<3x80x128xf32, #tpu.memory_space<vmem>> -> memref<1x80x128xf32, #tpu.memory_space<vmem>>
      %dma_start3A_156 = tpu.memref_squeeze %dma_start3A_155 : memref<1x80x128xf32, #tpu.memory_space<vmem>> -> memref<80x128xf32, #tpu.memory_space<vmem>>
      tpu.enqueue_dma source(%dma_start3A_156 : memref<80x128xf32, #tpu.memory_space<vmem>>) target(%dma_start3A_152 : memref<80x128xf32, #tpu.memory_space<hbm>>) target_semaphore(%dma_start3A_149 : memref<!tpu.dma_semaphore, #tpu.memory_space<semaphore_mem>>)
    }
    %dma_wait3A_95 = arith.constant 0 : i32
    %dma_wait3A_96 = arith.constant 0 : i32
    %dma_wait3A_97 = arith.constant 0 : i32
    %dma_wait3A_98 = arith.constant 0 : i32
    %dma_wait3A_99 = tpu.memref_slice %arg8[%dma_wait3A_95, %dma_wait3A_97, %dma_wait3A_98] : memref<3x80x128xf32, #tpu.memory_space<vmem>> -> memref<1x80x128xf32, #tpu.memory_space<vmem>>
    %dma_wait3A_100 = tpu.memref_squeeze %dma_wait3A_99 : memref<1x80x128xf32, #tpu.memory_space<vmem>> -> memref<80x128xf32, #tpu.memory_space<vmem>>
    %dma_wait3A_101 = arith.constant 0 : i32
    %dma_wait3A_102 = tpu.memref_slice %arg5[%arg0, %mul3A_2, %dma_wait3A_101] : memref<2x10000x128xf32, #tpu.memory_space<hbm>> -> memref<1x80x128xf32, #tpu.memory_space<hbm>>
    %dma_wait3A_103 = tpu.memref_squeeze %dma_wait3A_102 : memref<1x80x128xf32, #tpu.memory_space<hbm>> -> memref<80x128xf32, #tpu.memory_space<hbm>>
    %dma_wait3A_104 = tpu.memref_slice %arg10[%dma_wait3A_96] : memref<3x!tpu.dma_semaphore, #tpu.memory_space<semaphore_mem>> -> memref<1x!tpu.dma_semaphore, #tpu.memory_space<semaphore_mem>>
    %dma_wait3A_105 = tpu.memref_squeeze %dma_wait3A_104 : memref<1x!tpu.dma_semaphore, #tpu.memory_space<semaphore_mem>> -> memref<!tpu.dma_semaphore, #tpu.memory_space<semaphore_mem>>
    %dma_wait3A_106 = arith.constant 0 : i32
    %dma_wait3A_107 = tpu.memref_slice %arg5[%arg0, %mul3A_2, %dma_wait3A_106] : memref<2x10000x128xf32, #tpu.memory_space<hbm>> -> memref<1x80x128xf32, #tpu.memory_space<hbm>>
    %dma_wait3A_108 = tpu.memref_squeeze %dma_wait3A_107 : memref<1x80x128xf32, #tpu.memory_space<hbm>> -> memref<80x128xf32, #tpu.memory_space<hbm>>
    %dma_wait3A_109 = arith.constant 0 : i32
    %dma_wait3A_110 = arith.constant 0 : i32
    %dma_wait3A_111 = tpu.memref_slice %arg8[%dma_wait3A_95, %dma_wait3A_109, %dma_wait3A_110] : memref<3x80x128xf32, #tpu.memory_space<vmem>> -> memref<1x80x128xf32, #tpu.memory_space<vmem>>
    %dma_wait3A_112 = tpu.memref_squeeze %dma_wait3A_111 : memref<1x80x128xf32, #tpu.memory_space<vmem>> -> memref<80x128xf32, #tpu.memory_space<vmem>>
    tpu.wait_dma2 semaphore(%dma_wait3A_105 : memref<!tpu.dma_semaphore, #tpu.memory_space<semaphore_mem>>) src(%dma_wait3A_112 : memref<80x128xf32, #tpu.memory_space<vmem>>) dst(%dma_wait3A_108 : memref<80x128xf32, #tpu.memory_space<hbm>>)
    %dma_wait3A_113 = arith.constant 1 : i32
    %dma_wait3A_114 = arith.constant 1 : i32
    %dma_wait3A_115 = arith.constant 0 : i32
    %dma_wait3A_116 = arith.constant 0 : i32
    %dma_wait3A_117 = tpu.memref_slice %arg8[%dma_wait3A_113, %dma_wait3A_115, %dma_wait3A_116] : memref<3x80x128xf32, #tpu.memory_space<vmem>> -> memref<1x80x128xf32, #tpu.memory_space<vmem>>
    %dma_wait3A_118 = tpu.memref_squeeze %dma_wait3A_117 : memref<1x80x128xf32, #tpu.memory_space<vmem>> -> memref<80x128xf32, #tpu.memory_space<vmem>>
    %dma_wait3A_119 = arith.constant 0 : i32
    %dma_wait3A_120 = tpu.memref_slice %arg5[%arg0, %mul3A_2, %dma_wait3A_119] : memref<2x10000x128xf32, #tpu.memory_space<hbm>> -> memref<1x80x128xf32, #tpu.memory_space<hbm>>
    %dma_wait3A_121 = tpu.memref_squeeze %dma_wait3A_120 : memref<1x80x128xf32, #tpu.memory_space<hbm>> -> memref<80x128xf32, #tpu.memory_space<hbm>>
    %dma_wait3A_122 = tpu.memref_slice %arg10[%dma_wait3A_114] : memref<3x!tpu.dma_semaphore, #tpu.memory_space<semaphore_mem>> -> memref<1x!tpu.dma_semaphore, #tpu.memory_space<semaphore_mem>>
    %dma_wait3A_123 = tpu.memref_squeeze %dma_wait3A_122 : memref<1x!tpu.dma_semaphore, #tpu.memory_space<semaphore_mem>> -> memref<!tpu.dma_semaphore, #tpu.memory_space<semaphore_mem>>
    %dma_wait3A_124 = arith.constant 0 : i32
    %dma_wait3A_125 = tpu.memref_slice %arg5[%arg0, %mul3A_2, %dma_wait3A_124] : memref<2x10000x128xf32, #tpu.memory_space<hbm>> -> memref<1x80x128xf32, #tpu.memory_space<hbm>>
    %dma_wait3A_126 = tpu.memref_squeeze %dma_wait3A_125 : memref<1x80x128xf32, #tpu.memory_space<hbm>> -> memref<80x128xf32, #tpu.memory_space<hbm>>
    %dma_wait3A_127 = arith.constant 0 : i32
    %dma_wait3A_128 = arith.constant 0 : i32
    %dma_wait3A_129 = tpu.memref_slice %arg8[%dma_wait3A_113, %dma_wait3A_127, %dma_wait3A_128] : memref<3x80x128xf32, #tpu.memory_space<vmem>> -> memref<1x80x128xf32, #tpu.memory_space<vmem>>
    %dma_wait3A_130 = tpu.memref_squeeze %dma_wait3A_129 : memref<1x80x128xf32, #tpu.memory_space<vmem>> -> memref<80x128xf32, #tpu.memory_space<vmem>>
    tpu.wait_dma2 semaphore(%dma_wait3A_123 : memref<!tpu.dma_semaphore, #tpu.memory_space<semaphore_mem>>) src(%dma_wait3A_130 : memref<80x128xf32, #tpu.memory_space<vmem>>) dst(%dma_wait3A_126 : memref<80x128xf32, #tpu.memory_space<hbm>>)
    return
  }
}

module attributes {stable_mosaic.version = 14 : i64} {
  func.func @_tc_layer_body(%arg0: i32, %arg1: memref<2x2000x128xf32, #tpu.memory_space<vmem>>, %arg2: memref<2000x32xf32, #tpu.memory_space<vmem>>, %arg3: memref<2000x128xf32, #tpu.memory_space<vmem>>, %arg4: memref<128x128xf32, #tpu.memory_space<vmem>>, %arg5: memref<128x128xf32, #tpu.memory_space<vmem>>, %arg6: memref<1x128xf32, #tpu.memory_space<vmem>>, %arg7: memref<2000x128xf32, #tpu.memory_space<vmem>>) attributes {dimension_semantics = [#tpu.dimension_semantics<arbitrary>], iteration_bounds = array<i64: 5>, scalar_prefetch = 0 : i64, scratch_operands = 0 : i64, tpu.core_type = #tpu.core_type<tc>, window_params = [{transform_indices = @transform_0, window_bounds = array<i64: 2, 2000, 128>}, {transform_indices = @transform_1, window_bounds = array<i64: 2000, 32>}, {transform_indices = @transform_2, window_bounds = array<i64: 2000, 128>}, {pipeline_mode = #tpu.pipeline_mode<synchronous>, transform_indices = @transform_3, window_bounds = array<i64: 128, 128>}, {pipeline_mode = #tpu.pipeline_mode<synchronous>, transform_indices = @transform_4, window_bounds = array<i64: 128, 128>}, {pipeline_mode = #tpu.pipeline_mode<synchronous>, transform_indices = @transform_5, window_bounds = array<i64: 1, 128>}, {transform_indices = @transform_6, window_bounds = array<i64: 2000, 128>}]} {
    %get3A = arith.constant 0 : index
    %get3A_0 = arith.constant 0 : index
    %get3A_1 = arith.constant 0 : index
    %get3A_2 = vector.load %arg1[%get3A, %get3A_0, %get3A_1] : memref<2x2000x128xf32, #tpu.memory_space<vmem>>, vector<1x2000x128xf32>
    %get3A_3 = vector.shape_cast %get3A_2 : vector<1x2000x128xf32> to vector<2000x128xf32>
    %get3A_4 = arith.constant 1 : index
    %get3A_5 = arith.constant 0 : index
    %get3A_6 = arith.constant 0 : index
    %get3A_7 = vector.load %arg1[%get3A_4, %get3A_5, %get3A_6] : memref<2x2000x128xf32, #tpu.memory_space<vmem>>, vector<1x2000x128xf32>
    %get3A_8 = vector.shape_cast %get3A_7 : vector<1x2000x128xf32> to vector<2000x128xf32>
    %add3A = arith.addf %get3A_3, %get3A_8 : vector<2000x128xf32>
    %get3A_9 = arith.constant 0 : index
    %get3A_10 = arith.constant 0 : index
    %get3A_11 = vector.load %arg2[%get3A_9, %get3A_10] : memref<2000x32xf32, #tpu.memory_space<vmem>>, vector<2000x32xf32>
    %reduce_sum3A = arith.constant dense<0.000000e+00> : vector<2000xf32>
    %reduce_sum3A_12 = vector.multi_reduction <add>, %get3A_11, %reduce_sum3A [1] : vector<2000x32xf32> to vector<2000xf32>
    %max3A = arith.constant 1.000000e+00 : f32
    %max3A_13 = vector.broadcast %max3A : f32 to vector<2000xf32>
    %max3A_14 = arith.maximumf %reduce_sum3A_12, %max3A_13 : vector<2000xf32>
    %div3A = arith.constant 1.000000e+00 : f32
    %div3A_15 = vector.broadcast %div3A : f32 to vector<2000xf32>
    %div3A_16 = arith.divf %div3A_15, %max3A_14 : vector<2000xf32>
    %broadcast_in_dim3A = vector.shape_cast %div3A_16 : vector<2000xf32> to vector<2000x1xf32>
    %mul3A = vector.broadcast %broadcast_in_dim3A : vector<2000x1xf32> to vector<2000x128xf32>
    %mul3A_17 = arith.mulf %add3A, %mul3A : vector<2000x128xf32>
    %get3A_18 = arith.constant 0 : index
    %get3A_19 = arith.constant 0 : index
    %get3A_20 = vector.load %arg4[%get3A_18, %get3A_19] : memref<128x128xf32, #tpu.memory_space<vmem>>, vector<128x128xf32>
    %dot_general3A = arith.constant dense<0.000000e+00> : vector<2000x128xf32>
    %dot_general3A_21 = tpu.matmul %mul3A_17, %get3A_20, %dot_general3A {dimension_numbers = #tpu.dot_dimension_numbers<[1], [0], [0], [1], [0, 0, 1, 1], [], []>, transpose_lhs_hint = false} : vector<2000x128xf32>, vector<128x128xf32>, vector<2000x128xf32> -> vector<2000x128xf32>
    %get3A_22 = arith.constant 0 : index
    %get3A_23 = arith.constant 0 : index
    %get3A_24 = vector.load %arg3[%get3A_22, %get3A_23] : memref<2000x128xf32, #tpu.memory_space<vmem>>, vector<2000x128xf32>
    %get3A_25 = arith.constant 0 : index
    %get3A_26 = arith.constant 0 : index
    %get3A_27 = vector.load %arg5[%get3A_25, %get3A_26] : memref<128x128xf32, #tpu.memory_space<vmem>>, vector<128x128xf32>
    %dot_general3A_28 = arith.constant dense<0.000000e+00> : vector<2000x128xf32>
    %dot_general3A_29 = tpu.matmul %get3A_24, %get3A_27, %dot_general3A_28 {dimension_numbers = #tpu.dot_dimension_numbers<[1], [0], [0], [1], [0, 0, 1, 1], [], []>, transpose_lhs_hint = false} : vector<2000x128xf32>, vector<128x128xf32>, vector<2000x128xf32> -> vector<2000x128xf32>
    %add3A_30 = arith.addf %dot_general3A_21, %dot_general3A_29 : vector<2000x128xf32>
    %get3A_31 = arith.constant 0 : index
    %get3A_32 = arith.constant 0 : index
    %get3A_33 = vector.load %arg6[%get3A_31, %get3A_32] : memref<1x128xf32, #tpu.memory_space<vmem>>, vector<1x128xf32>
    %add3A_34 = vector.broadcast %get3A_33 : vector<1x128xf32> to vector<2000x128xf32>
    %add3A_35 = arith.addf %add3A_30, %add3A_34 : vector<2000x128xf32>
    %max3A_36 = arith.constant 0.000000e+00 : f32
    %max3A_37 = vector.broadcast %max3A_36 : f32 to vector<2000x128xf32>
    %max3A_38 = arith.maximumf %add3A_35, %max3A_37 : vector<2000x128xf32>
    %swap3A = arith.constant 0 : index
    %swap3A_39 = arith.constant 0 : index
    %swap3A_40 = vector.load %arg7[%swap3A, %swap3A_39] : memref<2000x128xf32, #tpu.memory_space<vmem>>, vector<2000x128xf32>
    tpu.vector_store %arg7[%swap3A, %swap3A_39], %max3A_38 {strides = array<i32>} : memref<2000x128xf32, #tpu.memory_space<vmem>>, vector<2000x128xf32>,
    return
  }
  func.func @transform_0(%arg0: i32) -> (i32, i32, i32) {
    %c0_i32 = arith.constant 0 : i32
    %c0_i32_0 = arith.constant 0 : i32
    %c0_i32_1 = arith.constant 0 : i32
    return %c0_i32, %arg0, %c0_i32_0 : i32, i32, i32
  }
  func.func @transform_1(%arg0: i32) -> (i32, i32) {
    %c0_i32 = arith.constant 0 : i32
    %c0_i32_0 = arith.constant 0 : i32
    return %arg0, %c0_i32 : i32, i32
  }
  func.func @transform_2(%arg0: i32) -> (i32, i32) {
    %c0_i32 = arith.constant 0 : i32
    %c0_i32_0 = arith.constant 0 : i32
    return %arg0, %c0_i32 : i32, i32
  }
  func.func @transform_3(%arg0: i32) -> (i32, i32) {
    %c0_i32 = arith.constant 0 : i32
    %c0_i32_0 = arith.constant 0 : i32
    %c0_i32_1 = arith.constant 0 : i32
    return %c0_i32, %c0_i32_0 : i32, i32
  }
  func.func @transform_4(%arg0: i32) -> (i32, i32) {
    %c0_i32 = arith.constant 0 : i32
    %c0_i32_0 = arith.constant 0 : i32
    %c0_i32_1 = arith.constant 0 : i32
    return %c0_i32, %c0_i32_0 : i32, i32
  }
  func.func @transform_5(%arg0: i32) -> (i32, i32) {
    %c0_i32 = arith.constant 0 : i32
    %c0_i32_0 = arith.constant 0 : i32
    %c0_i32_1 = arith.constant 0 : i32
    return %c0_i32, %c0_i32_0 : i32, i32
  }
  func.func @transform_6(%arg0: i32) -> (i32, i32) {
    %c0_i32 = arith.constant 0 : i32
    %c0_i32_0 = arith.constant 0 : i32
    return %arg0, %c0_i32 : i32, i32
  }
}

module attributes {stable_mosaic.version = 14 : i64} {
  func.func @_tc_layer_body(%arg0: i32, %arg1: memref<2x2000x128xf32, #tpu.memory_space<vmem>>, %arg2: memref<2000x32xf32, #tpu.memory_space<vmem>>, %arg3: memref<2000x128xf32, #tpu.memory_space<vmem>>, %arg4: memref<128x128xf32, #tpu.memory_space<vmem>>, %arg5: memref<128x128xf32, #tpu.memory_space<vmem>>, %arg6: memref<1x128xf32, #tpu.memory_space<vmem>>, %arg7: memref<2000x128xf32, #tpu.memory_space<vmem>>) attributes {dimension_semantics = [#tpu.dimension_semantics<arbitrary>], iteration_bounds = array<i64: 5>, scalar_prefetch = 0 : i64, scratch_operands = 0 : i64, tpu.core_type = #tpu.core_type<tc>, window_params = [{transform_indices = @transform_0, window_bounds = array<i64: 2, 2000, 128>}, {transform_indices = @transform_1, window_bounds = array<i64: 2000, 32>}, {transform_indices = @transform_2, window_bounds = array<i64: 2000, 128>}, {pipeline_mode = #tpu.pipeline_mode<synchronous>, transform_indices = @transform_3, window_bounds = array<i64: 128, 128>}, {pipeline_mode = #tpu.pipeline_mode<synchronous>, transform_indices = @transform_4, window_bounds = array<i64: 128, 128>}, {pipeline_mode = #tpu.pipeline_mode<synchronous>, transform_indices = @transform_5, window_bounds = array<i64: 1, 128>}, {transform_indices = @transform_6, window_bounds = array<i64: 2000, 128>}]} {
    %get3A = arith.constant 0 : index
    %get3A_0 = arith.constant 0 : index
    %get3A_1 = arith.constant 0 : index
    %get3A_2 = vector.load %arg1[%get3A, %get3A_0, %get3A_1] : memref<2x2000x128xf32, #tpu.memory_space<vmem>>, vector<1x2000x128xf32>
    %get3A_3 = vector.shape_cast %get3A_2 : vector<1x2000x128xf32> to vector<2000x128xf32>
    %get3A_4 = arith.constant 1 : index
    %get3A_5 = arith.constant 0 : index
    %get3A_6 = arith.constant 0 : index
    %get3A_7 = vector.load %arg1[%get3A_4, %get3A_5, %get3A_6] : memref<2x2000x128xf32, #tpu.memory_space<vmem>>, vector<1x2000x128xf32>
    %get3A_8 = vector.shape_cast %get3A_7 : vector<1x2000x128xf32> to vector<2000x128xf32>
    %add3A = arith.addf %get3A_3, %get3A_8 : vector<2000x128xf32>
    %get3A_9 = arith.constant 0 : index
    %get3A_10 = arith.constant 0 : index
    %get3A_11 = vector.load %arg2[%get3A_9, %get3A_10] : memref<2000x32xf32, #tpu.memory_space<vmem>>, vector<2000x32xf32>
    %reduce_sum3A = arith.constant dense<0.000000e+00> : vector<2000xf32>
    %reduce_sum3A_12 = vector.multi_reduction <add>, %get3A_11, %reduce_sum3A [1] : vector<2000x32xf32> to vector<2000xf32>
    %max3A = arith.constant 1.000000e+00 : f32
    %max3A_13 = vector.broadcast %max3A : f32 to vector<2000xf32>
    %max3A_14 = arith.maximumf %reduce_sum3A_12, %max3A_13 : vector<2000xf32>
    %div3A = arith.constant 1.000000e+00 : f32
    %div3A_15 = vector.broadcast %div3A : f32 to vector<2000xf32>
    %div3A_16 = arith.divf %div3A_15, %max3A_14 : vector<2000xf32>
    %broadcast_in_dim3A = vector.shape_cast %div3A_16 : vector<2000xf32> to vector<2000x1xf32>
    %mul3A = vector.broadcast %broadcast_in_dim3A : vector<2000x1xf32> to vector<2000x128xf32>
    %mul3A_17 = arith.mulf %add3A, %mul3A : vector<2000x128xf32>
    %get3A_18 = arith.constant 0 : index
    %get3A_19 = arith.constant 0 : index
    %get3A_20 = vector.load %arg4[%get3A_18, %get3A_19] : memref<128x128xf32, #tpu.memory_space<vmem>>, vector<128x128xf32>
    %dot_general3A = arith.constant dense<0.000000e+00> : vector<2000x128xf32>
    %dot_general3A_21 = tpu.matmul %mul3A_17, %get3A_20, %dot_general3A {dimension_numbers = #tpu.dot_dimension_numbers<[1], [0], [0], [1], [0, 0, 1, 1], [], []>, transpose_lhs_hint = false} : vector<2000x128xf32>, vector<128x128xf32>, vector<2000x128xf32> -> vector<2000x128xf32>
    %get3A_22 = arith.constant 0 : index
    %get3A_23 = arith.constant 0 : index
    %get3A_24 = vector.load %arg3[%get3A_22, %get3A_23] : memref<2000x128xf32, #tpu.memory_space<vmem>>, vector<2000x128xf32>
    %get3A_25 = arith.constant 0 : index
    %get3A_26 = arith.constant 0 : index
    %get3A_27 = vector.load %arg5[%get3A_25, %get3A_26] : memref<128x128xf32, #tpu.memory_space<vmem>>, vector<128x128xf32>
    %dot_general3A_28 = arith.constant dense<0.000000e+00> : vector<2000x128xf32>
    %dot_general3A_29 = tpu.matmul %get3A_24, %get3A_27, %dot_general3A_28 {dimension_numbers = #tpu.dot_dimension_numbers<[1], [0], [0], [1], [0, 0, 1, 1], [], []>, transpose_lhs_hint = false} : vector<2000x128xf32>, vector<128x128xf32>, vector<2000x128xf32> -> vector<2000x128xf32>
    %add3A_30 = arith.addf %dot_general3A_21, %dot_general3A_29 : vector<2000x128xf32>
    %get3A_31 = arith.constant 0 : index
    %get3A_32 = arith.constant 0 : index
    %get3A_33 = vector.load %arg6[%get3A_31, %get3A_32] : memref<1x128xf32, #tpu.memory_space<vmem>>, vector<1x128xf32>
    %add3A_34 = vector.broadcast %get3A_33 : vector<1x128xf32> to vector<2000x128xf32>
    %add3A_35 = arith.addf %add3A_30, %add3A_34 : vector<2000x128xf32>
    %swap3A = arith.constant 0 : index
    %swap3A_36 = arith.constant 0 : index
    %swap3A_37 = vector.load %arg7[%swap3A, %swap3A_36] : memref<2000x128xf32, #tpu.memory_space<vmem>>, vector<2000x128xf32>
    tpu.vector_store %arg7[%swap3A, %swap3A_36], %add3A_35 {strides = array<i32>} : memref<2000x128xf32, #tpu.memory_space<vmem>>, vector<2000x128xf32>,
    return
  }
  func.func @transform_0(%arg0: i32) -> (i32, i32, i32) {
    %c0_i32 = arith.constant 0 : i32
    %c0_i32_0 = arith.constant 0 : i32
    %c0_i32_1 = arith.constant 0 : i32
    return %c0_i32, %arg0, %c0_i32_0 : i32, i32, i32
  }
  func.func @transform_1(%arg0: i32) -> (i32, i32) {
    %c0_i32 = arith.constant 0 : i32
    %c0_i32_0 = arith.constant 0 : i32
    return %arg0, %c0_i32 : i32, i32
  }
  func.func @transform_2(%arg0: i32) -> (i32, i32) {
    %c0_i32 = arith.constant 0 : i32
    %c0_i32_0 = arith.constant 0 : i32
    return %arg0, %c0_i32 : i32, i32
  }
  func.func @transform_3(%arg0: i32) -> (i32, i32) {
    %c0_i32 = arith.constant 0 : i32
    %c0_i32_0 = arith.constant 0 : i32
    %c0_i32_1 = arith.constant 0 : i32
    return %c0_i32, %c0_i32_0 : i32, i32
  }
  func.func @transform_4(%arg0: i32) -> (i32, i32) {
    %c0_i32 = arith.constant 0 : i32
    %c0_i32_0 = arith.constant 0 : i32
    %c0_i32_1 = arith.constant 0 : i32
    return %c0_i32, %c0_i32_0 : i32, i32
  }
  func.func @transform_5(%arg0: i32) -> (i32, i32) {
    %c0_i32 = arith.constant 0 : i32
    %c0_i32_0 = arith.constant 0 : i32
    %c0_i32_1 = arith.constant 0 : i32
    return %c0_i32, %c0_i32_0 : i32, i32
  }
  func.func @transform_6(%arg0: i32) -> (i32, i32) {
    %c0_i32 = arith.constant 0 : i32
    %c0_i32_0 = arith.constant 0 : i32
    return %arg0, %c0_i32 : i32, i32
  }
}

</mosaic_0001>

<sc_bundles>
// kernel: kernel.6.cloned.1.call-start
scs
__scs_entry_jumppad:
0x0: {  	(pc) =	sbr.rel $0x88, $3  }
0x1: {  	(tag) =	ssettag $0x0;
	lr =	simm.s32 $0x1  }
0x2: {  	[smem:$0x3F99] =	sst lr;
	_ =	strace $0xD0000000  }
0x3: {  	_ = 	snop  }
0x4: {  	_ = 	snop  }
0x5: {  	_ = 	snop  }
0x6: {  	_ = 	snop  }
0x7: {  	_ = 	snop  }
__scs_overlays_trampoline_lowered:
0x8: {  	[smem:$0x3FA8] =	sst s0  }
0x9: {  	[smem:$0x3FA9] =	sst s1  }
0xa: {  	[smem:$0x3FAA] =	sst s2  }
0xb: {  	[smem:$0x3FAB] =	sst s3  }
0xc: {  	[smem:$0x3FAC] =	sst s4  }
0xd: {  	[smem:$0x3FAD] =	sst s5  }
0xe: {  	[smem:$0x3FAE] =	sst s6  }
0xf: {  	[smem:$0x3FAF] =	sst s7  }
0x10: {  	[smem:$0x3FB0] =	sst s8  }
0x11: {  	[smem:$0x3FB1] =	sst s9;
	s0 =	simm.s32 @!p0 $0x0  }
0x12: {  	s1 =	sld [smem:$0x3F97];
	s0 =	simm.s32 @p0 $0x1  }
0x13: {  	[smem:$0x3FB2] =	sst s0;
	s0 =	simm.s32 @!p1 $0x0  }
0x14: {  	s2 =	sld [smem:$0x3F96];
	s0 =	simm.s32 @p1 $0x1  }
0x15: {  	[smem:$0x3FB3] =	sst s0;
	s0 =	simm.s32 @!p2 $0x0  }
0x16: {  	s3 =	sld [smem:$0x3FDB];
	s0 =	simm.s32 @p2 $0x1  }
0x17: {  	s4 =	simm.s32 $0x1BF5;
	[smem:$0x3FB5] =	sst s0  }
0x18: {  	s0 =	sld [smem:$0x3F98];
	_ =	swait.ge [sflag:s4], $0x0  }
0x19: {  	s7 =	sld [smem:$0x3F99]  }
0x1a: {  	s8 =	sadd.s32 $0xFFFFE003, lr  }
0x1b: {  	s9 =	sadd.s32 $0xFFFFFEF7, lr;
	s5 =	simm.s32 $0xFFFFFFFF;
	p2 =	slt.u32 s8, $0xFFFFF086  }
0x1c: {  	p1 =	slt.u32 s9, $0xF7A;
	s5 =	simm.s32 @!p2 $0x0  }
0x1d: {  	s5 =	simm.s32 @p1 $0x1;
	p0 =	seq.s32 s7, s2  }
0x1e: {  	s7 =	smul.u32 @!p0 $0xF7A, s2;
	p2 =	seq.s32 @!p0 s5, $0x0  }
0x1f: {  	s9 =	smul.u32 $0xF7A, s1;
	s8 =	simm.s32 @!p0 $0x1BF5;
	p2 =	por !p2, p0  }
0x20: {  	[sflag:s8] =	ssyncset.s32 @!p0 $0xFFFFF086;
	s6 =	sadd.s32 @!p0 s3, s7;
	s7 =	simm.s32 @!p0 $0x108  }
0x21: {  	s3 =	sadd.s32 s3, s9;
	s6 =	sadd.s32 @!p0 $0x88, s6;
	s7 =	simm.s32 @p2 $0x1082  }
0x22: {  	[simem:s7], [sflag:s8] =	dma.local @!p0 [hbm:s6], $0xF7A  }
0x23: {  	s9 =	sor.u32 $0xD0000000, s2;
	s6 =	simm.s32 $0x108;
	_ =	swait.ge @!p0 [sflag:s8], $0x0  }
0x24: {  	s3 =	sadd.s32 $0x88, s3;
	s6 =	simm.s32 @!p1 $0x1082;
	[sflag:s4] =	ssyncset.s32 $0xFFFFF086  }
0x25: {  	[simem:s6], [sflag:s4] =	dma.local [hbm:s3], $0xF7A  }
0x26: {  	[smem:$0x3F99] =	sst s1;
	(tag) =	ssettag s2;
	_ =	strace s9  }
0x27: {  	s1 =	sld [smem:$0x3FA9]  }
0x28: {  	s2 =	sld [smem:$0x3FAA]  }
0x29: {  	s4 =	sld [smem:$0x3FAC]  }
0x2a: {  	p0 =	seq.s32 s5, $0x0;
	s5 =	sld [smem:$0x3FAD]  }
0x2b: {  	s6 =	sld [smem:$0x3FAE]  }
0x2c: {  	s7 =	sld [smem:$0x3FAF]  }
0x2d: {  	s3 =	simm.s32 $0x108;
	s8 =	sld [smem:$0x3FB0]  }
0x2e: {  	s3 =	simm.s32 @!p0 $0x1082;
	s9 =	sld [smem:$0x3FB1]  }
0x2f: {  	lr =	sadd.s32 s0, s3;
	s0 =	sld [smem:$0x3FA8]  }
0x30: {  	s3 =	sld [smem:$0x3FAB]  }
0x31: {  	[smem:$0x3FB4] =	sst s10  }
0x32: {  	s10 =	sld [smem:$0x3FB2];
	_ =	sdelay $0x3  }
0x33: {  	p0 =	seq.s32 s10, $0x1;
	s10 =	sld [smem:$0x3FB4];
	_ =	sdelay $0x3  }
0x34: {  	[smem:$0x3FB4] =	sst s10  }
0x35: {  	s10 =	sld [smem:$0x3FB3];
	_ =	sdelay $0x3  }
0x36: {  	p1 =	seq.s32 s10, $0x1;
	s10 =	sld [smem:$0x3FB4];
	_ =	sdelay $0x3  }
0x37: {  	[smem:$0x3FB4] =	sst s10  }
0x38: {  	s10 =	sld [smem:$0x3FB5]  }
0x39: {  	_ = 	snop;
	(pc) =	sbr.ind lr, $3  }
0x3a: {  	_ = 	snop  }
0x3b: {  	_ = 	snop  }
0x3c: {  	p2 =	seq.s32 s10, $0x1;
	s10 =	sld [smem:$0x3FB4]  }
0x3d: {  	_ =	shalt  }
0x3e: {  	_ =	shalt  }
0x3f: {  	_ =	shalt  }
0x40: {  	_ =	shalt  }
0x41: {  	_ =	shalt  }
0x42: {  	_ =	shalt  }
0x43: {  	_ =	shalt  }
0x44: {  	_ =	shalt  }
0x45: {  	_ =	shalt  }
0x46: {  	_ =	shalt  }
0x47: {  	_ =	shalt  }
0x48: {  	_ =	shalt  }
0x49: {  	_ =	shalt  }
0x4a: {  	_ =	shalt  }
0x4b: {  	_ =	shalt  }
0x4c: {  	_ =	shalt  }
0x4d: {  	_ =	shalt  }
0x4e: {  	_ =	shalt  }
0x4f: {  	_ =	shalt  }
0x50: {  	_ =	shalt  }
0x51: {  	_ =	shalt  }
0x52: {  	_ =	shalt  }
0x53: {  	_ =	shalt  }
0x54: {  	_ =	shalt  }
0x55: {  	_ =	shalt  }
0x56: {  	_ =	shalt  }
0x57: {  	_ =	shalt  }
0x58: {  	_ =	shalt  }
0x59: {  	_ =	shalt  }
0x5a: {  	_ =	shalt  }
0x5b: {  	_ =	shalt  }
0x5c: {  	_ =	shalt  }
0x5d: {  	_ =	shalt  }
0x5e: {  	_ =	shalt  }
0x5f: {  	_ =	shalt  }
0x60: {  	_ =	shalt  }
0x61: {  	_ =	shalt  }
0x62: {  	_ =	shalt  }
0x63: {  	_ =	shalt  }
0x64: {  	_ =	shalt  }
0x65: {  	_ =	shalt  }
0x66: {  	_ =	shalt  }
0x67: {  	_ =	shalt  }
0x68: {  	_ =	shalt  }
0x69: {  	_ =	shalt  }
0x6a: {  	_ =	shalt  }
0x6b: {  	_ =	shalt  }
0x6c: {  	_ =	shalt  }
0x6d: {  	_ =	shalt  }
0x6e: {  	_ =	shalt  }
0x6f: {  	_ =	shalt  }
0x70: {  	_ =	shalt  }
0x71: {  	_ =	shalt  }
0x72: {  	_ =	shalt  }
0x73: {  	_ =	shalt  }
0x74: {  	_ =	shalt  }
0x75: {  	_ =	shalt  }
0x76: {  	_ =	shalt  }
0x77: {  	_ =	shalt  }
0x78: {  	_ =	shalt  }
0x79: {  	_ =	shalt  }
0x7a: {  	_ =	shalt  }
0x7b: {  	_ =	shalt  }
0x7c: {  	_ =	shalt  }
0x7d: {  	_ =	shalt  }
0x7e: {  	_ =	shalt  }
0x7f: {  	_ =	shalt  }
0x80: {  	_ =	shalt  }
0x81: {  	_ =	shalt  }
0x82: {  	_ =	shalt  }
0x83: {  	_ =	shalt  }
0x84: {  	_ =	shalt  }
0x85: {  	_ =	shalt  }
0x86: {  	_ =	shalt  }
0x87: {  	_ =	shalt  }
.Lfunc_end0:
.L_simem_size_0:
called_computation_lowered:
.L_overlay_start_0:
0x88: {  	s2 =	sld [smem:$0x3FD9]  }
0x89: {  	s3 =	sld [smem:$0x3FFE];
	_ =	sdelay $0x1  }
0x8a: {  	s1 =	srdreg.scid  }
0x8b: {  	s0 =	sand.u32 $0x1, s1  }
0x8c: {  	s17 =	sshll.u32 s0, $0xA;
	s2 =	sadd.s32 s3, s2  }
0x8d: {  	s2 =	sadd.s32 s2, s17  }
0x8e: {  	[smem:$0x3FC0] =	sst s2  }
0x8f: {  	_ = 	snop  }
0x90: {  	s2 =	sld [smem:$0x3FC9]  }
0x91: {  	s18 =	sld [smem:$0x3FD0];
	(tm) =	ssettm $0x1  }
0x92: {  	s4 =	sld [smem:$0x3FFB];
	_ =	sdelay $0x3  }
0x93: {  	_ =	strace s4  }
0x94: {  	s4 =	sld [smem:$0x3FFC];
	_ =	sdelay $0x3  }
0x95: {  	_ =	strace s4  }
0x96: {  	s4 =	sld [smem:$0x3FFD];
	_ =	sdelay $0x3  }
0x97: {  	_ =	strace s4  }
0x98: {  	_ =	strace $0x8FFFFFFF  }
0x99: {  	s19 =	sld [smem:$0x3FDB];
	_ =	sdelay $0x1  }
0x9a: {  	s5 =	simm.s32 $_scs_section_size  }
0x9b: {  	s6 =	simm.s32 $_size__tile_overlayer_lowered;
	s7 =	simm.s32 $_tile_overlayer_lowered  }
0x9c: {  	s22 =	simm.s32 $0x1BFF;
	s21 =	sshll.u32 s7, $0x1;
	s4 =	sadd.s32 s5, s19  }
0x9d: {  	s8 =	simm.s32 $0x0;
	s20 =	sshll.u32 s6, $0x1;
	s6 =	sadd.s32 s21, s4  }
0x9e: {  	[timem:s8], [sflag:s22] =	dma.local [hbm:s6], s20  }
0x9f: {  	_ =	swait.ge [sflag:s22], s20  }
0xa0: {  	s5 =	ssub.s32 $0x0, s20;
	[sflag:s22] =	ssyncset.done $0x0  }
0xa1: {  	[sflag:s22] =	ssyncadd.s32 s5;
	_ =	sdelay $0x1  }
0xa2: {  	s23 =	simm.s32 $0x1B8B  }
0xa3: {  	_ =	swait.ge [sflag:s23], $0x1  }
0xa4: {  	[sflag:s23] =	ssyncset.done $0x0  }
0xa5: {  	s25 =	simm.s32 $0x1B8E;
	s24 =	sld [smem:$0x3FFE];
	[sflag:s23] =	ssyncadd.s32 $0xFFFFFFFF  }
0xa6: {  	s26 =	simm.s32 $execute0_lowered;
	[smem:$0x3FD2] =	sst s25  }
0xa7: {  	s6 =	sshll.u32 s26, $0x1;
	_ =	strace $0x80000046;
	[dreg:$0x1] =	wrdreg $0xFFFFFFFF  }
0xa8: {  	s28 =	simm.s32 $_size_execute0_lowered;
	s4 =	sadd.s32 s4, s6;
	[dreg:$0x0] =	wrdreg $0x0  }
0xa9: {  	s6 =	sshll.u32 s28, $0x1;
	[dreg:$0x2] =	wrdreg s4  }
0xaa: {  	[dreg:$0x3] =	wrdreg s6  }
0xab: {  	[dreg:$0x4] =	wrdreg $0xC0  }
0xac: {  	_ =	task [dreg:s8], $0x5FFFF  }
0xad: {  	[dreg:$0x1] =	wrdreg $0xFFFFFFFF  }
0xae: {  	[dreg:$0x0] =	wrdreg $0x60  }
0xaf: {  	[dreg:$0x2] =	wrdreg s2  }
0xb0: {  	[dreg:$0x3] =	wrdreg s24  }
0xb1: {  	[dreg:$0x4] =	wrdreg s18  }
0xb2: {  	[dreg:$0x5] =	wrdreg $0x90000  }
0xb3: {  	[dreg:$0x6] =	wrdreg $0x9  }
0xb4: {  	_ =	task.clear_ibuf [dreg:s8], $0x7FFFF;
	_ =	strace $0x90000046  }
0xb5: {  	s29 =	simm.s32 $0x9;
	_ =	strace $0x80000048  }
0xb6: {  	_ =	swait.ge [sflag:s29], $0x1  }
0xb7: {  	[sflag:s29] =	ssyncadd.s32 $0xFFFFFFFF  }
0xb8: {  	_ =	strace $0x90000048  }
0xb9: {  	_ =	sfence  }
0xba: {  	s30 =	sld [smem:$0x0];
	_ =	sdelay $0x2  }
0xbb: {  	s31 =	sshll.u32 s1, $0xD;
	s1 =	sshrl.u32 s1, $0x2  }
0xbc: {  	s3 =	sand.u32 $0x4000, s31;
	s1 =	sadd.s32 s1, s30  }
0xbd: {  	s0 =	sor.u32 s3, s0;
	s1 =	sshll.u32 s1, $0x11  }
0xbe: {  	s0 =	sor.u32 s1, s0  }
0xbf: {  	s0 =	sadd.s32 $0x8F2B, s0  }
0xc0: {  	[sflag:s0] =	ssyncadd.remote.s32 $0x1  }
0xc1: {  	_ =	sfence.sel $0xFFFF  }
0xc2: {  	[dreg:$0x0] =	wrdreg $0xFFFFFFFF;
	(pc) =	sbr.abs _section_cstart, $3  }
0xc3: {  	[dreg:$0x1] =	wrdreg $0xFFFFFFFF  }
0xc4: {  	_ =	task.clear_ibuf [dreg:s8], $0x2FFFF;
	_ =	strace $0x9FFFFFFF  }
0xc5: {  	(tm) =	ssettm $0x7FFFFFFF  }
tec
execute0_lowered:
.L_overlay_start_1:
0x0: {  	(tag) =	ssettag $0x1  }
0x1: {  	s0 =	rddreg [dreg:$0x0]  }
0x2: {  	s1 =	rddreg [dreg:$0x1]  }
0x3: {  	s2 =	srdreg.scid;
	s6 =	rddreg [dreg:$0x2]  }
0x4: {  	s3 =	rddreg [dreg:$0x3];
	s15 =	stileid.u32;
	s4 =	simm.s32 $0x0  }
0x5: {  	s28 =	simm.s32 $0x50;
	s30 =	simm.s32 $0x1C880;
	s2 =	sand.u32 $0x1, s2  }
0x6: {  	[smem:$0x7FF] =	sst s4;
	s9 =	sshll.u32 s15, $0x7;
	s10 =	sadd.s32 $0x2A800, s1  }
0x7: {  	s17 =	sadd.s32 $0x2AE00, s1;
	p0 =	seq.s32 s15, $0xF;
	s16 =	smul.u32 $0x50000, s15  }
0x8: {  	s20 =	smul.u32 $0x14000, s15;
	_ =	strace $0x80000047;
	[dreg:$0x5] =	wrdreg s10  }
0x9: {  	s5 =	sshll.u32 s2, $0x4;
	s9 =	sand.u32 $0x380, s9;
	[dreg:$0x6] =	wrdreg s17  }
0xa: {  	s18 =	ssub.s32 $0x2, s2;
	s10 =	simm.s32 $0x5;
	s2 =	smul.u32 $0x138800, s2  }
0xb: {  	s7 =	sor.u32 s15, s5;
	s11 =	sshrl.u32 s18, $0x1;
	s23 =	sshrl.u32 s16, $0x2  }
0xc: {  	s5 =	sshrl.u32 s7, $0x3;
	s13 =	ssub.s32 s18, s11;
	s11 =	simm.s32 $0x5  }
0xd: {  	s24 =	sadd.s32 s2, s20;
	s18 =	sadd.s32 s23, s3;
	s8 =	smul.u32 $0x13C00, s5  }
0xe: {  	s5 =	sadd.s32 $0x2800, s1;
	s11 =	simm.s32 @!p0 $0x8;
	s22 =	smax.u32 s13, $0x1  }
0xf: {  	s25 =	sshrl.u32 s24, $0x3;
	s31 =	sadd.s32 $0x5000, s24;
	s23 =	sadd.s32 $0x5000, s18  }
0x10: {  	s24 =	simm.s32 $0x6800;
	[dreg:$0xa] =	wrdreg s22;
	s9 =	sor.u32 s9, s8  }
0x11: {  	[dreg:$0xe] =	wrdreg s31;
	s22 =	simm.s32 $0x4000;
	s9 =	sshrl.u32 s9, $0x3  }
0x12: {  	s12 =	sadd.s32 s9, s1;
	s9 =	smul.u32 $0x5000, s7;
	s7 =	sshll.u32 s7, $0xB  }
0x13: {  	s8 =	sadd.s32 $0x35200, s1;
	s19 =	sadd.s32 s7, s6;
	s21 =	sadd.s32 $0x2B400, s12  }
0x14: {  	s6 =	sor.u32 $0x2800, s20;
	s7 =	simm.s32 $0x0;
	s14 =	sshrl.u32 s9, $0x3  }
0x15: {  	s15 =	sadd.s32 $0x10000, s19;
	[dreg:$0x9] =	wrdreg s21;
	s2 =	sadd.s32 s2, s6  }
0x16: {  	s26 =	sadd.s32 s6, s3;
	[dreg:$0x7] =	wrdreg s14;
	s14 =	sadd.s32 s5, s14  }
0x17: {  	[dreg:$0xc] =	wrdreg s26;
	s29 =	sshrl.u32 s2, $0x3;
	s2 =	simm.s32 $0x400  }
0x18: {  	[dreg:$0x8] =	wrdreg s14;
	s14 =	sadd.s32 $0x16800, s1;
	s1 =	sadd.s32 s8, s25  }
0x19: {  	s26 =	simm.s32 $0x1F000;
	[dreg:$0xb] =	wrdreg s1;
	s1 =	sadd.s32 s8, s29  }
0x1a: {  	v0 =	vimm.f32 $1.000000000e+00;
	s25 =	simm.s32 $0x7;
	[dreg:$0xd] =	wrdreg s1;
	s1 =	simm.s32 $0x80  }
.LBB2_1:
0x1b: {  	s6 =	rddreg [dreg:$0x5];
	p0 =	sne.s32 s11, $0x1  }
0x1c: {  	[tilespmem:s24], [sflag:$0x7] =	stream.linear.gather [hbm4b:s6+s4], $0x2800, $0x38;
	[tilespmem:$0x1F800] =	vst v63  }
.Ltmp0:
0x1d: {  	_ = 	snop;
	(pc) =	sbr.rel @!p0 .LBB2_3-.Ltmp0, $4  }
0x1e: {  	_ =	swait.ge [sflag:s25], $0x2800  }
0x1f: {  	[sflag:s25] =	ssyncset.done $0x0  }
0x20: {  	s12 =	sadd.s32 $0xFFFFFFFF, s11;
	s13 =	smov.u32 s18;
	[sflag:s25] =	ssyncadd.s32 $0xFFFFD800  }
0x21: {  	[spmem:s18] =	stream.linear.scatter [tilespmem:s24], [sflag:$0x5], $0x2800, $0x38;
	[tilespmem:$0x1F800] =	vst v63  }
.LBB2_2:
0x22: {  	p1 =	sne.s32 s12, $0x1  }
.Ltmp1:
0x23: {  	_ = 	snop;
	(pc) =	sbr.rel @p1 .LBB2_2-.Ltmp1, $3  }
0x24: {  	_ = 	snop  }
0x25: {  	s12 =	sadd.s32 $0xFFFFFFFF, s12;
	s13 =	sadd.s32 $0x2800, s13;
	_ =	sdelay $0x1  }
0x26: {  	[spmem:s13] =	stream.linear.scatter [tilespmem:s24], [sflag:$0x5], $0x2800, $0x38;
	[tilespmem:$0x1F800] =	vst v63  }
.LBB2_3:
0x27: {  	s6 =	rddreg [dreg:$0x8]  }
0x28: {  	[tilespmem:s4], [sflag:$0x7] =	stream.linear.gather [hbm4b:s6+s4], $0xC80, $0x38;
	[tilespmem:$0x1F800] =	vst v63  }
0x29: {  	_ =	swait.ge [sflag:s25], $0xC80  }
0x2a: {  	[sflag:s25] =	ssyncset.done $0x0;
	s21 =	rddreg [dreg:$0x7]  }
0x2b: {  	s29 =	simm.s32 $0x2000;
	[sflag:s25] =	ssyncadd.s32 $0xFFFFF380;
	s12 =	sadd.s32 s21, s14  }
0x2c: {  	[tilespmem:s29], [sflag:$0x7] =	stream.linear.gather [hbm4b:s12+s4], $0xC80, $0x38;
	[tilespmem:$0x1F800] =	vst v63  }
0x2d: {  	_ =	swait.ge [sflag:s25], $0xC80  }
0x2e: {  	[sflag:s25] =	ssyncset.done $0x0  }
0x2f: {  	[sflag:s25] =	ssyncadd.s32 $0xFFFFF380  }
0x30: {  	[tilespmem:s22], [sflag:$0x1] =	stream.indirect.gather [hbm4b:s0+s28], $0x80, s4, s28, $0xb8;
	[tilespmem:$0x1F800] =	vst v63  }
0x31: {  	s31 =	rddreg [dreg:$0x6]  }
0x32: {  	[tilespmem:s30], [sflag:$0x7] =	stream.linear.gather [hbm4b:s31+s4], $0x2780, $0x38;
	[tilespmem:$0x1F800] =	vst v63  }
.Ltmp2:
0x33: {  	_ =	swait.ge [sflag:s25], $0x2780;
	(pc) =	sbr.rel @!p0 .LBB2_5-.Ltmp2, $4  }
0x34: {  	[sflag:s25] =	ssyncset.done $0x0  }
0x35: {  	[sflag:s25] =	ssyncadd.s32 $0xFFFFD880  }
0x36: {  	_ =	swait.ge [sflag:s10], $0x2800  }
0x37: {  	s12 =	sadd.s32 $0xFFFFFFFF, s11;
	[sflag:s10] =	ssyncset.done $0x0  }
.LBB2_4:
0x38: {  	p0 =	sne.s32 s12, $0x1;
	s12 =	sadd.s32 $0xFFFFFFFF, s12;
	[sflag:s10] =	ssyncadd.s32 $0xFFFFD800  }
.Ltmp3:
0x39: {  	(pc) =	sbr.rel @p0 .LBB2_4-.Ltmp3, $3  }
0x3a: {  	_ =	sdelay $0x1  }
0x3b: {  	_ =	swait.ge [sflag:s10], $0x2800  }
0x3c: {  	[sflag:s10] =	ssyncset.done $0x0  }
.LBB2_5:
.Ltmp4:
0x3d: {  	(pc) =	sbr.rel .LBB2_7-.Ltmp4, $4  }
0x3e: {  	_ = 	snop  }
0x3f: {  	[sflag:s10] =	ssyncadd.s32 $0xFFFFD800  }
0x40: {  	[bflag:$0x0] =	sbarrier.arrive $0xFFFF  }
0x41: {  	s13 =	simm.s32 $0x0  }
.LBB2_6:
0x42: {  	p0 =	sgt.u32 s16, $0x4  }
.Ltmp5:
0x43: {  	_ = 	snop;
	(pc) =	sbr.rel @p0 .LBB2_13-.Ltmp5, $2  }
0x44: {  	_ =	sdelay $0x2  }
0x45: {  	s13 =	smov.u32 s16  }
.LBB2_7:
0x46: {  	s12 =	sand.u32 $0x1, s13;
	p0 =	seq.s32 s13, $0x0  }
0x47: {  	s16 =	sxor.u32 @!p0 $0x1, s12  }
0x48: {  	s16 =	sadd.s32 @!p0 $0x5, s16  }
0x49: {  	_ =	swait.ge @!p0 [sflag:s16], $0x2800  }
0x4a: {  	[sflag:s16] =	ssyncset.done @!p0 $0x0  }
0x4b: {  	p1 =	seq.s32 @!p0 s13, $0x4;
	[sflag:s16] =	ssyncadd.s32 @!p0 $0xFFFFD800;
	s16 =	simm.s32 @!p0 $0x3  }
0x4c: {  	p1 =	por p0, !p1;
	_ =	swait.ge @!p0 [sflag:s16], $0xC80  }
.Ltmp6:
0x4d: {  	[sflag:s16] =	ssyncset.done @!p0 $0x0;
	(pc) =	sbr.rel @!p1 .LBB2_9-.Ltmp6, $4  }
0x4e: {  	[sflag:s16] =	ssyncadd.s32 @!p0 $0xFFFFF380;
	s16 =	simm.s32 @!p0 $0x4  }
0x4f: {  	_ =	swait.ge @!p0 [sflag:s16], $0xC80  }
0x50: {  	[sflag:s16] =	ssyncset.done @!p0 $0x0  }
0x51: {  	[sflag:s16] =	ssyncadd.s32 @!p0 $0xFFFFF380;
	s16 =	simm.s32 @!p0 $0x5  }
0x52: {  	s16 =	sadd.s32 @!p0 $0x1, s13  }
0x53: {  	s16 =	simm.s32 @p0 $0x1  }
0x54: {  	s17 =	sshll.u32 s16, $0xC  }
0x55: {  	s17 =	sadd.s32 s9, s17  }
0x56: {  	s19 =	sshll.u32 s12, $0xC;
	s17 =	sshrl.u32 s17, $0x3  }
0x57: {  	s20 =	sxor.u32 $0x1000, s19;
	s21 =	sadd.s32 s5, s17  }
0x58: {  	[tilespmem:s20], [sflag:$0x3] =	stream.linear.gather [hbm4b:s21+s4], $0xC80, $0x38;
	[tilespmem:$0x1F800] =	vst v63  }
0x59: {  	s19 =	sxor.u32 $0x3000, s19;
	s17 =	sadd.s32 s14, s17  }
0x5a: {  	[tilespmem:s19], [sflag:$0x4] =	stream.linear.gather [hbm4b:s17+s4], $0xC80, $0x38;
	[tilespmem:$0x1F800] =	vst v63  }
.LBB2_9:
0x5b: {  	s17 =	sshll.u32 s13, $0x4  }
0x5c: {  	s17 =	sadd.s32 s17, s15  }
0x5d: {  	[tilespmem:s26], [sflag:$0x7] =	stream.strided.gather [hbm4b:s17+s1], $0x800, s2, s1, $0x38;
	[tilespmem:$0x1F800] =	vst v63  }
0x5e: {  	s19 =	sshll.u32 @!p0 s12, $0xE;
	s21 =	simm.s32 @!p0 $0x50;
	s17 =	smul.u32 @!p0 $0xA000, s12  }
0x5f: {  	s20 =	sshrl.u32 @!p0 s19, $0x2;
	s19 =	simm.s32 @p0 $0x0;
	_ =	swait.ge [sflag:s25], $0x800  }
.Ltmp7:
0x60: {  	[sflag:s25] =	ssyncset.done $0x0;
	s17 =	sshrl.u32 @!p0 s17, $0x2;
	(pc) =	sbr.rel .LBB2_10-.Ltmp7, $4  }
0x61: {  	s12 =	sadd.s32 @!p0 $0x1, s12;
	[sflag:s25] =	ssyncadd.s32 $0xFFFFF800;
	s17 =	sor.u32 @!p0 $0x4000, s17  }
0x62: {  	[tilespmem:s17], [sflag:s12] =	stream.indirect.gather @!p0 [hbm4b:s0+s21], $0x80, s20, s21, $0xb8;
	[tilespmem:$0x1F800] =	vst v63  }
0x63: {  	s17 =	sshrl.u32 s19, $0x2  }
0x64: {  	s20 =	simm.s32 $0x0;
	s12 =	sor.u32 $0x2000, s17  }
.LBB2_12:
0x65: {  	s6 =	smul.u32 $0x140, s20;
	_ =	sdelay $0x1  }
0x66: {  	s6 =	sshra.s32 s6, $0x2  }
0x67: {  	v1 =	vld [tilespmem:s6+$0x1F000];
	_ =	sdelay $0x7  }
0x68: {  	[tilespmem:v1+s30+$0x0] =	vst.idx.add.f32.msk $0xffff, v0  }
0x69: {  	v1 =	vld [tilespmem:s6+$0x1F010];
	_ =	sdelay $0x7  }
0x6a: {  	[tilespmem:v1+s30+$0x0] =	vst.idx.add.f32.msk $0xffff, v0  }
0x6b: {  	v1 =	vld [tilespmem:s6+$0x1F020];
	_ =	sdelay $0x7  }
0x6c: {  	[tilespmem:v1+s30+$0x0] =	vst.idx.add.f32.msk $0xffff, v0  }
0x6d: {  	v1 =	vld [tilespmem:s6+$0x1F030];
	_ =	sdelay $0x7  }
0x6e: {  	[tilespmem:v1+s30+$0x0] =	vst.idx.add.f32.msk $0xffff, v0  }
0x6f: {  	v1 =	vld [tilespmem:s6+$0x1F040];
	_ =	sdelay $0x6  }
0x70: {  	s31 =	sadd.s32 $0x1, s19  }
0x71: {  	s29 =	smul.u32 $0xA000, s19;
	s22 =	sshll.u32 s20, $0x7;
	p0 =	slt.u32 s21, $0x19;
	[tilespmem:v1+s30+$0x0] =	vst.idx.add.f32.msk $0xffff, v0  }
.Ltmp8:
0x72: {  	s20 =	sand.u32 $0x3FFFFF80, s22;
	_ =	swait.ge [sflag:s31], $0x2800;
	(pc) =	sbr.rel @!p0 .LBB2_6-.Ltmp8, $4  }
0x73: {  	s29 =	sshrl.u32 s29, $0x2;
	s20 =	sadd.s32 s20, s12;
	[sflag:s31] =	ssyncset.done $0x0  }
0x74: {  	s6 =	sor.u32 $0x4000, s29;
	[sflag:s31] =	ssyncadd.s32 $0xFFFFD800;
	s31 =	sadd.s32 $0x5, s19  }
0x75: {  	[spmem:s3] =	stream.indirect.scatter.add.f32 [tilespmem:s6], [sflag:s31], $0x80, s20, s28, $0xb8;
	[tilespmem:$0x1F800] =	vst v63  }
0x76: {  	s20 =	smov.u32 s21  }
.LBB2_10:
0x77: {  	p0 =	seq.s32 s20, $0x0  }
0x78: {  	s19 =	sadd.s32 s13, s20;
	p1 =	seq.s32 @!p0 s20, $0x18  }
0x79: {  	s19 =	sand.u32 $0x1, s19;
	p1 =	por p0, !p1  }
.Ltmp9:
0x7a: {  	s29 =	sxor.u32 $0x1, s19;
	(pc) =	sbr.rel @!p1 .LBB2_12-.Ltmp9, $4  }
0x7b: {  	s21 =	sadd.s32 @!p0 $0x5, s29  }
0x7c: {  	_ =	swait.ge @!p0 [sflag:s21], $0x2800  }
0x7d: {  	[sflag:s21] =	ssyncset.done @!p0 $0x0  }
0x7e: {  	[sflag:s21] =	ssyncadd.s32 @!p0 $0xFFFFD800;
	s21 =	simm.s32 @!p0 $0x19  }
0x7f: {  	s21 =	sadd.s32 @!p0 $0x1, s20;
	s31 =	smul.u32 $0xA000, s29  }
.Ltmp10:
0x80: {  	s21 =	simm.s32 @p0 $0x1;
	(pc) =	sbr.rel .LBB2_12-.Ltmp10, $4  }
0x81: {  	s6 =	sshll.u32 s21, $0x7  }
0x82: {  	s31 =	sshrl.u32 s31, $0x2;
	s6 =	sand.u32 $0x3FFFFF80, s6  }
0x83: {  	s22 =	sadd.s32 $0x1, s29;
	s31 =	sor.u32 $0x4000, s31;
	s6 =	sadd.s32 s6, s17  }
0x84: {  	[tilespmem:s31], [sflag:s22] =	stream.indirect.gather [hbm4b:s0+s28], $0x80, s6, s28, $0xb8;
	[tilespmem:$0x1F800] =	vst v63  }
.LBB2_13:
0x85: {  	_ =	swait.ge [sflag:s10], $0x2800  }
0x86: {  	[sflag:s10] =	ssyncset.done $0x0  }
0x87: {  	[sflag:s10] =	ssyncadd.s32 $0xFFFFD800  }
0x88: {  	[bflag:$0x0] =	sbarrier.arrive $0xFFFF  }
0x89: {  	s6 =	rddreg [dreg:$0x9]  }
0x8a: {  	[hbm4b:s6+s1] =	stream.strided.scatter [tilespmem:s30], [sflag:$0x7], $0x2780, s2, s1, $0x38;
	[tilespmem:$0x1F800] =	vst v63  }
0x8b: {  	_ =	swait.ge [sflag:s25], $0x2780  }
0x8c: {  	[sflag:s25] =	ssyncset.done $0x0  }
0x8d: {  	s12 =	simm.s32 $0x4000;
	[sflag:s25] =	ssyncadd.s32 $0xFFFFD880  }
0x8e: {  	[tilespmem:s12], [sflag:$0x7] =	stream.linear.gather [spmem:s18], $0x2800, $0x38;
	[tilespmem:$0x1F800] =	vst v63  }
0x8f: {  	_ =	swait.ge [sflag:s25], $0x2800  }
0x90: {  	[sflag:s25] =	ssyncset.done $0x0  }
0x91: {  	s20 =	rddreg [dreg:$0xb];
	[sflag:s25] =	ssyncadd.s32 $0xFFFFD800  }
0x92: {  	[hbm4b:s20+s4] =	stream.linear.scatter [tilespmem:s12], [sflag:$0x1], $0x2800, $0x38;
	[tilespmem:$0x1F800] =	vst v63  }
0x93: {  	p1 =	sne.s32 s11, $0x3;
	s21 =	rddreg [dreg:$0xc]  }
0x94: {  	[tilespmem:s24], [sflag:$0x7] =	stream.linear.gather [spmem:s21], $0x2800, $0x38;
	[tilespmem:$0x1F800] =	vst v63  }
.Ltmp11:
0x95: {  	_ = 	snop;
	(pc) =	sbr.rel @!p1 .LBB2_14-.Ltmp11, $4  }
0x96: {  	s22 =	simm.s32 $0x4000;
	s31 =	simm.s32 $0x2;
	_ =	swait.ge [sflag:s25], $0x2800  }
0x97: {  	p0 =	por $0x0, $0x0;
	s20 =	sand.u32 $0x1, s31;
	[sflag:s25] =	ssyncset.done $0x0  }
0x98: {  	s21 =	simm.s32 $0x3;
	s29 =	rddreg [dreg:$0xd];
	[sflag:s25] =	ssyncadd.s32 $0xFFFFD800  }
0x99: {  	[hbm4b:s29+s4] =	stream.linear.scatter [tilespmem:s24], [sflag:$0x2], $0x2800, $0x38;
	[tilespmem:$0x1F800] =	vst v63  }
0x9a: {  	s13 =	sadd.s32 $0x1, s20;
	s6 =	smul.u32 $0xA000, s20  }
0x9b: {  	_ =	swait.ge [sflag:s13], $0x2800  }
0x9c: {  	s6 =	sshrl.u32 s6, $0x2;
	[sflag:s13] =	ssyncset.done $0x0  }
0x9d: {  	p1 =	sne.s32 s11, $0x4;
	s17 =	sor.u32 $0x4000, s6;
	[sflag:s13] =	ssyncadd.s32 $0xFFFFD800  }
0x9e: {  	[tilespmem:s17], [sflag:$0x7] =	stream.linear.gather [spmem:s23], $0x2800, $0x38;
	[tilespmem:$0x1F800] =	vst v63  }
.Ltmp12:
0x9f: {  	_ = 	snop;
	(pc) =	sbr.rel @!p1 .LBB2_17-.Ltmp12, $4  }
0xa0: {  	_ =	swait.ge [sflag:s25], $0x2800  }
0xa1: {  	s19 =	simm.s32 $0x4;
	s16 =	sadd.s32 $0x2800, s23;
	s12 =	rddreg [dreg:$0xe]  }
0xa2: {  	s20 =	sand.u32 $0x1, s21;
	p0 =	por $0x1, $0x1;
	s31 =	sshrl.u32 s12, $0x3  }
0xa3: {  	[sflag:s25] =	ssyncset.done $0x0;
	s12 =	sadd.s32 $0x2800, s12;
	s21 =	sadd.s32 s8, s31  }
.LBB2_16:
0xa4: {  	s6 =	smul.u32 $0xA000, s20  }
0xa5: {  	[sflag:s25] =	ssyncadd.s32 $0xFFFFD800;
	s29 =	smov.u32 s13;
	s13 =	sadd.s32 $0x1, s20  }
0xa6: {  	s20 =	smov.u32 s19;
	s31 =	smov.u32 s16;
	s19 =	sadd.s32 $0x1, s19  }
0xa7: {  	[hbm4b:s21+s4] =	stream.linear.scatter [tilespmem:s17], [sflag:s29], $0x2800, $0x38;
	[tilespmem:$0x1F800] =	vst v63  }
0xa8: {  	p1 =	sne.s32 s11, s19;
	_ =	swait.ge [sflag:s13], $0x2800;
	s6 =	sshrl.u32 s6, $0x2  }
.Ltmp13:
0xa9: {  	[sflag:s13] =	ssyncset.done $0x0;
	s17 =	sor.u32 $0x4000, s6;
	(pc) =	sbr.rel @p1 .LBB2_16-.Ltmp13, $4  }
0xaa: {  	s16 =	sadd.s32 $0x2800, s16;
	[sflag:s13] =	ssyncadd.s32 $0xFFFFD800  }
0xab: {  	[tilespmem:s17], [sflag:$0x7] =	stream.linear.gather [spmem:s31], $0x2800, $0x38;
	[tilespmem:$0x1F800] =	vst v63  }
0xac: {  	s6 =	sshrl.u32 s12, $0x3;
	s12 =	sadd.s32 $0x2800, s12;
	_ =	swait.ge [sflag:s25], $0x2800  }
0xad: {  	s20 =	sand.u32 $0x1, s20;
	s21 =	sadd.s32 s8, s6;
	[sflag:s25] =	ssyncset.done $0x0  }
.LBB2_17:
0xae: {  	s6 =	sadd.s32 $0x1, s20;
	s19 =	smul.u32 $0xA000, s20;
	[sflag:s25] =	ssyncadd.s32 @p0 $0xFFFFD800  }
0xaf: {  	[hbm4b:s21+s4] =	stream.linear.scatter @p0 [tilespmem:s17], [sflag:s13], $0x2800, $0x38;
	[tilespmem:$0x1F800] =	vst v63  }
0xb0: {  	_ =	swait.ge [sflag:s6], $0x2800  }
0xb1: {  	s20 =	sshrl.u32 s19, $0x2;
	[sflag:s6] =	ssyncset.done $0x0  }
0xb2: {  	s13 =	sor.u32 $0x4000, s20;
	[sflag:s6] =	ssyncadd.s32 $0xFFFFD800  }
0xb3: {  	[tilespmem:s13], [sflag:$0x7] =	stream.linear.gather [spmem:s16], $0x2800, $0x38;
	[tilespmem:$0x1F800] =	vst v63  }
0xb4: {  	_ =	swait.ge [sflag:s25], $0x2800  }
0xb5: {  	s12 =	sshrl.u32 s12, $0x3;
	[sflag:s25] =	ssyncset.done $0x0  }
0xb6: {  	s12 =	sadd.s32 s8, s12;
	s21 =	simm.s32 $0x1;
	[sflag:s25] =	ssyncadd.s32 $0xFFFFD800  }
0xb7: {  	[hbm4b:s12+s4] =	stream.linear.scatter [tilespmem:s13], [sflag:s6], $0x2800, $0x38;
	[tilespmem:$0x1F800] =	vst v63  }
0xb8: {  	_ =	swait.ge [sflag:s21], $0x2800  }
0xb9: {  	[sflag:s21] =	ssyncset.done $0x0  }
0xba: {  	s29 =	simm.s32 $0x2;
	[sflag:s21] =	ssyncadd.s32 $0xFFFFD800  }
0xbb: {  	_ =	swait.ge [sflag:s29], $0x2800  }
0xbc: {  	s7 =	sadd.s32 $0x1, s7;
	s31 =	rddreg [dreg:$0xa]  }
0xbd: {  	p0 =	sne.s32 s7, s31  }
.Ltmp14:
0xbe: {  	_ = 	snop;
	(pc) =	sbr.rel @p0 .LBB2_1-.Ltmp14, $4  }
.Ltmp15:
0xbf: {  	_ = 	snop;
	(pc) =	sbr.rel @!p0 .LBB2_18-.Ltmp15, $4  }
0xc0: {  	_ = 	snop  }
0xc1: {  	[sflag:s29] =	ssyncset.done $0x0  }
0xc2: {  	[sflag:s29] =	ssyncadd.s32 $0xFFFFD800  }
0xc3: {  	_ = 	snop  }
.LBB2_14:
.Ltmp16:
0xc4: {  	(pc) =	sbr.rel .LBB2_17-.Ltmp16, $2  }
0xc5: {  	_ =	sdelay $0x2  }
0xc6: {  	s16 =	smov.u32 s23;
	s12 =	rddreg [dreg:$0xe]  }
.LBB2_18:
0xc7: {  	_ =	sfence.sel $0x180000  }
0xc8: {  	[bflag:$0x0] =	sbarrier.arrive $0xFFFF  }
0xc9: {  	_ =	strace $0x90000047  }
0xca: {  	s0 =	stileid.u32;
	[bflag:$0x2] =	sbarrier.arrive $0xFFFF  }
0xcb: {  	p0 =	sne.s32 s0, $0x0;
	s0 =	rddreg [dreg:$0x4]  }
0xcc: {  	s0 =	sadd.s32 @!p0 $0x100000, s0  }
0xcd: {  	[sflag:s0] =	ssyncadd.tile.s32 @!p0 $0x1;
	_ =	shalt  }
.Lfunc_end2:
_tile_overlayer_lowered:
.L_overlay_start_2:
0xce: {  	(tag) =	ssettag $0x2  }
0xcf: {  	s0 =	rddreg [dreg:$0x0];
	s2 =	stileid.u32  }
0xd0: {  	s1 =	rddreg [dreg:$0x1];
	p0 =	sne.s32 s2, $0x0  }
0xd1: {  	s3 =	rddreg [dreg:$0x2];
	[bflag:$0x3] =	sbarrier.arrive $0xFFFF;
	s2 =	simm.s32 @!p0 $0x1C07  }
0xd2: {  	[timem:s3], [sflag:s2] =	dma.local @!p0 [hbm:s0], s1  }
0xd3: {  	s0 =	simm.s32 @!p0 $0x7  }
0xd4: {  	_ =	swait.ge @!p0 [sflag:s0], s1  }
0xd5: {  	s1 =	ssub.s32 @!p0 $0x0, s1;
	[sflag:s0] =	ssyncset.done @!p0 $0x0  }
0xd6: {  	[sflag:s0] =	ssyncadd.s32 @!p0 s1  }
0xd7: {  	[bflag:$0x3] =	sbarrier.arrive $0xFFFF  }
0xd8: {  	_ =	shalt  }

// kernel: kernel.9.cloned.1.call-start
scs
__scs_entry_jumppad:
0x0: {  	(pc) =	sbr.rel $0x88, $3  }
0x1: {  	(tag) =	ssettag $0x0;
	lr =	simm.s32 $0x1  }
0x2: {  	[smem:$0x3F99] =	sst lr;
	_ =	strace $0xD0000000  }
0x3: {  	_ = 	snop  }
0x4: {  	_ = 	snop  }
0x5: {  	_ = 	snop  }
0x6: {  	_ = 	snop  }
0x7: {  	_ = 	snop  }
__scs_overlays_trampoline_lowered:
0x8: {  	[smem:$0x3FA8] =	sst s0  }
0x9: {  	[smem:$0x3FA9] =	sst s1  }
0xa: {  	[smem:$0x3FAA] =	sst s2  }
0xb: {  	[smem:$0x3FAB] =	sst s3  }
0xc: {  	[smem:$0x3FAC] =	sst s4  }
0xd: {  	[smem:$0x3FAD] =	sst s5  }
0xe: {  	[smem:$0x3FAE] =	sst s6  }
0xf: {  	[smem:$0x3FAF] =	sst s7  }
0x10: {  	[smem:$0x3FB0] =	sst s8  }
0x11: {  	[smem:$0x3FB1] =	sst s9;
	s0 =	simm.s32 @!p0 $0x0  }
0x12: {  	s1 =	sld [smem:$0x3F97];
	s0 =	simm.s32 @p0 $0x1  }
0x13: {  	[smem:$0x3FB2] =	sst s0;
	s0 =	simm.s32 @!p1 $0x0  }
0x14: {  	s2 =	sld [smem:$0x3F96];
	s0 =	simm.s32 @p1 $0x1  }
0x15: {  	[smem:$0x3FB3] =	sst s0;
	s0 =	simm.s32 @!p2 $0x0  }
0x16: {  	s3 =	sld [smem:$0x3FDB];
	s0 =	simm.s32 @p2 $0x1  }
0x17: {  	s4 =	simm.s32 $0x1BF5;
	[smem:$0x3FB5] =	sst s0  }
0x18: {  	s0 =	sld [smem:$0x3F98];
	_ =	swait.ge [sflag:s4], $0x0  }
0x19: {  	s7 =	sld [smem:$0x3F99]  }
0x1a: {  	s8 =	sadd.s32 $0xFFFFE003, lr  }
0x1b: {  	s9 =	sadd.s32 $0xFFFFFEF7, lr;
	s5 =	simm.s32 $0xFFFFFFFF;
	p2 =	slt.u32 s8, $0xFFFFF086  }
0x1c: {  	p1 =	slt.u32 s9, $0xF7A;
	s5 =	simm.s32 @!p2 $0x0  }
0x1d: {  	s5 =	simm.s32 @p1 $0x1;
	p0 =	seq.s32 s7, s2  }
0x1e: {  	s7 =	smul.u32 @!p0 $0xF7A, s2;
	p2 =	seq.s32 @!p0 s5, $0x0  }
0x1f: {  	s9 =	smul.u32 $0xF7A, s1;
	s8 =	simm.s32 @!p0 $0x1BF5;
	p2 =	por !p2, p0  }
0x20: {  	[sflag:s8] =	ssyncset.s32 @!p0 $0xFFFFF086;
	s6 =	sadd.s32 @!p0 s3, s7;
	s7 =	simm.s32 @!p0 $0x108  }
0x21: {  	s3 =	sadd.s32 s3, s9;
	s6 =	sadd.s32 @!p0 $0x88, s6;
	s7 =	simm.s32 @p2 $0x1082  }
0x22: {  	[simem:s7], [sflag:s8] =	dma.local @!p0 [hbm:s6], $0xF7A  }
0x23: {  	s9 =	sor.u32 $0xD0000000, s2;
	s6 =	simm.s32 $0x108;
	_ =	swait.ge @!p0 [sflag:s8], $0x0  }
0x24: {  	s3 =	sadd.s32 $0x88, s3;
	s6 =	simm.s32 @!p1 $0x1082;
	[sflag:s4] =	ssyncset.s32 $0xFFFFF086  }
0x25: {  	[simem:s6], [sflag:s4] =	dma.local [hbm:s3], $0xF7A  }
0x26: {  	[smem:$0x3F99] =	sst s1;
	(tag) =	ssettag s2;
	_ =	strace s9  }
0x27: {  	s1 =	sld [smem:$0x3FA9]  }
0x28: {  	s2 =	sld [smem:$0x3FAA]  }
0x29: {  	s4 =	sld [smem:$0x3FAC]  }
0x2a: {  	p0 =	seq.s32 s5, $0x0;
	s5 =	sld [smem:$0x3FAD]  }
0x2b: {  	s6 =	sld [smem:$0x3FAE]  }
0x2c: {  	s7 =	sld [smem:$0x3FAF]  }
0x2d: {  	s3 =	simm.s32 $0x108;
	s8 =	sld [smem:$0x3FB0]  }
0x2e: {  	s3 =	simm.s32 @!p0 $0x1082;
	s9 =	sld [smem:$0x3FB1]  }
0x2f: {  	lr =	sadd.s32 s0, s3;
	s0 =	sld [smem:$0x3FA8]  }
0x30: {  	s3 =	sld [smem:$0x3FAB]  }
0x31: {  	[smem:$0x3FB4] =	sst s10  }
0x32: {  	s10 =	sld [smem:$0x3FB2];
	_ =	sdelay $0x3  }
0x33: {  	p0 =	seq.s32 s10, $0x1;
	s10 =	sld [smem:$0x3FB4];
	_ =	sdelay $0x3  }
0x34: {  	[smem:$0x3FB4] =	sst s10  }
0x35: {  	s10 =	sld [smem:$0x3FB3];
	_ =	sdelay $0x3  }
0x36: {  	p1 =	seq.s32 s10, $0x1;
	s10 =	sld [smem:$0x3FB4];
	_ =	sdelay $0x3  }
0x37: {  	[smem:$0x3FB4] =	sst s10  }
0x38: {  	s10 =	sld [smem:$0x3FB5]  }
0x39: {  	_ = 	snop;
	(pc) =	sbr.ind lr, $3  }
0x3a: {  	_ = 	snop  }
0x3b: {  	_ = 	snop  }
0x3c: {  	p2 =	seq.s32 s10, $0x1;
	s10 =	sld [smem:$0x3FB4]  }
0x3d: {  	_ =	shalt  }
0x3e: {  	_ =	shalt  }
0x3f: {  	_ =	shalt  }
0x40: {  	_ =	shalt  }
0x41: {  	_ =	shalt  }
0x42: {  	_ =	shalt  }
0x43: {  	_ =	shalt  }
0x44: {  	_ =	shalt  }
0x45: {  	_ =	shalt  }
0x46: {  	_ =	shalt  }
0x47: {  	_ =	shalt  }
0x48: {  	_ =	shalt  }
0x49: {  	_ =	shalt  }
0x4a: {  	_ =	shalt  }
0x4b: {  	_ =	shalt  }
0x4c: {  	_ =	shalt  }
0x4d: {  	_ =	shalt  }
0x4e: {  	_ =	shalt  }
0x4f: {  	_ =	shalt  }
0x50: {  	_ =	shalt  }
0x51: {  	_ =	shalt  }
0x52: {  	_ =	shalt  }
0x53: {  	_ =	shalt  }
0x54: {  	_ =	shalt  }
0x55: {  	_ =	shalt  }
0x56: {  	_ =	shalt  }
0x57: {  	_ =	shalt  }
0x58: {  	_ =	shalt  }
0x59: {  	_ =	shalt  }
0x5a: {  	_ =	shalt  }
0x5b: {  	_ =	shalt  }
0x5c: {  	_ =	shalt  }
0x5d: {  	_ =	shalt  }
0x5e: {  	_ =	shalt  }
0x5f: {  	_ =	shalt  }
0x60: {  	_ =	shalt  }
0x61: {  	_ =	shalt  }
0x62: {  	_ =	shalt  }
0x63: {  	_ =	shalt  }
0x64: {  	_ =	shalt  }
0x65: {  	_ =	shalt  }
0x66: {  	_ =	shalt  }
0x67: {  	_ =	shalt  }
0x68: {  	_ =	shalt  }
0x69: {  	_ =	shalt  }
0x6a: {  	_ =	shalt  }
0x6b: {  	_ =	shalt  }
0x6c: {  	_ =	shalt  }
0x6d: {  	_ =	shalt  }
0x6e: {  	_ =	shalt  }
0x6f: {  	_ =	shalt  }
0x70: {  	_ =	shalt  }
0x71: {  	_ =	shalt  }
0x72: {  	_ =	shalt  }
0x73: {  	_ =	shalt  }
0x74: {  	_ =	shalt  }
0x75: {  	_ =	shalt  }
0x76: {  	_ =	shalt  }
0x77: {  	_ =	shalt  }
0x78: {  	_ =	shalt  }
0x79: {  	_ =	shalt  }
0x7a: {  	_ =	shalt  }
0x7b: {  	_ =	shalt  }
0x7c: {  	_ =	shalt  }
0x7d: {  	_ =	shalt  }
0x7e: {  	_ =	shalt  }
0x7f: {  	_ =	shalt  }
0x80: {  	_ =	shalt  }
0x81: {  	_ =	shalt  }
0x82: {  	_ =	shalt  }
0x83: {  	_ =	shalt  }
0x84: {  	_ =	shalt  }
0x85: {  	_ =	shalt  }
0x86: {  	_ =	shalt  }
0x87: {  	_ =	shalt  }
.Lfunc_end0:
.L_simem_size_0:
called_computation.1_lowered:
.L_overlay_start_0:
0x88: {  	s2 =	sld [smem:$0x3FD9]  }
0x89: {  	s3 =	sld [smem:$0x3FFE];
	_ =	sdelay $0x1  }
0x8a: {  	s1 =	srdreg.scid  }
0x8b: {  	s0 =	sand.u32 $0x1, s1  }
0x8c: {  	s17 =	sshll.u32 s0, $0xA;
	s2 =	sadd.s32 s3, s2  }
0x8d: {  	s2 =	sadd.s32 s2, s17  }
0x8e: {  	[smem:$0x3FC0] =	sst s2  }
0x8f: {  	_ = 	snop  }
0x90: {  	s2 =	sld [smem:$0x3FD0];
	(tm) =	ssettm $0x1  }
0x91: {  	s18 =	sld [smem:$0x3FFB];
	_ =	sdelay $0x3  }
0x92: {  	_ =	strace s18  }
0x93: {  	s3 =	sld [smem:$0x3FFC];
	_ =	sdelay $0x3  }
0x94: {  	_ =	strace s3  }
0x95: {  	s3 =	sld [smem:$0x3FFD];
	_ =	sdelay $0x3  }
0x96: {  	_ =	strace s3  }
0x97: {  	_ =	strace $0x8FFFFFFF  }
0x98: {  	s19 =	sld [smem:$0x3FDB];
	_ =	sdelay $0x1  }
0x99: {  	s4 =	simm.s32 $_scs_section_size  }
0x9a: {  	s5 =	simm.s32 $_size__tile_overlayer_lowered;
	s6 =	simm.s32 $_tile_overlayer_lowered  }
0x9b: {  	s22 =	simm.s32 $0x1BFF;
	s21 =	sshll.u32 s6, $0x1;
	s3 =	sadd.s32 s4, s19  }
0x9c: {  	s7 =	simm.s32 $0x0;
	s20 =	sshll.u32 s5, $0x1;
	s5 =	sadd.s32 s21, s3  }
0x9d: {  	[timem:s7], [sflag:s22] =	dma.local [hbm:s5], s20  }
0x9e: {  	_ =	swait.ge [sflag:s22], s20  }
0x9f: {  	s4 =	ssub.s32 $0x0, s20;
	[sflag:s22] =	ssyncset.done $0x0  }
0xa0: {  	[sflag:s22] =	ssyncadd.s32 s4;
	_ =	sdelay $0x1  }
0xa1: {  	s23 =	simm.s32 $0x1B8B  }
0xa2: {  	_ =	swait.ge [sflag:s23], $0x1  }
0xa3: {  	[sflag:s23] =	ssyncset.done $0x0  }
0xa4: {  	s25 =	simm.s32 $0x1B8E;
	s24 =	sld [smem:$0x3FFE];
	[sflag:s23] =	ssyncadd.s32 $0xFFFFFFFF  }
0xa5: {  	s26 =	simm.s32 $execute0_lowered;
	[smem:$0x3FD2] =	sst s25  }
0xa6: {  	s5 =	sshll.u32 s26, $0x1;
	_ =	strace $0x80000049;
	[dreg:$0x1] =	wrdreg $0xFFFFFFFF  }
0xa7: {  	s28 =	simm.s32 $_size_execute0_lowered;
	s3 =	sadd.s32 s3, s5;
	[dreg:$0x0] =	wrdreg $0x0  }
0xa8: {  	s5 =	sshll.u32 s28, $0x1;
	[dreg:$0x2] =	wrdreg s3  }
0xa9: {  	[dreg:$0x3] =	wrdreg s5  }
0xaa: {  	[dreg:$0x4] =	wrdreg $0xC0  }
0xab: {  	_ =	task [dreg:s7], $0x5FFFF  }
0xac: {  	[dreg:$0x1] =	wrdreg $0xFFFFFFFF  }
0xad: {  	[dreg:$0x0] =	wrdreg $0x60  }
0xae: {  	[dreg:$0x2] =	wrdreg s2  }
0xaf: {  	[dreg:$0x3] =	wrdreg s24  }
0xb0: {  	[dreg:$0x4] =	wrdreg $0xB8000  }
0xb1: {  	[dreg:$0x5] =	wrdreg $0x9  }
0xb2: {  	_ =	task.clear_ibuf [dreg:s7], $0x6FFFF;
	_ =	strace $0x90000049  }
0xb3: {  	s29 =	simm.s32 $0x9;
	_ =	strace $0x8000004B  }
0xb4: {  	_ =	swait.ge [sflag:s29], $0x1  }
0xb5: {  	[sflag:s29] =	ssyncadd.s32 $0xFFFFFFFF  }
0xb6: {  	_ =	strace $0x9000004B  }
0xb7: {  	_ =	sfence  }
0xb8: {  	s30 =	sld [smem:$0x0];
	_ =	sdelay $0x2  }
0xb9: {  	s31 =	sshll.u32 s1, $0xD;
	s1 =	sshrl.u32 s1, $0x2  }
0xba: {  	s3 =	sand.u32 $0x4000, s31;
	s1 =	sadd.s32 s1, s30  }
0xbb: {  	s0 =	sor.u32 s3, s0;
	s1 =	sshll.u32 s1, $0x11  }
0xbc: {  	s0 =	sor.u32 s1, s0  }
0xbd: {  	s0 =	sadd.s32 $0x8F2B, s0  }
0xbe: {  	[sflag:s0] =	ssyncadd.remote.s32 $0x1  }
0xbf: {  	_ =	sfence.sel $0xFFFF  }
0xc0: {  	[dreg:$0x0] =	wrdreg $0xFFFFFFFF;
	(pc) =	sbr.abs _section_cstart, $3  }
0xc1: {  	[dreg:$0x1] =	wrdreg $0xFFFFFFFF  }
0xc2: {  	_ =	task.clear_ibuf [dreg:s7], $0x2FFFF;
	_ =	strace $0x9FFFFFFF  }
0xc3: {  	(tm) =	ssettm $0x7FFFFFFF  }
tec
execute0_lowered:
.L_overlay_start_1:
0x0: {  	(tag) =	ssettag $0x1  }
0x1: {  	s1 =	rddreg [dreg:$0x0]  }
0x2: {  	s0 =	rddreg [dreg:$0x1]  }
0x3: {  	s2 =	rddreg [dreg:$0x2];
	s3 =	simm.s32 $0x0  }
0x4: {  	s4 =	srdreg.scid;
	s11 =	stileid.u32;
	s20 =	simm.s32 $0x6800  }
0x5: {  	s21 =	simm.s32 $0x9;
	s28 =	simm.s32 $0x7;
	s29 =	simm.s32 $0x2  }
0x6: {  	s30 =	simm.s32 $0x0;
	[smem:$0x7FF] =	sst s3;
	s4 =	sand.u32 $0x1, s4  }
0x7: {  	s5 =	sadd.s32 $0x2800, s0;
	s7 =	sadd.s32 $0x2A800, s0;
	p0 =	seq.s32 s11, $0xF  }
0x8: {  	s23 =	smul.u32 $0x14000, s11;
	_ =	strace $0x8000004A;
	s6 =	sshll.u32 s4, $0x4  }
0x9: {  	[dreg:$0x4] =	wrdreg s7;
	s9 =	ssub.s32 $0x2, s4;
	s4 =	smul.u32 $0x138800, s4  }
0xa: {  	s7 =	sadd.s32 $0x2AE00, s0;
	s6 =	sor.u32 s11, s6;
	s11 =	smul.u32 $0x50000, s11  }
0xb: {  	s10 =	sshrl.u32 s9, $0x1;
	s25 =	sor.u32 $0x2800, s23;
	s8 =	smul.u32 $0x5000, s6  }
0xc: {  	s22 =	ssub.s32 s9, s10;
	s9 =	simm.s32 $0x5;
	s10 =	sadd.s32 s4, s23  }
0xd: {  	s4 =	sadd.s32 s4, s25;
	s23 =	simm.s32 $0x50;
	s9 =	simm.s32 @!p0 $0x8  }
0xe: {  	s24 =	smax.u32 s22, $0x1;
	s26 =	sshrl.u32 s11, $0x2;
	s31 =	sshrl.u32 s10, $0x3  }
0xf: {  	s4 =	sshrl.u32 s4, $0x3;
	s12 =	sshrl.u32 s8, $0x3;
	[dreg:$0x7] =	wrdreg s24  }
0x10: {  	s14 =	sadd.s32 s26, s2;
	s6 =	sadd.s32 s7, s31;
	s17 =	sadd.s32 s7, s4  }
0x11: {  	s4 =	sadd.s32 $0x5000, s10;
	s24 =	simm.s32 $0x4000;
	[dreg:$0x5] =	wrdreg s12  }
0x12: {  	s26 =	simm.s32 $0x1;
	s12 =	sadd.s32 s5, s12;
	[dreg:$0x8] =	wrdreg s6  }
0x13: {  	[dreg:$0x6] =	wrdreg s12;
	s12 =	sadd.s32 $0x16800, s0;
	s0 =	sadd.s32 s25, s2  }
0x14: {  	s19 =	sadd.s32 $0x5000, s14;
	s25 =	simm.s32 $0x6;
	[dreg:$0x9] =	wrdreg s0  }
.LBB2_1:
0x15: {  	s0 =	rddreg [dreg:$0x4];
	p0 =	sne.s32 s9, $0x1  }
0x16: {  	[tilespmem:s20], [sflag:$0x9] =	stream.linear.gather [hbm4b:s0+s3], $0x2800, $0x38;
	[tilespmem:$0x1F080] =	vst v63  }
.Ltmp0:
0x17: {  	_ = 	snop;
	(pc) =	sbr.rel @!p0 .LBB2_3-.Ltmp0, $4  }
0x18: {  	_ =	swait.ge [sflag:s21], $0x2800  }
0x19: {  	[sflag:s21] =	ssyncset.done $0x0  }
0x1a: {  	s6 =	smov.u32 s14;
	s0 =	sadd.s32 $0xFFFFFFFF, s9;
	[sflag:s21] =	ssyncadd.s32 $0xFFFFD800  }
0x1b: {  	[spmem:s14] =	stream.linear.scatter [tilespmem:s20], [sflag:$0x6], $0x2800, $0x38;
	[tilespmem:$0x1F080] =	vst v63  }
.LBB2_2:
0x1c: {  	p1 =	sne.s32 s0, $0x1  }
.Ltmp1:
0x1d: {  	_ = 	snop;
	(pc) =	sbr.rel @p1 .LBB2_2-.Ltmp1, $3  }
0x1e: {  	_ = 	snop  }
0x1f: {  	s0 =	sadd.s32 $0xFFFFFFFF, s0;
	s6 =	sadd.s32 $0x2800, s6;
	_ =	sdelay $0x1  }
0x20: {  	[spmem:s6] =	stream.linear.scatter [tilespmem:s20], [sflag:$0x6], $0x2800, $0x38;
	[tilespmem:$0x1F080] =	vst v63  }
.LBB2_3:
0x21: {  	s0 =	rddreg [dreg:$0x6]  }
0x22: {  	[tilespmem:s3], [sflag:$0x9] =	stream.linear.gather [hbm4b:s0+s3], $0xC80, $0x38;
	[tilespmem:$0x1F080] =	vst v63  }
0x23: {  	_ =	swait.ge [sflag:s21], $0xC80  }
0x24: {  	[sflag:s21] =	ssyncset.done $0x0;
	s31 =	rddreg [dreg:$0x5]  }
0x25: {  	s6 =	simm.s32 $0x2000;
	[sflag:s21] =	ssyncadd.s32 $0xFFFFF380;
	s0 =	sadd.s32 s31, s12  }
0x26: {  	[tilespmem:s6], [sflag:$0x9] =	stream.linear.gather [hbm4b:s0+s3], $0xC80, $0x38;
	[tilespmem:$0x1F080] =	vst v63  }
0x27: {  	_ =	swait.ge [sflag:s21], $0xC80  }
.Ltmp2:
0x28: {  	[sflag:s21] =	ssyncset.done $0x0;
	(pc) =	sbr.rel @!p0 .LBB2_5-.Ltmp2, $4  }
0x29: {  	[sflag:s21] =	ssyncadd.s32 $0xFFFFF380  }
0x2a: {  	[tilespmem:s24], [sflag:$0x1] =	stream.indirect.gather [hbm4b:s1+s23], $0x80, s3, s23, $0xb8;
	[tilespmem:$0x1F080] =	vst v63  }
0x2b: {  	_ =	swait.ge [sflag:s25], $0x2800  }
0x2c: {  	s0 =	sadd.s32 $0xFFFFFFFF, s9;
	[sflag:s25] =	ssyncset.done $0x0  }
.LBB2_4:
0x2d: {  	p0 =	sne.s32 s0, $0x1;
	s0 =	sadd.s32 $0xFFFFFFFF, s0;
	[sflag:s25] =	ssyncadd.s32 $0xFFFFD800  }
.Ltmp3:
0x2e: {  	(pc) =	sbr.rel @p0 .LBB2_4-.Ltmp3, $3  }
0x2f: {  	_ =	sdelay $0x1  }
0x30: {  	_ =	swait.ge [sflag:s25], $0x2800  }
0x31: {  	[sflag:s25] =	ssyncset.done $0x0  }
.LBB2_5:
0x32: {  	[sflag:s25] =	ssyncadd.s32 $0xFFFFD800  }
0x33: {  	s31 =	simm.s32 $0x0;
	[bflag:$0x0] =	sbarrier.arrive $0xFFFF  }
.LBB2_7:
0x34: {  	p0 =	seq.s32 s31, $0x0  }
0x35: {  	s0 =	sadd.s32 @!p0 $0x5, s31  }
0x36: {  	s6 =	sand.u32 @!p0 $0xFF, s0  }
0x37: {  	s10 =	sadd.s32 @!p0 $0x4, s31;
	s6 =	smul.u32 @!p0 $0xAB, s6  }
0x38: {  	s11 =	sand.u32 @!p0 $0xFF, s10  }
0x39: {  	s11 =	smul.u32 @!p0 $0xAB, s11;
	s6 =	sshrl.u32 @!p0 s6, $0x9  }
0x3a: {  	s6 =	smul.u32 @!p0 $0x3, s6;
	_ =	sdelay $0x1  }
0x3b: {  	s0 =	ssub.s32 @!p0 s0, s6;
	s6 =	sshrl.u32 @!p0 s11, $0x9  }
0x3c: {  	s0 =	sand.u32 @!p0 $0xFF, s0;
	s6 =	smul.u32 @!p0 $0x3, s6  }
0x3d: {  	s0 =	sadd.s32 @!p0 $0x6, s0  }
0x3e: {  	_ =	swait.ge @!p0 [sflag:s0], $0x2800;
	s6 =	ssub.s32 @!p0 s10, s6  }
0x3f: {  	[sflag:s0] =	ssyncset.done @!p0 $0x0;
	s6 =	sand.u32 @!p0 $0xFF, s6  }
0x40: {  	[sflag:s0] =	ssyncadd.s32 @!p0 $0xFFFFD800;
	s0 =	sadd.s32 @!p0 $0x6, s6  }
0x41: {  	_ =	swait.ge @!p0 [sflag:s0], $0x2800  }
0x42: {  	[sflag:s0] =	ssyncset.done @!p0 $0x0  }
0x43: {  	p1 =	seq.s32 @!p0 s31, $0x4;
	[sflag:s0] =	ssyncadd.s32 @!p0 $0xFFFFD800;
	s0 =	simm.s32 @!p0 $0x4  }
0x44: {  	p1 =	por p0, !p1;
	_ =	swait.ge @!p0 [sflag:s0], $0xC80  }
.Ltmp4:
0x45: {  	[sflag:s0] =	ssyncset.done @!p0 $0x0;
	(pc) =	sbr.rel @!p1 .LBB2_9-.Ltmp4, $4  }
0x46: {  	[sflag:s0] =	ssyncadd.s32 @!p0 $0xFFFFF380;
	s0 =	simm.s32 @!p0 $0x5  }
0x47: {  	_ =	swait.ge @!p0 [sflag:s0], $0xC80  }
0x48: {  	[sflag:s0] =	ssyncset.done @!p0 $0x0  }
0x49: {  	s6 =	sand.u32 $0x1, s31;
	[sflag:s0] =	ssyncadd.s32 @!p0 $0xFFFFF380  }
0x4a: {  	s0 =	sadd.s32 @!p0 $0x1, s31  }
0x4b: {  	s0 =	simm.s32 @p0 $0x1  }
0x4c: {  	s10 =	sshll.u32 s0, $0xC  }
0x4d: {  	s10 =	sadd.s32 s8, s10  }
.Ltmp5:
0x4e: {  	s11 =	sshll.u32 s6, $0xC;
	s13 =	sshrl.u32 s10, $0x3;
	(pc) =	sbr.rel @p0 .LBB2_10-.Ltmp5, $4  }
0x4f: {  	s18 =	sxor.u32 $0x1000, s11;
	s10 =	simm.s32 $0x0;
	s22 =	sadd.s32 s5, s13  }
0x50: {  	[tilespmem:s18], [sflag:$0x4] =	stream.linear.gather [hbm4b:s22+s10], $0xC80, $0x38;
	[tilespmem:$0x1F080] =	vst v63  }
0x51: {  	s11 =	sxor.u32 $0x3000, s11;
	s13 =	sadd.s32 s12, s13  }
0x52: {  	[tilespmem:s11], [sflag:$0x5] =	stream.linear.gather [hbm4b:s13+s10], $0xC80, $0x38;
	[tilespmem:$0x1F080] =	vst v63  }
.LBB2_9:
0x53: {  	s10 =	sadd.s32 $0xFFFFFFFD, s31  }
0x54: {  	s11 =	smin.u32 s31, s10  }
0x55: {  	s10 =	smul.u32 $0xA000, s11;
	_ =	sdelay $0x1  }
0x56: {  	s13 =	sshra.s32 s10, $0x2;
	s10 =	sshll.u32 s6, $0xE  }
0x57: {  	s11 =	sadd.s32 $0x1, s11;
	s18 =	sadd.s32 $0x4000, s13;
	s22 =	sshrl.u32 s10, $0x2  }
0x58: {  	[tilespmem:s18], [sflag:s11] =	stream.indirect.gather [hbm4b:s1+s23], $0x80, s22, s23, $0xb8;
	[tilespmem:$0x1F080] =	vst v63  }
.LBB2_10:
0x59: {  	s18 =	sshrl.u32 s10, $0x2  }
0x5a: {  	s6 =	simm.s32 $0x0;
	s22 =	sor.u32 $0x2000, s18  }
.LBB2_11:
0x5b: {  	s11 =	sadd.s32 s31, s6  }
0x5c: {  	s10 =	sadd.s32 $0x1, s11  }
0x5d: {  	s13 =	smulhi.u32 $0xAAAAAAAB, s10;
	_ =	sdelay $0x1  }
0x5e: {  	s13 =	sshrl.u32 s13, $0x1  }
0x5f: {  	s13 =	smul.u32 $0x3, s13;
	_ =	sdelay $0x1  }
0x60: {  	p0 =	slt.u32 s6, $0x2;
	s10 =	ssub.s32 s10, s13  }
0x61: {  	s13 =	sadd.s32 @!p0 $0x6, s10  }
0x62: {  	_ =	swait.ge @!p0 [sflag:s13], $0x2800  }
0x63: {  	p1 =	seq.s32 @!p0 s6, $0x18;
	[sflag:s13] =	ssyncset.done @!p0 $0x0  }
0x64: {  	p1 =	por p0, !p1;
	[sflag:s13] =	ssyncadd.s32 @!p0 $0xFFFFD800;
	s13 =	simm.s32 @!p0 $0x19  }
0x65: {  	s15 =	smul.u32 @p1 $0xA000, s10;
	s13 =	sadd.s32 @p1 $0x1, s6  }
0x66: {  	s16 =	sshll.u32 @p1 s13, $0x7  }
0x67: {  	s15 =	sshra.s32 @p1 s15, $0x2;
	s16 =	sand.u32 @p1 $0x3FFFFF80, s16  }
0x68: {  	s10 =	sadd.s32 @p1 $0x1, s10;
	s15 =	sadd.s32 @p1 $0x4000, s15;
	s16 =	sadd.s32 @p1 s16, s18  }
0x69: {  	[tilespmem:s15], [sflag:s10] =	stream.indirect.gather @p1 [hbm4b:s1+s23], $0x80, s16, s23, $0xb8;
	[tilespmem:$0x1F080] =	vst v63  }
0x6a: {  	s15 =	smulhi.u32 $0xAAAAAAAB, s11;
	_ =	sdelay $0x1  }
0x6b: {  	s10 =	sshrl.u32 s15, $0x1  }
0x6c: {  	s10 =	smul.u32 $0x3, s10;
	_ =	sdelay $0x1  }
0x6d: {  	s6 =	sshll.u32 s6, $0x7;
	s10 =	ssub.s32 s11, s10  }
0x6e: {  	p0 =	slt.u32 s13, $0x19;
	s11 =	sadd.s32 $0x1, s10;
	s16 =	smul.u32 $0xA000, s10  }
.Ltmp6:
0x6f: {  	s6 =	sand.u32 $0x3FFFFF80, s6;
	_ =	swait.ge [sflag:s11], $0x2800;
	(pc) =	sbr.rel @p0 .LBB2_11-.Ltmp6, $4  }
0x70: {  	s6 =	sadd.s32 s6, s22;
	[sflag:s11] =	ssyncset.done $0x0;
	s16 =	sshra.s32 s16, $0x2  }
0x71: {  	s10 =	sadd.s32 $0x6, s10;
	[sflag:s11] =	ssyncadd.s32 $0xFFFFD800;
	s11 =	sadd.s32 $0x4000, s16  }
0x72: {  	[spmem:s2] =	stream.indirect.scatter.add.f32 [tilespmem:s11], [sflag:s10], $0x80, s6, s23, $0xb8;
	[tilespmem:$0x1F080] =	vst v63  }
0x73: {  	s6 =	smov.u32 s13  }
0x74: {  	p0 =	sgt.u32 s0, $0x4  }
.Ltmp7:
0x75: {  	_ = 	snop;
	(pc) =	sbr.rel @!p0 .LBB2_7-.Ltmp7, $2  }
0x76: {  	_ =	sdelay $0x2  }
0x77: {  	s31 =	smov.u32 s0  }
0x78: {  	_ =	swait.ge [sflag:s28], $0x2800  }
0x79: {  	[sflag:s28] =	ssyncset.done $0x0  }
0x7a: {  	[sflag:s28] =	ssyncadd.s32 $0xFFFFD800  }
0x7b: {  	_ =	swait.ge [sflag:s25], $0x2800  }
0x7c: {  	[sflag:s25] =	ssyncset.done $0x0  }
0x7d: {  	[sflag:s25] =	ssyncadd.s32 $0xFFFFD800  }
0x7e: {  	[bflag:$0x0] =	sbarrier.arrive $0xFFFF  }
0x7f: {  	[tilespmem:s24], [sflag:$0x9] =	stream.linear.gather [spmem:s14], $0x2800, $0x38;
	[tilespmem:$0x1F080] =	vst v63  }
0x80: {  	_ =	swait.ge [sflag:s21], $0x2800  }
0x81: {  	[sflag:s21] =	ssyncset.done $0x0  }
0x82: {  	s0 =	rddreg [dreg:$0x8];
	[sflag:s21] =	ssyncadd.s32 $0xFFFFD800  }
0x83: {  	[hbm4b:s0+s3] =	stream.linear.scatter [tilespmem:s24], [sflag:$0x1], $0x2800, $0x38;
	[tilespmem:$0x1F080] =	vst v63  }
0x84: {  	p1 =	sne.s32 s9, $0x3;
	s22 =	rddreg [dreg:$0x9]  }
0x85: {  	[tilespmem:s20], [sflag:$0x9] =	stream.linear.gather [spmem:s22], $0x2800, $0x38;
	[tilespmem:$0x1F080] =	vst v63  }
.Ltmp8:
0x86: {  	_ = 	snop;
	(pc) =	sbr.rel @!p1 .LBB2_13-.Ltmp8, $4  }
0x87: {  	_ =	swait.ge [sflag:s21], $0x2800  }
0x88: {  	s31 =	simm.s32 $0x2;
	s10 =	simm.s32 $0x3;
	[sflag:s21] =	ssyncset.done $0x0  }
0x89: {  	p0 =	por $0x0, $0x0;
	s11 =	sand.u32 $0x1, s31;
	[sflag:s21] =	ssyncadd.s32 $0xFFFFD800  }
0x8a: {  	[hbm4b:s17+s3] =	stream.linear.scatter [tilespmem:s20], [sflag:$0x2], $0x2800, $0x38;
	[tilespmem:$0x1F080] =	vst v63  }
0x8b: {  	s0 =	sadd.s32 $0x1, s11;
	s6 =	smul.u32 $0xA000, s11;
	p1 =	sne.s32 s9, $0x4  }
0x8c: {  	s31 =	sadd.s32 $0x2800, s19;
	s13 =	sshrl.u32 s4, $0x3;
	_ =	swait.ge [sflag:s0], $0x2800  }
.Ltmp9:
0x8d: {  	s11 =	sshrl.u32 s6, $0x2;
	[sflag:s0] =	ssyncset.done $0x0;
	(pc) =	sbr.rel @!p1 .LBB2_16-.Ltmp9, $4  }
0x8e: {  	s18 =	sadd.s32 $0x2800, s4;
	s22 =	sor.u32 $0x4000, s11;
	[sflag:s0] =	ssyncadd.s32 $0xFFFFD800  }
0x8f: {  	[tilespmem:s22], [sflag:$0x9] =	stream.linear.gather [spmem:s19], $0x2800, $0x38;
	[tilespmem:$0x1F080] =	vst v63  }
0x90: {  	p0 =	por $0x1, $0x1;
	s13 =	sadd.s32 s7, s13;
	_ =	swait.ge [sflag:s21], $0x2800  }
0x91: {  	s6 =	simm.s32 $0x4;
	s11 =	sand.u32 $0x1, s10;
	[sflag:s21] =	ssyncset.done $0x0  }
.LBB2_15:
0x92: {  	s10 =	smul.u32 $0xA000, s11  }
0x93: {  	[sflag:s21] =	ssyncadd.s32 $0xFFFFD800;
	s15 =	smov.u32 s0;
	s0 =	sadd.s32 $0x1, s11  }
0x94: {  	s11 =	smov.u32 s6;
	s16 =	smov.u32 s31;
	s6 =	sadd.s32 $0x1, s6  }
0x95: {  	[hbm4b:s13+s3] =	stream.linear.scatter [tilespmem:s22], [sflag:s15], $0x2800, $0x38;
	[tilespmem:$0x1F080] =	vst v63  }
0x96: {  	p1 =	sne.s32 s9, s6;
	_ =	swait.ge [sflag:s0], $0x2800;
	s10 =	sshrl.u32 s10, $0x2  }
.Ltmp10:
0x97: {  	[sflag:s0] =	ssyncset.done $0x0;
	s22 =	sor.u32 $0x4000, s10;
	(pc) =	sbr.rel @p1 .LBB2_15-.Ltmp10, $4  }
0x98: {  	s31 =	sadd.s32 $0x2800, s31;
	[sflag:s0] =	ssyncadd.s32 $0xFFFFD800  }
0x99: {  	[tilespmem:s22], [sflag:$0x9] =	stream.linear.gather [spmem:s16], $0x2800, $0x38;
	[tilespmem:$0x1F080] =	vst v63  }
0x9a: {  	s10 =	sshrl.u32 s18, $0x3;
	s18 =	sadd.s32 $0x2800, s18;
	_ =	swait.ge [sflag:s21], $0x2800  }
0x9b: {  	s11 =	sand.u32 $0x1, s11;
	s13 =	sadd.s32 s7, s10;
	[sflag:s21] =	ssyncset.done $0x0  }
.LBB2_16:
0x9c: {  	s6 =	sadd.s32 $0x1, s11;
	s10 =	smul.u32 $0xA000, s11;
	[sflag:s21] =	ssyncadd.s32 @p0 $0xFFFFD800  }
0x9d: {  	[hbm4b:s13+s3] =	stream.linear.scatter @p0 [tilespmem:s22], [sflag:s0], $0x2800, $0x38;
	[tilespmem:$0x1F080] =	vst v63  }
0x9e: {  	_ =	swait.ge [sflag:s6], $0x2800  }
0x9f: {  	s16 =	sshrl.u32 s10, $0x2;
	[sflag:s6] =	ssyncset.done $0x0  }
0xa0: {  	s0 =	sor.u32 $0x4000, s16;
	[sflag:s6] =	ssyncadd.s32 $0xFFFFD800  }
0xa1: {  	[tilespmem:s0], [sflag:$0x9] =	stream.linear.gather [spmem:s31], $0x2800, $0x38;
	[tilespmem:$0x1F080] =	vst v63  }
0xa2: {  	_ =	swait.ge [sflag:s21], $0x2800  }
0xa3: {  	s22 =	sshrl.u32 s18, $0x3;
	[sflag:s21] =	ssyncset.done $0x0  }
0xa4: {  	s10 =	sadd.s32 s7, s22;
	[sflag:s21] =	ssyncadd.s32 $0xFFFFD800  }
0xa5: {  	[hbm4b:s10+s3] =	stream.linear.scatter [tilespmem:s0], [sflag:s6], $0x2800, $0x38;
	[tilespmem:$0x1F080] =	vst v63  }
0xa6: {  	_ =	swait.ge [sflag:s26], $0x2800  }
0xa7: {  	[sflag:s26] =	ssyncset.done $0x0  }
0xa8: {  	[sflag:s26] =	ssyncadd.s32 $0xFFFFD800  }
0xa9: {  	_ =	swait.ge [sflag:s29], $0x2800  }
0xaa: {  	s30 =	sadd.s32 $0x1, s30;
	s31 =	rddreg [dreg:$0x7]  }
0xab: {  	p0 =	sne.s32 s30, s31  }
.Ltmp11:
0xac: {  	_ = 	snop;
	(pc) =	sbr.rel @p0 .LBB2_1-.Ltmp11, $4  }
.Ltmp12:
0xad: {  	_ = 	snop;
	(pc) =	sbr.rel @!p0 .LBB2_17-.Ltmp12, $4  }
0xae: {  	_ = 	snop  }
0xaf: {  	[sflag:s29] =	ssyncset.done $0x0  }
0xb0: {  	[sflag:s29] =	ssyncadd.s32 $0xFFFFD800  }
0xb1: {  	_ = 	snop  }
.LBB2_13:
.Ltmp13:
0xb2: {  	(pc) =	sbr.rel .LBB2_16-.Ltmp13, $2  }
0xb3: {  	_ =	sdelay $0x2  }
0xb4: {  	s31 =	smov.u32 s19;
	s18 =	smov.u32 s4  }
.LBB2_17:
0xb5: {  	_ =	sfence.sel $0x180000  }
0xb6: {  	[bflag:$0x0] =	sbarrier.arrive $0xFFFF  }
0xb7: {  	_ =	strace $0x9000004A  }
0xb8: {  	s0 =	stileid.u32;
	[bflag:$0x2] =	sbarrier.arrive $0xFFFF  }
0xb9: {  	p0 =	sne.s32 s0, $0x0;
	s0 =	rddreg [dreg:$0x3]  }
0xba: {  	s0 =	sadd.s32 @!p0 $0x100000, s0  }
0xbb: {  	[sflag:s0] =	ssyncadd.tile.s32 @!p0 $0x1;
	_ =	shalt  }
.Lfunc_end2:
_tile_overlayer_lowered:
.L_overlay_start_2:
0xbc: {  	(tag) =	ssettag $0x2  }
0xbd: {  	s0 =	rddreg [dreg:$0x0];
	s2 =	stileid.u32  }
0xbe: {  	s1 =	rddreg [dreg:$0x1];
	p0 =	sne.s32 s2, $0x0  }
0xbf: {  	s3 =	rddreg [dreg:$0x2];
	[bflag:$0x3] =	sbarrier.arrive $0xFFFF;
	s2 =	simm.s32 @!p0 $0x1C09  }
0xc0: {  	[timem:s3], [sflag:s2] =	dma.local @!p0 [hbm:s0], s1  }
0xc1: {  	s0 =	simm.s32 @!p0 $0x9  }
0xc2: {  	_ =	swait.ge @!p0 [sflag:s0], s1  }
0xc3: {  	s1 =	ssub.s32 @!p0 $0x0, s1;
	[sflag:s0] =	ssyncset.done @!p0 $0x0  }
0xc4: {  	[sflag:s0] =	ssyncadd.s32 @!p0 s1  }
0xc5: {  	[bflag:$0x3] =	sbarrier.arrive $0xFFFF  }
0xc6: {  	_ =	shalt  }

</sc_bundles>
